<compile_context>
chip_gen: v7x
topology: tpu7x:2x2x1
jax: 0.10.2.dev20260603
libtpu: 0.0.44.dev20260713+nightly
codegen_flags: <defaults>
</compile_context>

<pallas_src>
import functools

import jax
import jax.numpy as jnp
from jax import lax
from jax.experimental import pallas as pl
from jax.experimental.pallas import tpu as pltpu
from jax.experimental.pallas import tpu_sc as plsc

NC = 2
NS = 16
NW = NC * NS
CW = 3584


def _mesh():
    return plsc.VectorSubcoreMesh(
        core_axis_name="c", subcore_axis_name="s",
        num_cores=NC, num_subcores=NS)


@jax.jit
def _linearize(table_t, tail_p):
    n_coords, n_boxes = table_t.shape
    tcols = -(-n_boxes // 128)
    tc_per_w = -(-tcols // NW)
    slab = tc_per_w * 128
    n_chunks = -(-slab // CW)
    aligned = (n_boxes // 128) * 128
    stride = aligned + (128 if n_boxes > aligned else 0)

    @functools.partial(
        pl.kernel,
        out_type=jax.ShapeDtypeStruct((n_coords * stride,), jnp.float32),
        mesh=_mesh(),
        scratch_types=[
            pltpu.VMEM((n_coords, CW), jnp.float32),
            pltpu.VMEM((n_coords, 128), jnp.float32),
            pltpu.SemaphoreType.DMA,
        ],
    )
    def k(table_hbm, tail_hbm, out_hbm, buf_v, tbuf_v, sem0):
        w = lax.axis_index("s") * NC + lax.axis_index("c")
        base = w * slab
        hi = aligned - CW

        def body(j, _):
            off = jnp.minimum(base + j * CW, hi)
            off = pl.multiple_of(off, 128)
            pltpu.sync_copy(table_hbm.at[:, pl.ds(off, CW)], buf_v)
            copies = [
                pltpu.async_copy(
                    buf_v.at[r], out_hbm.at[pl.ds(r * stride + off, CW)],
                    sem0)
                for r in range(n_coords)
            ]
            for c in copies:
                c.wait()
            return 0
        lax.fori_loop(0, n_chunks, body, 0)
        if stride > aligned:
            @pl.when(w == NW - 1)
            def _():
                pltpu.sync_copy(tail_hbm, tbuf_v)
                copies = [
                    pltpu.async_copy(
                        tbuf_v.at[r],
                        out_hbm.at[pl.ds(r * stride + aligned, 128)], sem0)
                    for r in range(n_coords)
                ]
                for c in copies:
                    c.wait()

    return k(table_t, tail_p)


@jax.jit
def _gather(ids, table_lin2d):
    n_coords = table_lin2d.shape[0]
    batch = ids.shape[0]

    @functools.partial(
        pl.kernel,
        out_type=jax.ShapeDtypeStruct((n_coords * batch,), jnp.float32),
        mesh=_mesh(),
        scratch_types=[
            pltpu.VMEM((batch,), jnp.int32),
            pltpu.VMEM((batch,), jnp.float32),
            pltpu.SemaphoreType.DMA,
        ],
        compiler_params=pltpu.CompilerParams(use_tc_tiling_on_sc=False),
    )
    def k(ids_hbm, table_hbm, out_hbm, idx_v, o_v, sem):
        w = lax.axis_index("s") * NC + lax.axis_index("c")
        pltpu.sync_copy(ids_hbm, idx_v)
        pltpu.async_copy(table_hbm.at[w].at[idx_v], o_v, sem).wait()
        pltpu.sync_copy(o_v, out_hbm.at[pl.ds(w * batch, batch)])

    return k(ids, table_lin2d)


def kernel(ids, boxes):
    num_models, num_boxes, two, dim = boxes.shape
    batch = ids.shape[0]
    n_coords = num_models * two * dim
    table_t = jnp.transpose(boxes, (0, 2, 3, 1)).reshape(n_coords, num_boxes)
    aligned = (num_boxes // 128) * 128
    stride = aligned + (128 if num_boxes > aligned else 0)
    tail_p = jnp.pad(table_t[:, aligned:], ((0, 0), (0, stride - num_boxes)))
    table_lin = _linearize(table_t, tail_p).reshape(n_coords, stride)
    out_flat = _gather(ids, table_lin)
    return out_flat.reshape(num_models, two, dim, batch).transpose(0, 3, 1, 2)

# --- scband reference (transcript-rebuilt; emitter-appended) ---
"""Pipeline reference for scband-unit-boxes-14525579395667 (READ-ONLY COPY).

The authoritative reference and input builder live on the scoring server;
editing this copy changes nothing except your own understanding.
"""

import jax, jax.numpy as jnp
import numpy as np

NUM_MODELS = 1
NUM_BOXES = 1000000
DIM = 16
INIT_MIN_VOL = 0.01
BATCH = 16384


def setup_inputs(seed: int = 0) -> dict:
    key = jax.random.key(seed)
    k_ids, k_z, k_Z = jax.random.split(key, 3)
    ids = jax.random.randint(k_ids, (BATCH,), 0, NUM_BOXES, dtype=jnp.int64 if jax.config.jax_enable_x64 else jnp.int32).astype(jnp.int32)
    # UnitBoxes init with init_min_vol > 0
    eps = INIT_MIN_VOL ** (1.0 / DIM)
    z = jax.random.uniform(k_z, (NUM_MODELS, NUM_BOXES, DIM), dtype=jnp.float32) * (1.0 - eps)
    Z = z + eps + jax.random.uniform(k_Z, (NUM_MODELS, NUM_BOXES, DIM), dtype=jnp.float32) * (1.0 - (z + eps))
    boxes = jnp.stack((z, Z), axis=2)  # (num_models, num_boxes, 2, dim)
    return {"ids": ids, "boxes": boxes}


def reference(ids, boxes):
    # UnitBoxes.forward: self.boxes[:, ids]
    # gather along box axis -> (num_models, batch, 2, dim)
    return jnp.take(boxes, ids, axis=1)

if __name__ == "__main__":
    import jax
    _d = setup_inputs()
    print(jax.jit(kernel)(*tuple(_d.values())))

</pallas_src>

<mosaic_0001>
#map = affine_map<(d0, d1) -> (0, 0)>
#map1 = affine_map<(d0, d1) -> (0)>
module attributes {stable_mosaic.version = 14 : i64} {
  func.func @k(%arg0: i32, %arg1: i32, %arg2: memref<32x1000000xf32, #tpu.memory_space<hbm>>, %arg3: memref<32x128xf32, #tpu.memory_space<hbm>>, %arg4: memref<32002048xf32, #tpu.memory_space<hbm>>, %arg5: memref<32x3584xf32, #tpu.memory_space<vmem>>, %arg6: memref<32x128xf32, #tpu.memory_space<vmem>>, %arg7: memref<!tpu.dma_semaphore, #tpu.memory_space<semaphore_mem>>) attributes {dimension_semantics = [#tpu.dimension_semantics<core_parallel>, #tpu.dimension_semantics<subcore_parallel>], iteration_bounds = array<i64: 2, 16>, scalar_prefetch = 0 : i64, scratch_operands = 3 : i64, tpu.core_type = #tpu.core_type<sc_vector_subcore>, window_params = [{transform_indices = #map}, {transform_indices = #map}, {transform_indices = #map1}]} {
    %mul3A = arith.constant 2 : i32
    %mul3A_0 = arith.muli %arg1, %mul3A : i32
    %add3A = arith.addi %mul3A_0, %arg0 : i32
    %mul3A_1 = arith.constant 31360 : i32
    %mul3A_2 = arith.muli %add3A, %mul3A_1 : i32
    %scan3A = arith.constant 0 : i32
    %scan3A_3 = arith.constant 0 : i32
    %scan3A_4 = arith.constant 9 : i32
    %scan3A_5 = arith.addi %scan3A_3, %scan3A_4 : i32
    %scan3A_6 = arith.constant 1 : i32
    %scan3A_7 = scf.for %scan3A_11 = %scan3A_3 to %scan3A_5 step %scan3A_6 iter_args(%scan3A_12 = %scan3A) -> (i32)  : i32 {
      %mul3A_13 = arith.constant 3584 : i32
      %mul3A_14 = arith.muli %scan3A_11, %mul3A_13 : i32
      %add3A_15 = arith.addi %mul3A_2, %mul3A_14 : i32
      %min3A = arith.constant 996352 : i32
      %min3A_16 = arith.minsi %add3A_15, %min3A : i32
      %multiple_of3A = tpu.assume_multiple %min3A_16, 128 : i32
      "tpu.region"() ({
        %run_scoped3A = tpu.sem_alloc : memref<!tpu.dma_semaphore, #tpu.memory_space<semaphore_mem>>
        %dma_start3A_656 = arith.constant 0 : i32
        %dma_start3A_657 = tpu.memref_slice %arg2[%dma_start3A_656, %multiple_of3A] : memref<32x1000000xf32, #tpu.memory_space<hbm>> -> memref<32x3584xf32, #tpu.memory_space<hbm>>
        %dma_start3A_658 = arith.constant 0 : i32
        %dma_start3A_659 = tpu.memref_slice %arg2[%dma_start3A_658, %multiple_of3A] : memref<32x1000000xf32, #tpu.memory_space<hbm>> -> memref<32x3584xf32, #tpu.memory_space<hbm>>
        tpu.enqueue_dma source(%dma_start3A_659 : memref<32x3584xf32, #tpu.memory_space<hbm>>) target(%arg5 : memref<32x3584xf32, #tpu.memory_space<vmem>>) target_semaphore(%run_scoped3A : memref<!tpu.dma_semaphore, #tpu.memory_space<semaphore_mem>>)
        %dma_wait3A_660 = arith.constant 0 : i32
        %dma_wait3A_661 = tpu.memref_slice %arg2[%dma_wait3A_660, %multiple_of3A] : memref<32x1000000xf32, #tpu.memory_space<hbm>> -> memref<32x3584xf32, #tpu.memory_space<hbm>>
        %dma_wait3A_662 = arith.constant 0 : i32
        %dma_wait3A_663 = tpu.memref_slice %arg2[%dma_wait3A_662, %multiple_of3A] : memref<32x1000000xf32, #tpu.memory_space<hbm>> -> memref<32x3584xf32, #tpu.memory_space<hbm>>
        tpu.wait_dma2 semaphore(%run_scoped3A : memref<!tpu.dma_semaphore, #tpu.memory_space<semaphore_mem>>) src(%dma_wait3A_663 : memref<32x3584xf32, #tpu.memory_space<hbm>>) dst(%arg5 : memref<32x3584xf32, #tpu.memory_space<vmem>>)
        tpu.yield
      }) : () -> ()
      %add3A_17 = arith.constant 0 : i32
      %add3A_18 = arith.addi %add3A_17, %multiple_of3A : i32
      %dma_start3A = arith.constant 0 : i32
      %dma_start3A_19 = arith.constant 0 : i32
      %dma_start3A_20 = tpu.memref_slice %arg5[%dma_start3A, %dma_start3A_19] : memref<32x3584xf32, #tpu.memory_space<vmem>> -> memref<1x3584xf32, #tpu.memory_space<vmem>>
      %dma_start3A_21 = tpu.memref_squeeze %dma_start3A_20 : memref<1x3584xf32, #tpu.memory_space<vmem>> -> memref<3584xf32, #tpu.memory_space<vmem>>
      %dma_start3A_22 = tpu.memref_slice %arg4[%add3A_18] : memref<32002048xf32, #tpu.memory_space<hbm>> -> memref<3584xf32, #tpu.memory_space<hbm>>
      %dma_start3A_23 = tpu.memref_slice %arg4[%add3A_18] : memref<32002048xf32, #tpu.memory_space<hbm>> -> memref<3584xf32, #tpu.memory_space<hbm>>
      %dma_start3A_24 = arith.constant 0 : i32
      %dma_start3A_25 = tpu.memref_slice %arg5[%dma_start3A, %dma_start3A_24] : memref<32x3584xf32, #tpu.memory_space<vmem>> -> memref<1x3584xf32, #tpu.memory_space<vmem>>
      %dma_start3A_26 = tpu.memref_squeeze %dma_start3A_25 : memref<1x3584xf32, #tpu.memory_space<vmem>> -> memref<3584xf32, #tpu.memory_space<vmem>>
      tpu.enqueue_dma source(%dma_start3A_26 : memref<3584xf32, #tpu.memory_space<vmem>>) target(%dma_start3A_23 : memref<3584xf32, #tpu.memory_space<hbm>>) target_semaphore(%arg7 : memref<!tpu.dma_semaphore, #tpu.memory_space<semaphore_mem>>)
      %add3A_27 = arith.constant 1000064 : i32
      %add3A_28 = arith.addi %add3A_27, %multiple_of3A : i32
      %dma_start3A_29 = arith.constant 1 : i32
      %dma_start3A_30 = arith.constant 0 : i32
      %dma_start3A_31 = tpu.memref_slice %arg5[%dma_start3A_29, %dma_start3A_30] : memref<32x3584xf32, #tpu.memory_space<vmem>> -> memref<1x3584xf32, #tpu.memory_space<vmem>>
      %dma_start3A_32 = tpu.memref_squeeze %dma_start3A_31 : memref<1x3584xf32, #tpu.memory_space<vmem>> -> memref<3584xf32, #tpu.memory_space<vmem>>
      %dma_start3A_33 = tpu.memref_slice %arg4[%add3A_28] : memref<32002048xf32, #tpu.memory_space<hbm>> -> memref<3584xf32, #tpu.memory_space<hbm>>
      %dma_start3A_34 = tpu.memref_slice %arg4[%add3A_28] : memref<32002048xf32, #tpu.memory_space<hbm>> -> memref<3584xf32, #tpu.memory_space<hbm>>
      %dma_start3A_35 = arith.constant 0 : i32
      %dma_start3A_36 = tpu.memref_slice %arg5[%dma_start3A_29, %dma_start3A_35] : memref<32x3584xf32, #tpu.memory_space<vmem>> -> memref<1x3584xf32, #tpu.memory_space<vmem>>
      %dma_start3A_37 = tpu.memref_squeeze %dma_start3A_36 : memref<1x3584xf32, #tpu.memory_space<vmem>> -> memref<3584xf32, #tpu.memory_space<vmem>>
      tpu.enqueue_dma source(%dma_start3A_37 : memref<3584xf32, #tpu.memory_space<vmem>>) target(%dma_start3A_34 : memref<3584xf32, #tpu.memory_space<hbm>>) target_semaphore(%arg7 : memref<!tpu.dma_semaphore, #tpu.memory_space<semaphore_mem>>)
      %add3A_38 = arith.constant 2000128 : i32
      %add3A_39 = arith.addi %add3A_38, %multiple_of3A : i32
      %dma_start3A_40 = arith.constant 2 : i32
      %dma_start3A_41 = arith.constant 0 : i32
      %dma_start3A_42 = tpu.memref_slice %arg5[%dma_start3A_40, %dma_start3A_41] : memref<32x3584xf32, #tpu.memory_space<vmem>> -> memref<1x3584xf32, #tpu.memory_space<vmem>>
      %dma_start3A_43 = tpu.memref_squeeze %dma_start3A_42 : memref<1x3584xf32, #tpu.memory_space<vmem>> -> memref<3584xf32, #tpu.memory_space<vmem>>
      %dma_start3A_44 = tpu.memref_slice %arg4[%add3A_39] : memref<32002048xf32, #tpu.memory_space<hbm>> -> memref<3584xf32, #tpu.memory_space<hbm>>
      %dma_start3A_45 = tpu.memref_slice %arg4[%add3A_39] : memref<32002048xf32, #tpu.memory_space<hbm>> -> memref<3584xf32, #tpu.memory_space<hbm>>
      %dma_start3A_46 = arith.constant 0 : i32
      %dma_start3A_47 = tpu.memref_slice %arg5[%dma_start3A_40, %dma_start3A_46] : memref<32x3584xf32, #tpu.memory_space<vmem>> -> memref<1x3584xf32, #tpu.memory_space<vmem>>
      %dma_start3A_48 = tpu.memref_squeeze %dma_start3A_47 : memref<1x3584xf32, #tpu.memory_space<vmem>> -> memref<3584xf32, #tpu.memory_space<vmem>>
      tpu.enqueue_dma source(%dma_start3A_48 : memref<3584xf32, #tpu.memory_space<vmem>>) target(%dma_start3A_45 : memref<3584xf32, #tpu.memory_space<hbm>>) target_semaphore(%arg7 : memref<!tpu.dma_semaphore, #tpu.memory_space<semaphore_mem>>)
      %add3A_49 = arith.constant 3000192 : i32
      %add3A_50 = arith.addi %add3A_49, %multiple_of3A : i32
      %dma_start3A_51 = arith.constant 3 : i32
      %dma_start3A_52 = arith.constant 0 : i32
      %dma_start3A_53 = tpu.memref_slice %arg5[%dma_start3A_51, %dma_start3A_52] : memref<32x3584xf32, #tpu.memory_space<vmem>> -> memref<1x3584xf32, #tpu.memory_space<vmem>>
      %dma_start3A_54 = tpu.memref_squeeze %dma_start3A_53 : memref<1x3584xf32, #tpu.memory_space<vmem>> -> memref<3584xf32, #tpu.memory_space<vmem>>
      %dma_start3A_55 = tpu.memref_slice %arg4[%add3A_50] : memref<32002048xf32, #tpu.memory_space<hbm>> -> memref<3584xf32, #tpu.memory_space<hbm>>
      %dma_start3A_56 = tpu.memref_slice %arg4[%add3A_50] : memref<32002048xf32, #tpu.memory_space<hbm>> -> memref<3584xf32, #tpu.memory_space<hbm>>
      %dma_start3A_57 = arith.constant 0 : i32
      %dma_start3A_58 = tpu.memref_slice %arg5[%dma_start3A_51, %dma_start3A_57] : memref<32x3584xf32, #tpu.memory_space<vmem>> -> memref<1x3584xf32, #tpu.memory_space<vmem>>
      %dma_start3A_59 = tpu.memref_squeeze %dma_start3A_58 : memref<1x3584xf32, #tpu.memory_space<vmem>> -> memref<3584xf32, #tpu.memory_space<vmem>>
      tpu.enqueue_dma source(%dma_start3A_59 : memref<3584xf32, #tpu.memory_space<vmem>>) target(%dma_start3A_56 : memref<3584xf32, #tpu.memory_space<hbm>>) target_semaphore(%arg7 : memref<!tpu.dma_semaphore, #tpu.memory_space<semaphore_mem>>)
      %add3A_60 = arith.constant 4000256 : i32
      %add3A_61 = arith.addi %add3A_60, %multiple_of3A : i32
      %dma_start3A_62 = arith.constant 4 : i32
      %dma_start3A_63 = arith.constant 0 : i32
      %dma_start3A_64 = tpu.memref_slice %arg5[%dma_start3A_62, %dma_start3A_63] : memref<32x3584xf32, #tpu.memory_space<vmem>> -> memref<1x3584xf32, #tpu.memory_space<vmem>>
      %dma_start3A_65 = tpu.memref_squeeze %dma_start3A_64 : memref<1x3584xf32, #tpu.memory_space<vmem>> -> memref<3584xf32, #tpu.memory_space<vmem>>
      %dma_start3A_66 = tpu.memref_slice %arg4[%add3A_61] : memref<32002048xf32, #tpu.memory_space<hbm>> -> memref<3584xf32, #tpu.memory_space<hbm>>
      %dma_start3A_67 = tpu.memref_slice %arg4[%add3A_61] : memref<32002048xf32, #tpu.memory_space<hbm>> -> memref<3584xf32, #tpu.memory_space<hbm>>
      %dma_start3A_68 = arith.constant 0 : i32
      %dma_start3A_69 = tpu.memref_slice %arg5[%dma_start3A_62, %dma_start3A_68] : memref<32x3584xf32, #tpu.memory_space<vmem>> -> memref<1x3584xf32, #tpu.memory_space<vmem>>
      %dma_start3A_70 = tpu.memref_squeeze %dma_start3A_69 : memref<1x3584xf32, #tpu.memory_space<vmem>> -> memref<3584xf32, #tpu.memory_space<vmem>>
      tpu.enqueue_dma source(%dma_start3A_70 : memref<3584xf32, #tpu.memory_space<vmem>>) target(%dma_start3A_67 : memref<3584xf32, #tpu.memory_space<hbm>>) target_semaphore(%arg7 : memref<!tpu.dma_semaphore, #tpu.memory_space<semaphore_mem>>)
      %add3A_71 = arith.constant 5000320 : i32
      %add3A_72 = arith.addi %add3A_71, %multiple_of3A : i32
      %dma_start3A_73 = arith.constant 5 : i32
      %dma_start3A_74 = arith.constant 0 : i32
      %dma_start3A_75 = tpu.memref_slice %arg5[%dma_start3A_73, %dma_start3A_74] : memref<32x3584xf32, #tpu.memory_space<vmem>> -> memref<1x3584xf32, #tpu.memory_space<vmem>>
      %dma_start3A_76 = tpu.memref_squeeze %dma_start3A_75 : memref<1x3584xf32, #tpu.memory_space<vmem>> -> memref<3584xf32, #tpu.memory_space<vmem>>
      %dma_start3A_77 = tpu.memref_slice %arg4[%add3A_72] : memref<32002048xf32, #tpu.memory_space<hbm>> -> memref<3584xf32, #tpu.memory_space<hbm>>
      %dma_start3A_78 = tpu.memref_slice %arg4[%add3A_72] : memref<32002048xf32, #tpu.memory_space<hbm>> -> memref<3584xf32, #tpu.memory_space<hbm>>
      %dma_start3A_79 = arith.constant 0 : i32
      %dma_start3A_80 = tpu.memref_slice %arg5[%dma_start3A_73, %dma_start3A_79] : memref<32x3584xf32, #tpu.memory_space<vmem>> -> memref<1x3584xf32, #tpu.memory_space<vmem>>
      %dma_start3A_81 = tpu.memref_squeeze %dma_start3A_80 : memref<1x3584xf32, #tpu.memory_space<vmem>> -> memref<3584xf32, #tpu.memory_space<vmem>>
      tpu.enqueue_dma source(%dma_start3A_81 : memref<3584xf32, #tpu.memory_space<vmem>>) target(%dma_start3A_78 : memref<3584xf32, #tpu.memory_space<hbm>>) target_semaphore(%arg7 : memref<!tpu.dma_semaphore, #tpu.memory_space<semaphore_mem>>)
      %add3A_82 = arith.constant 6000384 : i32
      %add3A_83 = arith.addi %add3A_82, %multiple_of3A : i32
      %dma_start3A_84 = arith.constant 6 : i32
      %dma_start3A_85 = arith.constant 0 : i32
      %dma_start3A_86 = tpu.memref_slice %arg5[%dma_start3A_84, %dma_start3A_85] : memref<32x3584xf32, #tpu.memory_space<vmem>> -> memref<1x3584xf32, #tpu.memory_space<vmem>>
      %dma_start3A_87 = tpu.memref_squeeze %dma_start3A_86 : memref<1x3584xf32, #tpu.memory_space<vmem>> -> memref<3584xf32, #tpu.memory_space<vmem>>
      %dma_start3A_88 = tpu.memref_slice %arg4[%add3A_83] : memref<32002048xf32, #tpu.memory_space<hbm>> -> memref<3584xf32, #tpu.memory_space<hbm>>
      %dma_start3A_89 = tpu.memref_slice %arg4[%add3A_83] : memref<32002048xf32, #tpu.memory_space<hbm>> -> memref<3584xf32, #tpu.memory_space<hbm>>
      %dma_start3A_90 = arith.constant 0 : i32
      %dma_start3A_91 = tpu.memref_slice %arg5[%dma_start3A_84, %dma_start3A_90] : memref<32x3584xf32, #tpu.memory_space<vmem>> -> memref<1x3584xf32, #tpu.memory_space<vmem>>
      %dma_start3A_92 = tpu.memref_squeeze %dma_start3A_91 : memref<1x3584xf32, #tpu.memory_space<vmem>> -> memref<3584xf32, #tpu.memory_space<vmem>>
      tpu.enqueue_dma source(%dma_start3A_92 : memref<3584xf32, #tpu.memory_space<vmem>>) target(%dma_start3A_89 : memref<3584xf32, #tpu.memory_space<hbm>>) target_semaphore(%arg7 : memref<!tpu.dma_semaphore, #tpu.memory_space<semaphore_mem>>)
      %add3A_93 = arith.constant 7000448 : i32
      %add3A_94 = arith.addi %add3A_93, %multiple_of3A : i32
      %dma_start3A_95 = arith.constant 7 : i32
      %dma_start3A_96 = arith.constant 0 : i32
      %dma_start3A_97 = tpu.memref_slice %arg5[%dma_start3A_95, %dma_start3A_96] : memref<32x3584xf32, #tpu.memory_space<vmem>> -> memref<1x3584xf32, #tpu.memory_space<vmem>>
      %dma_start3A_98 = tpu.memref_squeeze %dma_start3A_97 : memref<1x3584xf32, #tpu.memory_space<vmem>> -> memref<3584xf32, #tpu.memory_space<vmem>>
      %dma_start3A_99 = tpu.memref_slice %arg4[%add3A_94] : memref<32002048xf32, #tpu.memory_space<hbm>> -> memref<3584xf32, #tpu.memory_space<hbm>>
      %dma_start3A_100 = tpu.memref_slice %arg4[%add3A_94] : memref<32002048xf32, #tpu.memory_space<hbm>> -> memref<3584xf32, #tpu.memory_space<hbm>>
      %dma_start3A_101 = arith.constant 0 : i32
      %dma_start3A_102 = tpu.memref_slice %arg5[%dma_start3A_95, %dma_start3A_101] : memref<32x3584xf32, #tpu.memory_space<vmem>> -> memref<1x3584xf32, #tpu.memory_space<vmem>>
      %dma_start3A_103 = tpu.memref_squeeze %dma_start3A_102 : memref<1x3584xf32, #tpu.memory_space<vmem>> -> memref<3584xf32, #tpu.memory_space<vmem>>
      tpu.enqueue_dma source(%dma_start3A_103 : memref<3584xf32, #tpu.memory_space<vmem>>) target(%dma_start3A_100 : memref<3584xf32, #tpu.memory_space<hbm>>) target_semaphore(%arg7 : memref<!tpu.dma_semaphore, #tpu.memory_space<semaphore_mem>>)
      %add3A_104 = arith.constant 8000512 : i32
      %add3A_105 = arith.addi %add3A_104, %multiple_of3A : i32
      %dma_start3A_106 = arith.constant 8 : i32
      %dma_start3A_107 = arith.constant 0 : i32
      %dma_start3A_108 = tpu.memref_slice %arg5[%dma_start3A_106, %dma_start3A_107] : memref<32x3584xf32, #tpu.memory_space<vmem>> -> memref<1x3584xf32, #tpu.memory_space<vmem>>
      %dma_start3A_109 = tpu.memref_squeeze %dma_start3A_108 : memref<1x3584xf32, #tpu.memory_space<vmem>> -> memref<3584xf32, #tpu.memory_space<vmem>>
      %dma_start3A_110 = tpu.memref_slice %arg4[%add3A_105] : memref<32002048xf32, #tpu.memory_space<hbm>> -> memref<3584xf32, #tpu.memory_space<hbm>>
      %dma_start3A_111 = tpu.memref_slice %arg4[%add3A_105] : memref<32002048xf32, #tpu.memory_space<hbm>> -> memref<3584xf32, #tpu.memory_space<hbm>>
      %dma_start3A_112 = arith.constant 0 : i32
      %dma_start3A_113 = tpu.memref_slice %arg5[%dma_start3A_106, %dma_start3A_112] : memref<32x3584xf32, #tpu.memory_space<vmem>> -> memref<1x3584xf32, #tpu.memory_space<vmem>>
      %dma_start3A_114 = tpu.memref_squeeze %dma_start3A_113 : memref<1x3584xf32, #tpu.memory_space<vmem>> -> memref<3584xf32, #tpu.memory_space<vmem>>
      tpu.enqueue_dma source(%dma_start3A_114 : memref<3584xf32, #tpu.memory_space<vmem>>) target(%dma_start3A_111 : memref<3584xf32, #tpu.memory_space<hbm>>) target_semaphore(%arg7 : memref<!tpu.dma_semaphore, #tpu.memory_space<semaphore_mem>>)
      %add3A_115 = arith.constant 9000576 : i32
      %add3A_116 = arith.addi %add3A_115, %multiple_of3A : i32
      %dma_start3A_117 = arith.constant 9 : i32
      %dma_start3A_118 = arith.constant 0 : i32
      %dma_start3A_119 = tpu.memref_slice %arg5[%dma_start3A_117, %dma_start3A_118] : memref<32x3584xf32, #tpu.memory_space<vmem>> -> memref<1x3584xf32, #tpu.memory_space<vmem>>
      %dma_start3A_120 = tpu.memref_squeeze %dma_start3A_119 : memref<1x3584xf32, #tpu.memory_space<vmem>> -> memref<3584xf32, #tpu.memory_space<vmem>>
      %dma_start3A_121 = tpu.memref_slice %arg4[%add3A_116] : memref<32002048xf32, #tpu.memory_space<hbm>> -> memref<3584xf32, #tpu.memory_space<hbm>>
      %dma_start3A_122 = tpu.memref_slice %arg4[%add3A_116] : memref<32002048xf32, #tpu.memory_space<hbm>> -> memref<3584xf32, #tpu.memory_space<hbm>>
      %dma_start3A_123 = arith.constant 0 : i32
      %dma_start3A_124 = tpu.memref_slice %arg5[%dma_start3A_117, %dma_start3A_123] : memref<32x3584xf32, #tpu.memory_space<vmem>> -> memref<1x3584xf32, #tpu.memory_space<vmem>>
      %dma_start3A_125 = tpu.memref_squeeze %dma_start3A_124 : memref<1x3584xf32, #tpu.memory_space<vmem>> -> memref<3584xf32, #tpu.memory_space<vmem>>
      tpu.enqueue_dma source(%dma_start3A_125 : memref<3584xf32, #tpu.memory_space<vmem>>) target(%dma_start3A_122 : memref<3584xf32, #tpu.memory_space<hbm>>) target_semaphore(%arg7 : memref<!tpu.dma_semaphore, #tpu.memory_space<semaphore_mem>>)
      %add3A_126 = arith.constant 10000640 : i32
      %add3A_127 = arith.addi %add3A_126, %multiple_of3A : i32
      %dma_start3A_128 = arith.constant 10 : i32
      %dma_start3A_129 = arith.constant 0 : i32
      %dma_start3A_130 = tpu.memref_slice %arg5[%dma_start3A_128, %dma_start3A_129] : memref<32x3584xf32, #tpu.memory_space<vmem>> -> memref<1x3584xf32, #tpu.memory_space<vmem>>
      %dma_start3A_131 = tpu.memref_squeeze %dma_start3A_130 : memref<1x3584xf32, #tpu.memory_space<vmem>> -> memref<3584xf32, #tpu.memory_space<vmem>>
      %dma_start3A_132 = tpu.memref_slice %arg4[%add3A_127] : memref<32002048xf32, #tpu.memory_space<hbm>> -> memref<3584xf32, #tpu.memory_space<hbm>>
      %dma_start3A_133 = tpu.memref_slice %arg4[%add3A_127] : memref<32002048xf32, #tpu.memory_space<hbm>> -> memref<3584xf32, #tpu.memory_space<hbm>>
      %dma_start3A_134 = arith.constant 0 : i32
      %dma_start3A_135 = tpu.memref_slice %arg5[%dma_start3A_128, %dma_start3A_134] : memref<32x3584xf32, #tpu.memory_space<vmem>> -> memref<1x3584xf32, #tpu.memory_space<vmem>>
      %dma_start3A_136 = tpu.memref_squeeze %dma_start3A_135 : memref<1x3584xf32, #tpu.memory_space<vmem>> -> memref<3584xf32, #tpu.memory_space<vmem>>
      tpu.enqueue_dma source(%dma_start3A_136 : memref<3584xf32, #tpu.memory_space<vmem>>) target(%dma_start3A_133 : memref<3584xf32, #tpu.memory_space<hbm>>) target_semaphore(%arg7 : memref<!tpu.dma_semaphore, #tpu.memory_space<semaphore_mem>>)
      %add3A_137 = arith.constant 11000704 : i32
      %add3A_138 = arith.addi %add3A_137, %multiple_of3A : i32
      %dma_start3A_139 = arith.constant 11 : i32
      %dma_start3A_140 = arith.constant 0 : i32
      %dma_start3A_141 = tpu.memref_slice %arg5[%dma_start3A_139, %dma_start3A_140] : memref<32x3584xf32, #tpu.memory_space<vmem>> -> memref<1x3584xf32, #tpu.memory_space<vmem>>
      %dma_start3A_142 = tpu.memref_squeeze %dma_start3A_141 : memref<1x3584xf32, #tpu.memory_space<vmem>> -> memref<3584xf32, #tpu.memory_space<vmem>>
      %dma_start3A_143 = tpu.memref_slice %arg4[%add3A_138] : memref<32002048xf32, #tpu.memory_space<hbm>> -> memref<3584xf32, #tpu.memory_space<hbm>>
      %dma_start3A_144 = tpu.memref_slice %arg4[%add3A_138] : memref<32002048xf32, #tpu.memory_space<hbm>> -> memref<3584xf32, #tpu.memory_space<hbm>>
      %dma_start3A_145 = arith.constant 0 : i32
      %dma_start3A_146 = tpu.memref_slice %arg5[%dma_start3A_139, %dma_start3A_145] : memref<32x3584xf32, #tpu.memory_space<vmem>> -> memref<1x3584xf32, #tpu.memory_space<vmem>>
      %dma_start3A_147 = tpu.memref_squeeze %dma_start3A_146 : memref<1x3584xf32, #tpu.memory_space<vmem>> -> memref<3584xf32, #tpu.memory_space<vmem>>
      tpu.enqueue_dma source(%dma_start3A_147 : memref<3584xf32, #tpu.memory_space<vmem>>) target(%dma_start3A_144 : memref<3584xf32, #tpu.memory_space<hbm>>) target_semaphore(%arg7 : memref<!tpu.dma_semaphore, #tpu.memory_space<semaphore_mem>>)
      %add3A_148 = arith.constant 12000768 : i32
      %add3A_149 = arith.addi %add3A_148, %multiple_of3A : i32
      %dma_start3A_150 = arith.constant 12 : i32
      %dma_start3A_151 = arith.constant 0 : i32
      %dma_start3A_152 = tpu.memref_slice %arg5[%dma_start3A_150, %dma_start3A_151] : memref<32x3584xf32, #tpu.memory_space<vmem>> -> memref<1x3584xf32, #tpu.memory_space<vmem>>
      %dma_start3A_153 = tpu.memref_squeeze %dma_start3A_152 : memref<1x3584xf32, #tpu.memory_space<vmem>> -> memref<3584xf32, #tpu.memory_space<vmem>>
      %dma_start3A_154 = tpu.memref_slice %arg4[%add3A_149] : memref<32002048xf32, #tpu.memory_space<hbm>> -> memref<3584xf32, #tpu.memory_space<hbm>>
      %dma_start3A_155 = tpu.memref_slice %arg4[%add3A_149] : memref<32002048xf32, #tpu.memory_space<hbm>> -> memref<3584xf32, #tpu.memory_space<hbm>>
      %dma_start3A_156 = arith.constant 0 : i32
      %dma_start3A_157 = tpu.memref_slice %arg5[%dma_start3A_150, %dma_start3A_156] : memref<32x3584xf32, #tpu.memory_space<vmem>> -> memref<1x3584xf32, #tpu.memory_space<vmem>>
      %dma_start3A_158 = tpu.memref_squeeze %dma_start3A_157 : memref<1x3584xf32, #tpu.memory_space<vmem>> -> memref<3584xf32, #tpu.memory_space<vmem>>
      tpu.enqueue_dma source(%dma_start3A_158 : memref<3584xf32, #tpu.memory_space<vmem>>) target(%dma_start3A_155 : memref<3584xf32, #tpu.memory_space<hbm>>) target_semaphore(%arg7 : memref<!tpu.dma_semaphore, #tpu.memory_space<semaphore_mem>>)
      %add3A_159 = arith.constant 13000832 : i32
      %add3A_160 = arith.addi %add3A_159, %multiple_of3A : i32
      %dma_start3A_161 = arith.constant 13 : i32
      %dma_start3A_162 = arith.constant 0 : i32
      %dma_start3A_163 = tpu.memref_slice %arg5[%dma_start3A_161, %dma_start3A_162] : memref<32x3584xf32, #tpu.memory_space<vmem>> -> memref<1x3584xf32, #tpu.memory_space<vmem>>
      %dma_start3A_164 = tpu.memref_squeeze %dma_start3A_163 : memref<1x3584xf32, #tpu.memory_space<vmem>> -> memref<3584xf32, #tpu.memory_space<vmem>>
      %dma_start3A_165 = tpu.memref_slice %arg4[%add3A_160] : memref<32002048xf32, #tpu.memory_space<hbm>> -> memref<3584xf32, #tpu.memory_space<hbm>>
      %dma_start3A_166 = tpu.memref_slice %arg4[%add3A_160] : memref<32002048xf32, #tpu.memory_space<hbm>> -> memref<3584xf32, #tpu.memory_space<hbm>>
      %dma_start3A_167 = arith.constant 0 : i32
      %dma_start3A_168 = tpu.memref_slice %arg5[%dma_start3A_161, %dma_start3A_167] : memref<32x3584xf32, #tpu.memory_space<vmem>> -> memref<1x3584xf32, #tpu.memory_space<vmem>>
      %dma_start3A_169 = tpu.memref_squeeze %dma_start3A_168 : memref<1x3584xf32, #tpu.memory_space<vmem>> -> memref<3584xf32, #tpu.memory_space<vmem>>
      tpu.enqueue_dma source(%dma_start3A_169 : memref<3584xf32, #tpu.memory_space<vmem>>) target(%dma_start3A_166 : memref<3584xf32, #tpu.memory_space<hbm>>) target_semaphore(%arg7 : memref<!tpu.dma_semaphore, #tpu.memory_space<semaphore_mem>>)
      %add3A_170 = arith.constant 14000896 : i32
      %add3A_171 = arith.addi %add3A_170, %multiple_of3A : i32
      %dma_start3A_172 = arith.constant 14 : i32
      %dma_start3A_173 = arith.constant 0 : i32
      %dma_start3A_174 = tpu.memref_slice %arg5[%dma_start3A_172, %dma_start3A_173] : memref<32x3584xf32, #tpu.memory_space<vmem>> -> memref<1x3584xf32, #tpu.memory_space<vmem>>
      %dma_start3A_175 = tpu.memref_squeeze %dma_start3A_174 : memref<1x3584xf32, #tpu.memory_space<vmem>> -> memref<3584xf32, #tpu.memory_space<vmem>>
      %dma_start3A_176 = tpu.memref_slice %arg4[%add3A_171] : memref<32002048xf32, #tpu.memory_space<hbm>> -> memref<3584xf32, #tpu.memory_space<hbm>>
      %dma_start3A_177 = tpu.memref_slice %arg4[%add3A_171] : memref<32002048xf32, #tpu.memory_space<hbm>> -> memref<3584xf32, #tpu.memory_space<hbm>>
      %dma_start3A_178 = arith.constant 0 : i32
      %dma_start3A_179 = tpu.memref_slice %arg5[%dma_start3A_172, %dma_start3A_178] : memref<32x3584xf32, #tpu.memory_space<vmem>> -> memref<1x3584xf32, #tpu.memory_space<vmem>>
      %dma_start3A_180 = tpu.memref_squeeze %dma_start3A_179 : memref<1x3584xf32, #tpu.memory_space<vmem>> -> memref<3584xf32, #tpu.memory_space<vmem>>
      tpu.enqueue_dma source(%dma_start3A_180 : memref<3584xf32, #tpu.memory_space<vmem>>) target(%dma_start3A_177 : memref<3584xf32, #tpu.memory_space<hbm>>) target_semaphore(%arg7 : memref<!tpu.dma_semaphore, #tpu.memory_space<semaphore_mem>>)
      %add3A_181 = arith.constant 15000960 : i32
      %add3A_182 = arith.addi %add3A_181, %multiple_of3A : i32
      %dma_start3A_183 = arith.constant 15 : i32
      %dma_start3A_184 = arith.constant 0 : i32
      %dma_start3A_185 = tpu.memref_slice %arg5[%dma_start3A_183, %dma_start3A_184] : memref<32x3584xf32, #tpu.memory_space<vmem>> -> memref<1x3584xf32, #tpu.memory_space<vmem>>
      %dma_start3A_186 = tpu.memref_squeeze %dma_start3A_185 : memref<1x3584xf32, #tpu.memory_space<vmem>> -> memref<3584xf32, #tpu.memory_space<vmem>>
      %dma_start3A_187 = tpu.memref_slice %arg4[%add3A_182] : memref<32002048xf32, #tpu.memory_space<hbm>> -> memref<3584xf32, #tpu.memory_space<hbm>>
      %dma_start3A_188 = tpu.memref_slice %arg4[%add3A_182] : memref<32002048xf32, #tpu.memory_space<hbm>> -> memref<3584xf32, #tpu.memory_space<hbm>>
      %dma_start3A_189 = arith.constant 0 : i32
      %dma_start3A_190 = tpu.memref_slice %arg5[%dma_start3A_183, %dma_start3A_189] : memref<32x3584xf32, #tpu.memory_space<vmem>> -> memref<1x3584xf32, #tpu.memory_space<vmem>>
      %dma_start3A_191 = tpu.memref_squeeze %dma_start3A_190 : memref<1x3584xf32, #tpu.memory_space<vmem>> -> memref<3584xf32, #tpu.memory_space<vmem>>
      tpu.enqueue_dma source(%dma_start3A_191 : memref<3584xf32, #tpu.memory_space<vmem>>) target(%dma_start3A_188 : memref<3584xf32, #tpu.memory_space<hbm>>) target_semaphore(%arg7 : memref<!tpu.dma_semaphore, #tpu.memory_space<semaphore_mem>>)
      %add3A_192 = arith.constant 16001024 : i32
      %add3A_193 = arith.addi %add3A_192, %multiple_of3A : i32
      %dma_start3A_194 = arith.constant 16 : i32
      %dma_start3A_195 = arith.constant 0 : i32
      %dma_start3A_196 = tpu.memref_slice %arg5[%dma_start3A_194, %dma_start3A_195] : memref<32x3584xf32, #tpu.memory_space<vmem>> -> memref<1x3584xf32, #tpu.memory_space<vmem>>
      %dma_start3A_197 = tpu.memref_squeeze %dma_start3A_196 : memref<1x3584xf32, #tpu.memory_space<vmem>> -> memref<3584xf32, #tpu.memory_space<vmem>>
      %dma_start3A_198 = tpu.memref_slice %arg4[%add3A_193] : memref<32002048xf32, #tpu.memory_space<hbm>> -> memref<3584xf32, #tpu.memory_space<hbm>>
      %dma_start3A_199 = tpu.memref_slice %arg4[%add3A_193] : memref<32002048xf32, #tpu.memory_space<hbm>> -> memref<3584xf32, #tpu.memory_space<hbm>>
      %dma_start3A_200 = arith.constant 0 : i32
      %dma_start3A_201 = tpu.memref_slice %arg5[%dma_start3A_194, %dma_start3A_200] : memref<32x3584xf32, #tpu.memory_space<vmem>> -> memref<1x3584xf32, #tpu.memory_space<vmem>>
      %dma_start3A_202 = tpu.memref_squeeze %dma_start3A_201 : memref<1x3584xf32, #tpu.memory_space<vmem>> -> memref<3584xf32, #tpu.memory_space<vmem>>
      tpu.enqueue_dma source(%dma_start3A_202 : memref<3584xf32, #tpu.memory_space<vmem>>) target(%dma_start3A_199 : memref<3584xf32, #tpu.memory_space<hbm>>) target_semaphore(%arg7 : memref<!tpu.dma_semaphore, #tpu.memory_space<semaphore_mem>>)
      %add3A_203 = arith.constant 17001088 : i32
      %add3A_204 = arith.addi %add3A_203, %multiple_of3A : i32
      %dma_start3A_205 = arith.constant 17 : i32
      %dma_start3A_206 = arith.constant 0 : i32
      %dma_start3A_207 = tpu.memref_slice %arg5[%dma_start3A_205, %dma_start3A_206] : memref<32x3584xf32, #tpu.memory_space<vmem>> -> memref<1x3584xf32, #tpu.memory_space<vmem>>
      %dma_start3A_208 = tpu.memref_squeeze %dma_start3A_207 : memref<1x3584xf32, #tpu.memory_space<vmem>> -> memref<3584xf32, #tpu.memory_space<vmem>>
      %dma_start3A_209 = tpu.memref_slice %arg4[%add3A_204] : memref<32002048xf32, #tpu.memory_space<hbm>> -> memref<3584xf32, #tpu.memory_space<hbm>>
      %dma_start3A_210 = tpu.memref_slice %arg4[%add3A_204] : memref<32002048xf32, #tpu.memory_space<hbm>> -> memref<3584xf32, #tpu.memory_space<hbm>>
      %dma_start3A_211 = arith.constant 0 : i32
      %dma_start3A_212 = tpu.memref_slice %arg5[%dma_start3A_205, %dma_start3A_211] : memref<32x3584xf32, #tpu.memory_space<vmem>> -> memref<1x3584xf32, #tpu.memory_space<vmem>>
      %dma_start3A_213 = tpu.memref_squeeze %dma_start3A_212 : memref<1x3584xf32, #tpu.memory_space<vmem>> -> memref<3584xf32, #tpu.memory_space<vmem>>
      tpu.enqueue_dma source(%dma_start3A_213 : memref<3584xf32, #tpu.memory_space<vmem>>) target(%dma_start3A_210 : memref<3584xf32, #tpu.memory_space<hbm>>) target_semaphore(%arg7 : memref<!tpu.dma_semaphore, #tpu.memory_space<semaphore_mem>>)
      %add3A_214 = arith.constant 18001152 : i32
      %add3A_215 = arith.addi %add3A_214, %multiple_of3A : i32
      %dma_start3A_216 = arith.constant 18 : i32
      %dma_start3A_217 = arith.constant 0 : i32
      %dma_start3A_218 = tpu.memref_slice %arg5[%dma_start3A_216, %dma_start3A_217] : memref<32x3584xf32, #tpu.memory_space<vmem>> -> memref<1x3584xf32, #tpu.memory_space<vmem>>
      %dma_start3A_219 = tpu.memref_squeeze %dma_start3A_218 : memref<1x3584xf32, #tpu.memory_space<vmem>> -> memref<3584xf32, #tpu.memory_space<vmem>>
      %dma_start3A_220 = tpu.memref_slice %arg4[%add3A_215] : memref<32002048xf32, #tpu.memory_space<hbm>> -> memref<3584xf32, #tpu.memory_space<hbm>>
      %dma_start3A_221 = tpu.memref_slice %arg4[%add3A_215] : memref<32002048xf32, #tpu.memory_space<hbm>> -> memref<3584xf32, #tpu.memory_space<hbm>>
      %dma_start3A_222 = arith.constant 0 : i32
      %dma_start3A_223 = tpu.memref_slice %arg5[%dma_start3A_216, %dma_start3A_222] : memref<32x3584xf32, #tpu.memory_space<vmem>> -> memref<1x3584xf32, #tpu.memory_space<vmem>>
      %dma_start3A_224 = tpu.memref_squeeze %dma_start3A_223 : memref<1x3584xf32, #tpu.memory_space<vmem>> -> memref<3584xf32, #tpu.memory_space<vmem>>
      tpu.enqueue_dma source(%dma_start3A_224 : memref<3584xf32, #tpu.memory_space<vmem>>) target(%dma_start3A_221 : memref<3584xf32, #tpu.memory_space<hbm>>) target_semaphore(%arg7 : memref<!tpu.dma_semaphore, #tpu.memory_space<semaphore_mem>>)
      %add3A_225 = arith.constant 19001216 : i32
      %add3A_226 = arith.addi %add3A_225, %multiple_of3A : i32
      %dma_start3A_227 = arith.constant 19 : i32
      %dma_start3A_228 = arith.constant 0 : i32
      %dma_start3A_229 = tpu.memref_slice %arg5[%dma_start3A_227, %dma_start3A_228] : memref<32x3584xf32, #tpu.memory_space<vmem>> -> memref<1x3584xf32, #tpu.memory_space<vmem>>
      %dma_start3A_230 = tpu.memref_squeeze %dma_start3A_229 : memref<1x3584xf32, #tpu.memory_space<vmem>> -> memref<3584xf32, #tpu.memory_space<vmem>>
      %dma_start3A_231 = tpu.memref_slice %arg4[%add3A_226] : memref<32002048xf32, #tpu.memory_space<hbm>> -> memref<3584xf32, #tpu.memory_space<hbm>>
      %dma_start3A_232 = tpu.memref_slice %arg4[%add3A_226] : memref<32002048xf32, #tpu.memory_space<hbm>> -> memref<3584xf32, #tpu.memory_space<hbm>>
      %dma_start3A_233 = arith.constant 0 : i32
      %dma_start3A_234 = tpu.memref_slice %arg5[%dma_start3A_227, %dma_start3A_233] : memref<32x3584xf32, #tpu.memory_space<vmem>> -> memref<1x3584xf32, #tpu.memory_space<vmem>>
      %dma_start3A_235 = tpu.memref_squeeze %dma_start3A_234 : memref<1x3584xf32, #tpu.memory_space<vmem>> -> memref<3584xf32, #tpu.memory_space<vmem>>
      tpu.enqueue_dma source(%dma_start3A_235 : memref<3584xf32, #tpu.memory_space<vmem>>) target(%dma_start3A_232 : memref<3584xf32, #tpu.memory_space<hbm>>) target_semaphore(%arg7 : memref<!tpu.dma_semaphore, #tpu.memory_space<semaphore_mem>>)
      %add3A_236 = arith.constant 20001280 : i32
      %add3A_237 = arith.addi %add3A_236, %multiple_of3A : i32
      %dma_start3A_238 = arith.constant 20 : i32
      %dma_start3A_239 = arith.constant 0 : i32
      %dma_start3A_240 = tpu.memref_slice %arg5[%dma_start3A_238, %dma_start3A_239] : memref<32x3584xf32, #tpu.memory_space<vmem>> -> memref<1x3584xf32, #tpu.memory_space<vmem>>
      %dma_start3A_241 = tpu.memref_squeeze %dma_start3A_240 : memref<1x3584xf32, #tpu.memory_space<vmem>> -> memref<3584xf32, #tpu.memory_space<vmem>>
      %dma_start3A_242 = tpu.memref_slice %arg4[%add3A_237] : memref<32002048xf32, #tpu.memory_space<hbm>> -> memref<3584xf32, #tpu.memory_space<hbm>>
      %dma_start3A_243 = tpu.memref_slice %arg4[%add3A_237] : memref<32002048xf32, #tpu.memory_space<hbm>> -> memref<3584xf32, #tpu.memory_space<hbm>>
      %dma_start3A_244 = arith.constant 0 : i32
      %dma_start3A_245 = tpu.memref_slice %arg5[%dma_start3A_238, %dma_start3A_244] : memref<32x3584xf32, #tpu.memory_space<vmem>> -> memref<1x3584xf32, #tpu.memory_space<vmem>>
      %dma_start3A_246 = tpu.memref_squeeze %dma_start3A_245 : memref<1x3584xf32, #tpu.memory_space<vmem>> -> memref<3584xf32, #tpu.memory_space<vmem>>
      tpu.enqueue_dma source(%dma_start3A_246 : memref<3584xf32, #tpu.memory_space<vmem>>) target(%dma_start3A_243 : memref<3584xf32, #tpu.memory_space<hbm>>) target_semaphore(%arg7 : memref<!tpu.dma_semaphore, #tpu.memory_space<semaphore_mem>>)
      %add3A_247 = arith.constant 21001344 : i32
      %add3A_248 = arith.addi %add3A_247, %multiple_of3A : i32
      %dma_start3A_249 = arith.constant 21 : i32
      %dma_start3A_250 = arith.constant 0 : i32
      %dma_start3A_251 = tpu.memref_slice %arg5[%dma_start3A_249, %dma_start3A_250] : memref<32x3584xf32, #tpu.memory_space<vmem>> -> memref<1x3584xf32, #tpu.memory_space<vmem>>
      %dma_start3A_252 = tpu.memref_squeeze %dma_start3A_251 : memref<1x3584xf32, #tpu.memory_space<vmem>> -> memref<3584xf32, #tpu.memory_space<vmem>>
      %dma_start3A_253 = tpu.memref_slice %arg4[%add3A_248] : memref<32002048xf32, #tpu.memory_space<hbm>> -> memref<3584xf32, #tpu.memory_space<hbm>>
      %dma_start3A_254 = tpu.memref_slice %arg4[%add3A_248] : memref<32002048xf32, #tpu.memory_space<hbm>> -> memref<3584xf32, #tpu.memory_space<hbm>>
      %dma_start3A_255 = arith.constant 0 : i32
      %dma_start3A_256 = tpu.memref_slice %arg5[%dma_start3A_249, %dma_start3A_255] : memref<32x3584xf32, #tpu.memory_space<vmem>> -> memref<1x3584xf32, #tpu.memory_space<vmem>>
      %dma_start3A_257 = tpu.memref_squeeze %dma_start3A_256 : memref<1x3584xf32, #tpu.memory_space<vmem>> -> memref<3584xf32, #tpu.memory_space<vmem>>
      tpu.enqueue_dma source(%dma_start3A_257 : memref<3584xf32, #tpu.memory_space<vmem>>) target(%dma_start3A_254 : memref<3584xf32, #tpu.memory_space<hbm>>) target_semaphore(%arg7 : memref<!tpu.dma_semaphore, #tpu.memory_space<semaphore_mem>>)
      %add3A_258 = arith.constant 22001408 : i32
      %add3A_259 = arith.addi %add3A_258, %multiple_of3A : i32
      %dma_start3A_260 = arith.constant 22 : i32
      %dma_start3A_261 = arith.constant 0 : i32
      %dma_start3A_262 = tpu.memref_slice %arg5[%dma_start3A_260, %dma_start3A_261] : memref<32x3584xf32, #tpu.memory_space<vmem>> -> memref<1x3584xf32, #tpu.memory_space<vmem>>
      %dma_start3A_263 = tpu.memref_squeeze %dma_start3A_262 : memref<1x3584xf32, #tpu.memory_space<vmem>> -> memref<3584xf32, #tpu.memory_space<vmem>>
      %dma_start3A_264 = tpu.memref_slice %arg4[%add3A_259] : memref<32002048xf32, #tpu.memory_space<hbm>> -> memref<3584xf32, #tpu.memory_space<hbm>>
      %dma_start3A_265 = tpu.memref_slice %arg4[%add3A_259] : memref<32002048xf32, #tpu.memory_space<hbm>> -> memref<3584xf32, #tpu.memory_space<hbm>>
      %dma_start3A_266 = arith.constant 0 : i32
      %dma_start3A_267 = tpu.memref_slice %arg5[%dma_start3A_260, %dma_start3A_266] : memref<32x3584xf32, #tpu.memory_space<vmem>> -> memref<1x3584xf32, #tpu.memory_space<vmem>>
      %dma_start3A_268 = tpu.memref_squeeze %dma_start3A_267 : memref<1x3584xf32, #tpu.memory_space<vmem>> -> memref<3584xf32, #tpu.memory_space<vmem>>
      tpu.enqueue_dma source(%dma_start3A_268 : memref<3584xf32, #tpu.memory_space<vmem>>) target(%dma_start3A_265 : memref<3584xf32, #tpu.memory_space<hbm>>) target_semaphore(%arg7 : memref<!tpu.dma_semaphore, #tpu.memory_space<semaphore_mem>>)
      %add3A_269 = arith.constant 23001472 : i32
      %add3A_270 = arith.addi %add3A_269, %multiple_of3A : i32
      %dma_start3A_271 = arith.constant 23 : i32
      %dma_start3A_272 = arith.constant 0 : i32
      %dma_start3A_273 = tpu.memref_slice %arg5[%dma_start3A_271, %dma_start3A_272] : memref<32x3584xf32, #tpu.memory_space<vmem>> -> memref<1x3584xf32, #tpu.memory_space<vmem>>
      %dma_start3A_274 = tpu.memref_squeeze %dma_start3A_273 : memref<1x3584xf32, #tpu.memory_space<vmem>> -> memref<3584xf32, #tpu.memory_space<vmem>>
      %dma_start3A_275 = tpu.memref_slice %arg4[%add3A_270] : memref<32002048xf32, #tpu.memory_space<hbm>> -> memref<3584xf32, #tpu.memory_space<hbm>>
      %dma_start3A_276 = tpu.memref_slice %arg4[%add3A_270] : memref<32002048xf32, #tpu.memory_space<hbm>> -> memref<3584xf32, #tpu.memory_space<hbm>>
      %dma_start3A_277 = arith.constant 0 : i32
      %dma_start3A_278 = tpu.memref_slice %arg5[%dma_start3A_271, %dma_start3A_277] : memref<32x3584xf32, #tpu.memory_space<vmem>> -> memref<1x3584xf32, #tpu.memory_space<vmem>>
      %dma_start3A_279 = tpu.memref_squeeze %dma_start3A_278 : memref<1x3584xf32, #tpu.memory_space<vmem>> -> memref<3584xf32, #tpu.memory_space<vmem>>
      tpu.enqueue_dma source(%dma_start3A_279 : memref<3584xf32, #tpu.memory_space<vmem>>) target(%dma_start3A_276 : memref<3584xf32, #tpu.memory_space<hbm>>) target_semaphore(%arg7 : memref<!tpu.dma_semaphore, #tpu.memory_space<semaphore_mem>>)
      %add3A_280 = arith.constant 24001536 : i32
      %add3A_281 = arith.addi %add3A_280, %multiple_of3A : i32
      %dma_start3A_282 = arith.constant 24 : i32
      %dma_start3A_283 = arith.constant 0 : i32
      %dma_start3A_284 = tpu.memref_slice %arg5[%dma_start3A_282, %dma_start3A_283] : memref<32x3584xf32, #tpu.memory_space<vmem>> -> memref<1x3584xf32, #tpu.memory_space<vmem>>
      %dma_start3A_285 = tpu.memref_squeeze %dma_start3A_284 : memref<1x3584xf32, #tpu.memory_space<vmem>> -> memref<3584xf32, #tpu.memory_space<vmem>>
      %dma_start3A_286 = tpu.memref_slice %arg4[%add3A_281] : memref<32002048xf32, #tpu.memory_space<hbm>> -> memref<3584xf32, #tpu.memory_space<hbm>>
      %dma_start3A_287 = tpu.memref_slice %arg4[%add3A_281] : memref<32002048xf32, #tpu.memory_space<hbm>> -> memref<3584xf32, #tpu.memory_space<hbm>>
      %dma_start3A_288 = arith.constant 0 : i32
      %dma_start3A_289 = tpu.memref_slice %arg5[%dma_start3A_282, %dma_start3A_288] : memref<32x3584xf32, #tpu.memory_space<vmem>> -> memref<1x3584xf32, #tpu.memory_space<vmem>>
      %dma_start3A_290 = tpu.memref_squeeze %dma_start3A_289 : memref<1x3584xf32, #tpu.memory_space<vmem>> -> memref<3584xf32, #tpu.memory_space<vmem>>
      tpu.enqueue_dma source(%dma_start3A_290 : memref<3584xf32, #tpu.memory_space<vmem>>) target(%dma_start3A_287 : memref<3584xf32, #tpu.memory_space<hbm>>) target_semaphore(%arg7 : memref<!tpu.dma_semaphore, #tpu.memory_space<semaphore_mem>>)
      %add3A_291 = arith.constant 25001600 : i32
      %add3A_292 = arith.addi %add3A_291, %multiple_of3A : i32
      %dma_start3A_293 = arith.constant 25 : i32
      %dma_start3A_294 = arith.constant 0 : i32
      %dma_start3A_295 = tpu.memref_slice %arg5[%dma_start3A_293, %dma_start3A_294] : memref<32x3584xf32, #tpu.memory_space<vmem>> -> memref<1x3584xf32, #tpu.memory_space<vmem>>
      %dma_start3A_296 = tpu.memref_squeeze %dma_start3A_295 : memref<1x3584xf32, #tpu.memory_space<vmem>> -> memref<3584xf32, #tpu.memory_space<vmem>>
      %dma_start3A_297 = tpu.memref_slice %arg4[%add3A_292] : memref<32002048xf32, #tpu.memory_space<hbm>> -> memref<3584xf32, #tpu.memory_space<hbm>>
      %dma_start3A_298 = tpu.memref_slice %arg4[%add3A_292] : memref<32002048xf32, #tpu.memory_space<hbm>> -> memref<3584xf32, #tpu.memory_space<hbm>>
      %dma_start3A_299 = arith.constant 0 : i32
      %dma_start3A_300 = tpu.memref_slice %arg5[%dma_start3A_293, %dma_start3A_299] : memref<32x3584xf32, #tpu.memory_space<vmem>> -> memref<1x3584xf32, #tpu.memory_space<vmem>>
      %dma_start3A_301 = tpu.memref_squeeze %dma_start3A_300 : memref<1x3584xf32, #tpu.memory_space<vmem>> -> memref<3584xf32, #tpu.memory_space<vmem>>
      tpu.enqueue_dma source(%dma_start3A_301 : memref<3584xf32, #tpu.memory_space<vmem>>) target(%dma_start3A_298 : memref<3584xf32, #tpu.memory_space<hbm>>) target_semaphore(%arg7 : memref<!tpu.dma_semaphore, #tpu.memory_space<semaphore_mem>>)
      %add3A_302 = arith.constant 26001664 : i32
      %add3A_303 = arith.addi %add3A_302, %multiple_of3A : i32
      %dma_start3A_304 = arith.constant 26 : i32
      %dma_start3A_305 = arith.constant 0 : i32
      %dma_start3A_306 = tpu.memref_slice %arg5[%dma_start3A_304, %dma_start3A_305] : memref<32x3584xf32, #tpu.memory_space<vmem>> -> memref<1x3584xf32, #tpu.memory_space<vmem>>
      %dma_start3A_307 = tpu.memref_squeeze %dma_start3A_306 : memref<1x3584xf32, #tpu.memory_space<vmem>> -> memref<3584xf32, #tpu.memory_space<vmem>>
      %dma_start3A_308 = tpu.memref_slice %arg4[%add3A_303] : memref<32002048xf32, #tpu.memory_space<hbm>> -> memref<3584xf32, #tpu.memory_space<hbm>>
      %dma_start3A_309 = tpu.memref_slice %arg4[%add3A_303] : memref<32002048xf32, #tpu.memory_space<hbm>> -> memref<3584xf32, #tpu.memory_space<hbm>>
      %dma_start3A_310 = arith.constant 0 : i32
      %dma_start3A_311 = tpu.memref_slice %arg5[%dma_start3A_304, %dma_start3A_310] : memref<32x3584xf32, #tpu.memory_space<vmem>> -> memref<1x3584xf32, #tpu.memory_space<vmem>>
      %dma_start3A_312 = tpu.memref_squeeze %dma_start3A_311 : memref<1x3584xf32, #tpu.memory_space<vmem>> -> memref<3584xf32, #tpu.memory_space<vmem>>
      tpu.enqueue_dma source(%dma_start3A_312 : memref<3584xf32, #tpu.memory_space<vmem>>) target(%dma_start3A_309 : memref<3584xf32, #tpu.memory_space<hbm>>) target_semaphore(%arg7 : memref<!tpu.dma_semaphore, #tpu.memory_space<semaphore_mem>>)
      %add3A_313 = arith.constant 27001728 : i32
      %add3A_314 = arith.addi %add3A_313, %multiple_of3A : i32
      %dma_start3A_315 = arith.constant 27 : i32
      %dma_start3A_316 = arith.constant 0 : i32
      %dma_start3A_317 = tpu.memref_slice %arg5[%dma_start3A_315, %dma_start3A_316] : memref<32x3584xf32, #tpu.memory_space<vmem>> -> memref<1x3584xf32, #tpu.memory_space<vmem>>
      %dma_start3A_318 = tpu.memref_squeeze %dma_start3A_317 : memref<1x3584xf32, #tpu.memory_space<vmem>> -> memref<3584xf32, #tpu.memory_space<vmem>>
      %dma_start3A_319 = tpu.memref_slice %arg4[%add3A_314] : memref<32002048xf32, #tpu.memory_space<hbm>> -> memref<3584xf32, #tpu.memory_space<hbm>>
      %dma_start3A_320 = tpu.memref_slice %arg4[%add3A_314] : memref<32002048xf32, #tpu.memory_space<hbm>> -> memref<3584xf32, #tpu.memory_space<hbm>>
      %dma_start3A_321 = arith.constant 0 : i32
      %dma_start3A_322 = tpu.memref_slice %arg5[%dma_start3A_315, %dma_start3A_321] : memref<32x3584xf32, #tpu.memory_space<vmem>> -> memref<1x3584xf32, #tpu.memory_space<vmem>>
      %dma_start3A_323 = tpu.memref_squeeze %dma_start3A_322 : memref<1x3584xf32, #tpu.memory_space<vmem>> -> memref<3584xf32, #tpu.memory_space<vmem>>
      tpu.enqueue_dma source(%dma_start3A_323 : memref<3584xf32, #tpu.memory_space<vmem>>) target(%dma_start3A_320 : memref<3584xf32, #tpu.memory_space<hbm>>) target_semaphore(%arg7 : memref<!tpu.dma_semaphore, #tpu.memory_space<semaphore_mem>>)
      %add3A_324 = arith.constant 28001792 : i32
      %add3A_325 = arith.addi %add3A_324, %multiple_of3A : i32
      %dma_start3A_326 = arith.constant 28 : i32
      %dma_start3A_327 = arith.constant 0 : i32
      %dma_start3A_328 = tpu.memref_slice %arg5[%dma_start3A_326, %dma_start3A_327] : memref<32x3584xf32, #tpu.memory_space<vmem>> -> memref<1x3584xf32, #tpu.memory_space<vmem>>
      %dma_start3A_329 = tpu.memref_squeeze %dma_start3A_328 : memref<1x3584xf32, #tpu.memory_space<vmem>> -> memref<3584xf32, #tpu.memory_space<vmem>>
      %dma_start3A_330 = tpu.memref_slice %arg4[%add3A_325] : memref<32002048xf32, #tpu.memory_space<hbm>> -> memref<3584xf32, #tpu.memory_space<hbm>>
      %dma_start3A_331 = tpu.memref_slice %arg4[%add3A_325] : memref<32002048xf32, #tpu.memory_space<hbm>> -> memref<3584xf32, #tpu.memory_space<hbm>>
      %dma_start3A_332 = arith.constant 0 : i32
      %dma_start3A_333 = tpu.memref_slice %arg5[%dma_start3A_326, %dma_start3A_332] : memref<32x3584xf32, #tpu.memory_space<vmem>> -> memref<1x3584xf32, #tpu.memory_space<vmem>>
      %dma_start3A_334 = tpu.memref_squeeze %dma_start3A_333 : memref<1x3584xf32, #tpu.memory_space<vmem>> -> memref<3584xf32, #tpu.memory_space<vmem>>
      tpu.enqueue_dma source(%dma_start3A_334 : memref<3584xf32, #tpu.memory_space<vmem>>) target(%dma_start3A_331 : memref<3584xf32, #tpu.memory_space<hbm>>) target_semaphore(%arg7 : memref<!tpu.dma_semaphore, #tpu.memory_space<semaphore_mem>>)
      %add3A_335 = arith.constant 29001856 : i32
      %add3A_336 = arith.addi %add3A_335, %multiple_of3A : i32
      %dma_start3A_337 = arith.constant 29 : i32
      %dma_start3A_338 = arith.constant 0 : i32
      %dma_start3A_339 = tpu.memref_slice %arg5[%dma_start3A_337, %dma_start3A_338] : memref<32x3584xf32, #tpu.memory_space<vmem>> -> memref<1x3584xf32, #tpu.memory_space<vmem>>
      %dma_start3A_340 = tpu.memref_squeeze %dma_start3A_339 : memref<1x3584xf32, #tpu.memory_space<vmem>> -> memref<3584xf32, #tpu.memory_space<vmem>>
      %dma_start3A_341 = tpu.memref_slice %arg4[%add3A_336] : memref<32002048xf32, #tpu.memory_space<hbm>> -> memref<3584xf32, #tpu.memory_space<hbm>>
      %dma_start3A_342 = tpu.memref_slice %arg4[%add3A_336] : memref<32002048xf32, #tpu.memory_space<hbm>> -> memref<3584xf32, #tpu.memory_space<hbm>>
      %dma_start3A_343 = arith.constant 0 : i32
      %dma_start3A_344 = tpu.memref_slice %arg5[%dma_start3A_337, %dma_start3A_343] : memref<32x3584xf32, #tpu.memory_space<vmem>> -> memref<1x3584xf32, #tpu.memory_space<vmem>>
      %dma_start3A_345 = tpu.memref_squeeze %dma_start3A_344 : memref<1x3584xf32, #tpu.memory_space<vmem>> -> memref<3584xf32, #tpu.memory_space<vmem>>
      tpu.enqueue_dma source(%dma_start3A_345 : memref<3584xf32, #tpu.memory_space<vmem>>) target(%dma_start3A_342 : memref<3584xf32, #tpu.memory_space<hbm>>) target_semaphore(%arg7 : memref<!tpu.dma_semaphore, #tpu.memory_space<semaphore_mem>>)
      %add3A_346 = arith.constant 30001920 : i32
      %add3A_347 = arith.addi %add3A_346, %multiple_of3A : i32
      %dma_start3A_348 = arith.constant 30 : i32
      %dma_start3A_349 = arith.constant 0 : i32
      %dma_start3A_350 = tpu.memref_slice %arg5[%dma_start3A_348, %dma_start3A_349] : memref<32x3584xf32, #tpu.memory_space<vmem>> -> memref<1x3584xf32, #tpu.memory_space<vmem>>
      %dma_start3A_351 = tpu.memref_squeeze %dma_start3A_350 : memref<1x3584xf32, #tpu.memory_space<vmem>> -> memref<3584xf32, #tpu.memory_space<vmem>>
      %dma_start3A_352 = tpu.memref_slice %arg4[%add3A_347] : memref<32002048xf32, #tpu.memory_space<hbm>> -> memref<3584xf32, #tpu.memory_space<hbm>>
      %dma_start3A_353 = tpu.memref_slice %arg4[%add3A_347] : memref<32002048xf32, #tpu.memory_space<hbm>> -> memref<3584xf32, #tpu.memory_space<hbm>>
      %dma_start3A_354 = arith.constant 0 : i32
      %dma_start3A_355 = tpu.memref_slice %arg5[%dma_start3A_348, %dma_start3A_354] : memref<32x3584xf32, #tpu.memory_space<vmem>> -> memref<1x3584xf32, #tpu.memory_space<vmem>>
      %dma_start3A_356 = tpu.memref_squeeze %dma_start3A_355 : memref<1x3584xf32, #tpu.memory_space<vmem>> -> memref<3584xf32, #tpu.memory_space<vmem>>
      tpu.enqueue_dma source(%dma_start3A_356 : memref<3584xf32, #tpu.memory_space<vmem>>) target(%dma_start3A_353 : memref<3584xf32, #tpu.memory_space<hbm>>) target_semaphore(%arg7 : memref<!tpu.dma_semaphore, #tpu.memory_space<semaphore_mem>>)
      %add3A_357 = arith.constant 31001984 : i32
      %add3A_358 = arith.addi %add3A_357, %multiple_of3A : i32
      %dma_start3A_359 = arith.constant 31 : i32
      %dma_start3A_360 = arith.constant 0 : i32
      %dma_start3A_361 = tpu.memref_slice %arg5[%dma_start3A_359, %dma_start3A_360] : memref<32x3584xf32, #tpu.memory_space<vmem>> -> memref<1x3584xf32, #tpu.memory_space<vmem>>
      %dma_start3A_362 = tpu.memref_squeeze %dma_start3A_361 : memref<1x3584xf32, #tpu.memory_space<vmem>> -> memref<3584xf32, #tpu.memory_space<vmem>>
      %dma_start3A_363 = tpu.memref_slice %arg4[%add3A_358] : memref<32002048xf32, #tpu.memory_space<hbm>> -> memref<3584xf32, #tpu.memory_space<hbm>>
      %dma_start3A_364 = tpu.memref_slice %arg4[%add3A_358] : memref<32002048xf32, #tpu.memory_space<hbm>> -> memref<3584xf32, #tpu.memory_space<hbm>>
      %dma_start3A_365 = arith.constant 0 : i32
      %dma_start3A_366 = tpu.memref_slice %arg5[%dma_start3A_359, %dma_start3A_365] : memref<32x3584xf32, #tpu.memory_space<vmem>> -> memref<1x3584xf32, #tpu.memory_space<vmem>>
      %dma_start3A_367 = tpu.memref_squeeze %dma_start3A_366 : memref<1x3584xf32, #tpu.memory_space<vmem>> -> memref<3584xf32, #tpu.memory_space<vmem>>
      tpu.enqueue_dma source(%dma_start3A_367 : memref<3584xf32, #tpu.memory_space<vmem>>) target(%dma_start3A_364 : memref<3584xf32, #tpu.memory_space<hbm>>) target_semaphore(%arg7 : memref<!tpu.dma_semaphore, #tpu.memory_space<semaphore_mem>>)
      %dma_wait3A = arith.constant 0 : i32
      %dma_wait3A_368 = arith.constant 0 : i32
      %dma_wait3A_369 = tpu.memref_slice %arg5[%dma_wait3A, %dma_wait3A_368] : memref<32x3584xf32, #tpu.memory_space<vmem>> -> memref<1x3584xf32, #tpu.memory_space<vmem>>
      %dma_wait3A_370 = tpu.memref_squeeze %dma_wait3A_369 : memref<1x3584xf32, #tpu.memory_space<vmem>> -> memref<3584xf32, #tpu.memory_space<vmem>>
      %dma_wait3A_371 = tpu.memref_slice %arg4[%add3A_18] : memref<32002048xf32, #tpu.memory_space<hbm>> -> memref<3584xf32, #tpu.memory_space<hbm>>
      %dma_wait3A_372 = tpu.memref_slice %arg4[%add3A_18] : memref<32002048xf32, #tpu.memory_space<hbm>> -> memref<3584xf32, #tpu.memory_space<hbm>>
      %dma_wait3A_373 = arith.constant 0 : i32
      %dma_wait3A_374 = tpu.memref_slice %arg5[%dma_wait3A, %dma_wait3A_373] : memref<32x3584xf32, #tpu.memory_space<vmem>> -> memref<1x3584xf32, #tpu.memory_space<vmem>>
      %dma_wait3A_375 = tpu.memref_squeeze %dma_wait3A_374 : memref<1x3584xf32, #tpu.memory_space<vmem>> -> memref<3584xf32, #tpu.memory_space<vmem>>
      tpu.wait_dma2 semaphore(%arg7 : memref<!tpu.dma_semaphore, #tpu.memory_space<semaphore_mem>>) src(%dma_wait3A_375 : memref<3584xf32, #tpu.memory_space<vmem>>) dst(%dma_wait3A_372 : memref<3584xf32, #tpu.memory_space<hbm>>)
      %dma_wait3A_376 = arith.constant 1 : i32
      %dma_wait3A_377 = arith.constant 0 : i32
      %dma_wait3A_378 = tpu.memref_slice %arg5[%dma_wait3A_376, %dma_wait3A_377] : memref<32x3584xf32, #tpu.memory_space<vmem>> -> memref<1x3584xf32, #tpu.memory_space<vmem>>
      %dma_wait3A_379 = tpu.memref_squeeze %dma_wait3A_378 : memref<1x3584xf32, #tpu.memory_space<vmem>> -> memref<3584xf32, #tpu.memory_space<vmem>>
      %dma_wait3A_380 = tpu.memref_slice %arg4[%add3A_28] : memref<32002048xf32, #tpu.memory_space<hbm>> -> memref<3584xf32, #tpu.memory_space<hbm>>
      %dma_wait3A_381 = tpu.memref_slice %arg4[%add3A_28] : memref<32002048xf32, #tpu.memory_space<hbm>> -> memref<3584xf32, #tpu.memory_space<hbm>>
      %dma_wait3A_382 = arith.constant 0 : i32
      %dma_wait3A_383 = tpu.memref_slice %arg5[%dma_wait3A_376, %dma_wait3A_382] : memref<32x3584xf32, #tpu.memory_space<vmem>> -> memref<1x3584xf32, #tpu.memory_space<vmem>>
      %dma_wait3A_384 = tpu.memref_squeeze %dma_wait3A_383 : memref<1x3584xf32, #tpu.memory_space<vmem>> -> memref<3584xf32, #tpu.memory_space<vmem>>
      tpu.wait_dma2 semaphore(%arg7 : memref<!tpu.dma_semaphore, #tpu.memory_space<semaphore_mem>>) src(%dma_wait3A_384 : memref<3584xf32, #tpu.memory_space<vmem>>) dst(%dma_wait3A_381 : memref<3584xf32, #tpu.memory_space<hbm>>)
      %dma_wait3A_385 = arith.constant 2 : i32
      %dma_wait3A_386 = arith.constant 0 : i32
      %dma_wait3A_387 = tpu.memref_slice %arg5[%dma_wait3A_385, %dma_wait3A_386] : memref<32x3584xf32, #tpu.memory_space<vmem>> -> memref<1x3584xf32, #tpu.memory_space<vmem>>
      %dma_wait3A_388 = tpu.memref_squeeze %dma_wait3A_387 : memref<1x3584xf32, #tpu.memory_space<vmem>> -> memref<3584xf32, #tpu.memory_space<vmem>>
      %dma_wait3A_389 = tpu.memref_slice %arg4[%add3A_39] : memref<32002048xf32, #tpu.memory_space<hbm>> -> memref<3584xf32, #tpu.memory_space<hbm>>
      %dma_wait3A_390 = tpu.memref_slice %arg4[%add3A_39] : memref<32002048xf32, #tpu.memory_space<hbm>> -> memref<3584xf32, #tpu.memory_space<hbm>>
      %dma_wait3A_391 = arith.constant 0 : i32
      %dma_wait3A_392 = tpu.memref_slice %arg5[%dma_wait3A_385, %dma_wait3A_391] : memref<32x3584xf32, #tpu.memory_space<vmem>> -> memref<1x3584xf32, #tpu.memory_space<vmem>>
      %dma_wait3A_393 = tpu.memref_squeeze %dma_wait3A_392 : memref<1x3584xf32, #tpu.memory_space<vmem>> -> memref<3584xf32, #tpu.memory_space<vmem>>
      tpu.wait_dma2 semaphore(%arg7 : memref<!tpu.dma_semaphore, #tpu.memory_space<semaphore_mem>>) src(%dma_wait3A_393 : memref<3584xf32, #tpu.memory_space<vmem>>) dst(%dma_wait3A_390 : memref<3584xf32, #tpu.memory_space<hbm>>)
      %dma_wait3A_394 = arith.constant 3 : i32
      %dma_wait3A_395 = arith.constant 0 : i32
      %dma_wait3A_396 = tpu.memref_slice %arg5[%dma_wait3A_394, %dma_wait3A_395] : memref<32x3584xf32, #tpu.memory_space<vmem>> -> memref<1x3584xf32, #tpu.memory_space<vmem>>
      %dma_wait3A_397 = tpu.memref_squeeze %dma_wait3A_396 : memref<1x3584xf32, #tpu.memory_space<vmem>> -> memref<3584xf32, #tpu.memory_space<vmem>>
      %dma_wait3A_398 = tpu.memref_slice %arg4[%add3A_50] : memref<32002048xf32, #tpu.memory_space<hbm>> -> memref<3584xf32, #tpu.memory_space<hbm>>
      %dma_wait3A_399 = tpu.memref_slice %arg4[%add3A_50] : memref<32002048xf32, #tpu.memory_space<hbm>> -> memref<3584xf32, #tpu.memory_space<hbm>>
      %dma_wait3A_400 = arith.constant 0 : i32
      %dma_wait3A_401 = tpu.memref_slice %arg5[%dma_wait3A_394, %dma_wait3A_400] : memref<32x3584xf32, #tpu.memory_space<vmem>> -> memref<1x3584xf32, #tpu.memory_space<vmem>>
      %dma_wait3A_402 = tpu.memref_squeeze %dma_wait3A_401 : memref<1x3584xf32, #tpu.memory_space<vmem>> -> memref<3584xf32, #tpu.memory_space<vmem>>
      tpu.wait_dma2 semaphore(%arg7 : memref<!tpu.dma_semaphore, #tpu.memory_space<semaphore_mem>>) src(%dma_wait3A_402 : memref<3584xf32, #tpu.memory_space<vmem>>) dst(%dma_wait3A_399 : memref<3584xf32, #tpu.memory_space<hbm>>)
      %dma_wait3A_403 = arith.constant 4 : i32
      %dma_wait3A_404 = arith.constant 0 : i32
      %dma_wait3A_405 = tpu.memref_slice %arg5[%dma_wait3A_403, %dma_wait3A_404] : memref<32x3584xf32, #tpu.memory_space<vmem>> -> memref<1x3584xf32, #tpu.memory_space<vmem>>
      %dma_wait3A_406 = tpu.memref_squeeze %dma_wait3A_405 : memref<1x3584xf32, #tpu.memory_space<vmem>> -> memref<3584xf32, #tpu.memory_space<vmem>>
      %dma_wait3A_407 = tpu.memref_slice %arg4[%add3A_61] : memref<32002048xf32, #tpu.memory_space<hbm>> -> memref<3584xf32, #tpu.memory_space<hbm>>
      %dma_wait3A_408 = tpu.memref_slice %arg4[%add3A_61] : memref<32002048xf32, #tpu.memory_space<hbm>> -> memref<3584xf32, #tpu.memory_space<hbm>>
      %dma_wait3A_409 = arith.constant 0 : i32
      %dma_wait3A_410 = tpu.memref_slice %arg5[%dma_wait3A_403, %dma_wait3A_409] : memref<32x3584xf32, #tpu.memory_space<vmem>> -> memref<1x3584xf32, #tpu.memory_space<vmem>>
      %dma_wait3A_411 = tpu.memref_squeeze %dma_wait3A_410 : memref<1x3584xf32, #tpu.memory_space<vmem>> -> memref<3584xf32, #tpu.memory_space<vmem>>
      tpu.wait_dma2 semaphore(%arg7 : memref<!tpu.dma_semaphore, #tpu.memory_space<semaphore_mem>>) src(%dma_wait3A_411 : memref<3584xf32, #tpu.memory_space<vmem>>) dst(%dma_wait3A_408 : memref<3584xf32, #tpu.memory_space<hbm>>)
      %dma_wait3A_412 = arith.constant 5 : i32
      %dma_wait3A_413 = arith.constant 0 : i32
      %dma_wait3A_414 = tpu.memref_slice %arg5[%dma_wait3A_412, %dma_wait3A_413] : memref<32x3584xf32, #tpu.memory_space<vmem>> -> memref<1x3584xf32, #tpu.memory_space<vmem>>
      %dma_wait3A_415 = tpu.memref_squeeze %dma_wait3A_414 : memref<1x3584xf32, #tpu.memory_space<vmem>> -> memref<3584xf32, #tpu.memory_space<vmem>>
      %dma_wait3A_416 = tpu.memref_slice %arg4[%add3A_72] : memref<32002048xf32, #tpu.memory_space<hbm>> -> memref<3584xf32, #tpu.memory_space<hbm>>
      %dma_wait3A_417 = tpu.memref_slice %arg4[%add3A_72] : memref<32002048xf32, #tpu.memory_space<hbm>> -> memref<3584xf32, #tpu.memory_space<hbm>>
      %dma_wait3A_418 = arith.constant 0 : i32
      %dma_wait3A_419 = tpu.memref_slice %arg5[%dma_wait3A_412, %dma_wait3A_418] : memref<32x3584xf32, #tpu.memory_space<vmem>> -> memref<1x3584xf32, #tpu.memory_space<vmem>>
      %dma_wait3A_420 = tpu.memref_squeeze %dma_wait3A_419 : memref<1x3584xf32, #tpu.memory_space<vmem>> -> memref<3584xf32, #tpu.memory_space<vmem>>
      tpu.wait_dma2 semaphore(%arg7 : memref<!tpu.dma_semaphore, #tpu.memory_space<semaphore_mem>>) src(%dma_wait3A_420 : memref<3584xf32, #tpu.memory_space<vmem>>) dst(%dma_wait3A_417 : memref<3584xf32, #tpu.memory_space<hbm>>)
      %dma_wait3A_421 = arith.constant 6 : i32
      %dma_wait3A_422 = arith.constant 0 : i32
      %dma_wait3A_423 = tpu.memref_slice %arg5[%dma_wait3A_421, %dma_wait3A_422] : memref<32x3584xf32, #tpu.memory_space<vmem>> -> memref<1x3584xf32, #tpu.memory_space<vmem>>
      %dma_wait3A_424 = tpu.memref_squeeze %dma_wait3A_423 : memref<1x3584xf32, #tpu.memory_space<vmem>> -> memref<3584xf32, #tpu.memory_space<vmem>>
      %dma_wait3A_425 = tpu.memref_slice %arg4[%add3A_83] : memref<32002048xf32, #tpu.memory_space<hbm>> -> memref<3584xf32, #tpu.memory_space<hbm>>
      %dma_wait3A_426 = tpu.memref_slice %arg4[%add3A_83] : memref<32002048xf32, #tpu.memory_space<hbm>> -> memref<3584xf32, #tpu.memory_space<hbm>>
      %dma_wait3A_427 = arith.constant 0 : i32
      %dma_wait3A_428 = tpu.memref_slice %arg5[%dma_wait3A_421, %dma_wait3A_427] : memref<32x3584xf32, #tpu.memory_space<vmem>> -> memref<1x3584xf32, #tpu.memory_space<vmem>>
      %dma_wait3A_429 = tpu.memref_squeeze %dma_wait3A_428 : memref<1x3584xf32, #tpu.memory_space<vmem>> -> memref<3584xf32, #tpu.memory_space<vmem>>
      tpu.wait_dma2 semaphore(%arg7 : memref<!tpu.dma_semaphore, #tpu.memory_space<semaphore_mem>>) src(%dma_wait3A_429 : memref<3584xf32, #tpu.memory_space<vmem>>) dst(%dma_wait3A_426 : memref<3584xf32, #tpu.memory_space<hbm>>)
      %dma_wait3A_430 = arith.constant 7 : i32
      %dma_wait3A_431 = arith.constant 0 : i32
      %dma_wait3A_432 = tpu.memref_slice %arg5[%dma_wait3A_430, %dma_wait3A_431] : memref<32x3584xf32, #tpu.memory_space<vmem>> -> memref<1x3584xf32, #tpu.memory_space<vmem>>
      %dma_wait3A_433 = tpu.memref_squeeze %dma_wait3A_432 : memref<1x3584xf32, #tpu.memory_space<vmem>> -> memref<3584xf32, #tpu.memory_space<vmem>>
      %dma_wait3A_434 = tpu.memref_slice %arg4[%add3A_94] : memref<32002048xf32, #tpu.memory_space<hbm>> -> memref<3584xf32, #tpu.memory_space<hbm>>
      %dma_wait3A_435 = tpu.memref_slice %arg4[%add3A_94] : memref<32002048xf32, #tpu.memory_space<hbm>> -> memref<3584xf32, #tpu.memory_space<hbm>>
      %dma_wait3A_436 = arith.constant 0 : i32
      %dma_wait3A_437 = tpu.memref_slice %arg5[%dma_wait3A_430, %dma_wait3A_436] : memref<32x3584xf32, #tpu.memory_space<vmem>> -> memref<1x3584xf32, #tpu.memory_space<vmem>>
      %dma_wait3A_438 = tpu.memref_squeeze %dma_wait3A_437 : memref<1x3584xf32, #tpu.memory_space<vmem>> -> memref<3584xf32, #tpu.memory_space<vmem>>
      tpu.wait_dma2 semaphore(%arg7 : memref<!tpu.dma_semaphore, #tpu.memory_space<semaphore_mem>>) src(%dma_wait3A_438 : memref<3584xf32, #tpu.memory_space<vmem>>) dst(%dma_wait3A_435 : memref<3584xf32, #tpu.memory_space<hbm>>)
      %dma_wait3A_439 = arith.constant 8 : i32
      %dma_wait3A_440 = arith.constant 0 : i32
      %dma_wait3A_441 = tpu.memref_slice %arg5[%dma_wait3A_439, %dma_wait3A_440] : memref<32x3584xf32, #tpu.memory_space<vmem>> -> memref<1x3584xf32, #tpu.memory_space<vmem>>
      %dma_wait3A_442 = tpu.memref_squeeze %dma_wait3A_441 : memref<1x3584xf32, #tpu.memory_space<vmem>> -> memref<3584xf32, #tpu.memory_space<vmem>>
      %dma_wait3A_443 = tpu.memref_slice %arg4[%add3A_105] : memref<32002048xf32, #tpu.memory_space<hbm>> -> memref<3584xf32, #tpu.memory_space<hbm>>
      %dma_wait3A_444 = tpu.memref_slice %arg4[%add3A_105] : memref<32002048xf32, #tpu.memory_space<hbm>> -> memref<3584xf32, #tpu.memory_space<hbm>>
      %dma_wait3A_445 = arith.constant 0 : i32
      %dma_wait3A_446 = tpu.memref_slice %arg5[%dma_wait3A_439, %dma_wait3A_445] : memref<32x3584xf32, #tpu.memory_space<vmem>> -> memref<1x3584xf32, #tpu.memory_space<vmem>>
      %dma_wait3A_447 = tpu.memref_squeeze %dma_wait3A_446 : memref<1x3584xf32, #tpu.memory_space<vmem>> -> memref<3584xf32, #tpu.memory_space<vmem>>
      tpu.wait_dma2 semaphore(%arg7 : memref<!tpu.dma_semaphore, #tpu.memory_space<semaphore_mem>>) src(%dma_wait3A_447 : memref<3584xf32, #tpu.memory_space<vmem>>) dst(%dma_wait3A_444 : memref<3584xf32, #tpu.memory_space<hbm>>)
      %dma_wait3A_448 = arith.constant 9 : i32
      %dma_wait3A_449 = arith.constant 0 : i32
      %dma_wait3A_450 = tpu.memref_slice %arg5[%dma_wait3A_448, %dma_wait3A_449] : memref<32x3584xf32, #tpu.memory_space<vmem>> -> memref<1x3584xf32, #tpu.memory_space<vmem>>
      %dma_wait3A_451 = tpu.memref_squeeze %dma_wait3A_450 : memref<1x3584xf32, #tpu.memory_space<vmem>> -> memref<3584xf32, #tpu.memory_space<vmem>>
      %dma_wait3A_452 = tpu.memref_slice %arg4[%add3A_116] : memref<32002048xf32, #tpu.memory_space<hbm>> -> memref<3584xf32, #tpu.memory_space<hbm>>
      %dma_wait3A_453 = tpu.memref_slice %arg4[%add3A_116] : memref<32002048xf32, #tpu.memory_space<hbm>> -> memref<3584xf32, #tpu.memory_space<hbm>>
      %dma_wait3A_454 = arith.constant 0 : i32
      %dma_wait3A_455 = tpu.memref_slice %arg5[%dma_wait3A_448, %dma_wait3A_454] : memref<32x3584xf32, #tpu.memory_space<vmem>> -> memref<1x3584xf32, #tpu.memory_space<vmem>>
      %dma_wait3A_456 = tpu.memref_squeeze %dma_wait3A_455 : memref<1x3584xf32, #tpu.memory_space<vmem>> -> memref<3584xf32, #tpu.memory_space<vmem>>
      tpu.wait_dma2 semaphore(%arg7 : memref<!tpu.dma_semaphore, #tpu.memory_space<semaphore_mem>>) src(%dma_wait3A_456 : memref<3584xf32, #tpu.memory_space<vmem>>) dst(%dma_wait3A_453 : memref<3584xf32, #tpu.memory_space<hbm>>)
      %dma_wait3A_457 = arith.constant 10 : i32
      %dma_wait3A_458 = arith.constant 0 : i32
      %dma_wait3A_459 = tpu.memref_slice %arg5[%dma_wait3A_457, %dma_wait3A_458] : memref<32x3584xf32, #tpu.memory_space<vmem>> -> memref<1x3584xf32, #tpu.memory_space<vmem>>
      %dma_wait3A_460 = tpu.memref_squeeze %dma_wait3A_459 : memref<1x3584xf32, #tpu.memory_space<vmem>> -> memref<3584xf32, #tpu.memory_space<vmem>>
      %dma_wait3A_461 = tpu.memref_slice %arg4[%add3A_127] : memref<32002048xf32, #tpu.memory_space<hbm>> -> memref<3584xf32, #tpu.memory_space<hbm>>
      %dma_wait3A_462 = tpu.memref_slice %arg4[%add3A_127] : memref<32002048xf32, #tpu.memory_space<hbm>> -> memref<3584xf32, #tpu.memory_space<hbm>>
      %dma_wait3A_463 = arith.constant 0 : i32
      %dma_wait3A_464 = tpu.memref_slice %arg5[%dma_wait3A_457, %dma_wait3A_463] : memref<32x3584xf32, #tpu.memory_space<vmem>> -> memref<1x3584xf32, #tpu.memory_space<vmem>>
      %dma_wait3A_465 = tpu.memref_squeeze %dma_wait3A_464 : memref<1x3584xf32, #tpu.memory_space<vmem>> -> memref<3584xf32, #tpu.memory_space<vmem>>
      tpu.wait_dma2 semaphore(%arg7 : memref<!tpu.dma_semaphore, #tpu.memory_space<semaphore_mem>>) src(%dma_wait3A_465 : memref<3584xf32, #tpu.memory_space<vmem>>) dst(%dma_wait3A_462 : memref<3584xf32, #tpu.memory_space<hbm>>)
      %dma_wait3A_466 = arith.constant 11 : i32
      %dma_wait3A_467 = arith.constant 0 : i32
      %dma_wait3A_468 = tpu.memref_slice %arg5[%dma_wait3A_466, %dma_wait3A_467] : memref<32x3584xf32, #tpu.memory_space<vmem>> -> memref<1x3584xf32, #tpu.memory_space<vmem>>
      %dma_wait3A_469 = tpu.memref_squeeze %dma_wait3A_468 : memref<1x3584xf32, #tpu.memory_space<vmem>> -> memref<3584xf32, #tpu.memory_space<vmem>>
      %dma_wait3A_470 = tpu.memref_slice %arg4[%add3A_138] : memref<32002048xf32, #tpu.memory_space<hbm>> -> memref<3584xf32, #tpu.memory_space<hbm>>
      %dma_wait3A_471 = tpu.memref_slice %arg4[%add3A_138] : memref<32002048xf32, #tpu.memory_space<hbm>> -> memref<3584xf32, #tpu.memory_space<hbm>>
      %dma_wait3A_472 = arith.constant 0 : i32
      %dma_wait3A_473 = tpu.memref_slice %arg5[%dma_wait3A_466, %dma_wait3A_472] : memref<32x3584xf32, #tpu.memory_space<vmem>> -> memref<1x3584xf32, #tpu.memory_space<vmem>>
      %dma_wait3A_474 = tpu.memref_squeeze %dma_wait3A_473 : memref<1x3584xf32, #tpu.memory_space<vmem>> -> memref<3584xf32, #tpu.memory_space<vmem>>
      tpu.wait_dma2 semaphore(%arg7 : memref<!tpu.dma_semaphore, #tpu.memory_space<semaphore_mem>>) src(%dma_wait3A_474 : memref<3584xf32, #tpu.memory_space<vmem>>) dst(%dma_wait3A_471 : memref<3584xf32, #tpu.memory_space<hbm>>)
      %dma_wait3A_475 = arith.constant 12 : i32
      %dma_wait3A_476 = arith.constant 0 : i32
      %dma_wait3A_477 = tpu.memref_slice %arg5[%dma_wait3A_475, %dma_wait3A_476] : memref<32x3584xf32, #tpu.memory_space<vmem>> -> memref<1x3584xf32, #tpu.memory_space<vmem>>
      %dma_wait3A_478 = tpu.memref_squeeze %dma_wait3A_477 : memref<1x3584xf32, #tpu.memory_space<vmem>> -> memref<3584xf32, #tpu.memory_space<vmem>>
      %dma_wait3A_479 = tpu.memref_slice %arg4[%add3A_149] : memref<32002048xf32, #tpu.memory_space<hbm>> -> memref<3584xf32, #tpu.memory_space<hbm>>
      %dma_wait3A_480 = tpu.memref_slice %arg4[%add3A_149] : memref<32002048xf32, #tpu.memory_space<hbm>> -> memref<3584xf32, #tpu.memory_space<hbm>>
      %dma_wait3A_481 = arith.constant 0 : i32
      %dma_wait3A_482 = tpu.memref_slice %arg5[%dma_wait3A_475, %dma_wait3A_481] : memref<32x3584xf32, #tpu.memory_space<vmem>> -> memref<1x3584xf32, #tpu.memory_space<vmem>>
      %dma_wait3A_483 = tpu.memref_squeeze %dma_wait3A_482 : memref<1x3584xf32, #tpu.memory_space<vmem>> -> memref<3584xf32, #tpu.memory_space<vmem>>
      tpu.wait_dma2 semaphore(%arg7 : memref<!tpu.dma_semaphore, #tpu.memory_space<semaphore_mem>>) src(%dma_wait3A_483 : memref<3584xf32, #tpu.memory_space<vmem>>) dst(%dma_wait3A_480 : memref<3584xf32, #tpu.memory_space<hbm>>)
      %dma_wait3A_484 = arith.constant 13 : i32
      %dma_wait3A_485 = arith.constant 0 : i32
      %dma_wait3A_486 = tpu.memref_slice %arg5[%dma_wait3A_484, %dma_wait3A_485] : memref<32x3584xf32, #tpu.memory_space<vmem>> -> memref<1x3584xf32, #tpu.memory_space<vmem>>
      %dma_wait3A_487 = tpu.memref_squeeze %dma_wait3A_486 : memref<1x3584xf32, #tpu.memory_space<vmem>> -> memref<3584xf32, #tpu.memory_space<vmem>>
      %dma_wait3A_488 = tpu.memref_slice %arg4[%add3A_160] : memref<32002048xf32, #tpu.memory_space<hbm>> -> memref<3584xf32, #tpu.memory_space<hbm>>
      %dma_wait3A_489 = tpu.memref_slice %arg4[%add3A_160] : memref<32002048xf32, #tpu.memory_space<hbm>> -> memref<3584xf32, #tpu.memory_space<hbm>>
      %dma_wait3A_490 = arith.constant 0 : i32
      %dma_wait3A_491 = tpu.memref_slice %arg5[%dma_wait3A_484, %dma_wait3A_490] : memref<32x3584xf32, #tpu.memory_space<vmem>> -> memref<1x3584xf32, #tpu.memory_space<vmem>>
      %dma_wait3A_492 = tpu.memref_squeeze %dma_wait3A_491 : memref<1x3584xf32, #tpu.memory_space<vmem>> -> memref<3584xf32, #tpu.memory_space<vmem>>
      tpu.wait_dma2 semaphore(%arg7 : memref<!tpu.dma_semaphore, #tpu.memory_space<semaphore_mem>>) src(%dma_wait3A_492 : memref<3584xf32, #tpu.memory_space<vmem>>) dst(%dma_wait3A_489 : memref<3584xf32, #tpu.memory_space<hbm>>)
      %dma_wait3A_493 = arith.constant 14 : i32
      %dma_wait3A_494 = arith.constant 0 : i32
      %dma_wait3A_495 = tpu.memref_slice %arg5[%dma_wait3A_493, %dma_wait3A_494] : memref<32x3584xf32, #tpu.memory_space<vmem>> -> memref<1x3584xf32, #tpu.memory_space<vmem>>
      %dma_wait3A_496 = tpu.memref_squeeze %dma_wait3A_495 : memref<1x3584xf32, #tpu.memory_space<vmem>> -> memref<3584xf32, #tpu.memory_space<vmem>>
      %dma_wait3A_497 = tpu.memref_slice %arg4[%add3A_171] : memref<32002048xf32, #tpu.memory_space<hbm>> -> memref<3584xf32, #tpu.memory_space<hbm>>
      %dma_wait3A_498 = tpu.memref_slice %arg4[%add3A_171] : memref<32002048xf32, #tpu.memory_space<hbm>> -> memref<3584xf32, #tpu.memory_space<hbm>>
      %dma_wait3A_499 = arith.constant 0 : i32
      %dma_wait3A_500 = tpu.memref_slice %arg5[%dma_wait3A_493, %dma_wait3A_499] : memref<32x3584xf32, #tpu.memory_space<vmem>> -> memref<1x3584xf32, #tpu.memory_space<vmem>>
      %dma_wait3A_501 = tpu.memref_squeeze %dma_wait3A_500 : memref<1x3584xf32, #tpu.memory_space<vmem>> -> memref<3584xf32, #tpu.memory_space<vmem>>
      tpu.wait_dma2 semaphore(%arg7 : memref<!tpu.dma_semaphore, #tpu.memory_space<semaphore_mem>>) src(%dma_wait3A_501 : memref<3584xf32, #tpu.memory_space<vmem>>) dst(%dma_wait3A_498 : memref<3584xf32, #tpu.memory_space<hbm>>)
      %dma_wait3A_502 = arith.constant 15 : i32
      %dma_wait3A_503 = arith.constant 0 : i32
      %dma_wait3A_504 = tpu.memref_slice %arg5[%dma_wait3A_502, %dma_wait3A_503] : memref<32x3584xf32, #tpu.memory_space<vmem>> -> memref<1x3584xf32, #tpu.memory_space<vmem>>
      %dma_wait3A_505 = tpu.memref_squeeze %dma_wait3A_504 : memref<1x3584xf32, #tpu.memory_space<vmem>> -> memref<3584xf32, #tpu.memory_space<vmem>>
      %dma_wait3A_506 = tpu.memref_slice %arg4[%add3A_182] : memref<32002048xf32, #tpu.memory_space<hbm>> -> memref<3584xf32, #tpu.memory_space<hbm>>
      %dma_wait3A_507 = tpu.memref_slice %arg4[%add3A_182] : memref<32002048xf32, #tpu.memory_space<hbm>> -> memref<3584xf32, #tpu.memory_space<hbm>>
      %dma_wait3A_508 = arith.constant 0 : i32
      %dma_wait3A_509 = tpu.memref_slice %arg5[%dma_wait3A_502, %dma_wait3A_508] : memref<32x3584xf32, #tpu.memory_space<vmem>> -> memref<1x3584xf32, #tpu.memory_space<vmem>>
      %dma_wait3A_510 = tpu.memref_squeeze %dma_wait3A_509 : memref<1x3584xf32, #tpu.memory_space<vmem>> -> memref<3584xf32, #tpu.memory_space<vmem>>
      tpu.wait_dma2 semaphore(%arg7 : memref<!tpu.dma_semaphore, #tpu.memory_space<semaphore_mem>>) src(%dma_wait3A_510 : memref<3584xf32, #tpu.memory_space<vmem>>) dst(%dma_wait3A_507 : memref<3584xf32, #tpu.memory_space<hbm>>)
      %dma_wait3A_511 = arith.constant 16 : i32
      %dma_wait3A_512 = arith.constant 0 : i32
      %dma_wait3A_513 = tpu.memref_slice %arg5[%dma_wait3A_511, %dma_wait3A_512] : memref<32x3584xf32, #tpu.memory_space<vmem>> -> memref<1x3584xf32, #tpu.memory_space<vmem>>
      %dma_wait3A_514 = tpu.memref_squeeze %dma_wait3A_513 : memref<1x3584xf32, #tpu.memory_space<vmem>> -> memref<3584xf32, #tpu.memory_space<vmem>>
      %dma_wait3A_515 = tpu.memref_slice %arg4[%add3A_193] : memref<32002048xf32, #tpu.memory_space<hbm>> -> memref<3584xf32, #tpu.memory_space<hbm>>
      %dma_wait3A_516 = tpu.memref_slice %arg4[%add3A_193] : memref<32002048xf32, #tpu.memory_space<hbm>> -> memref<3584xf32, #tpu.memory_space<hbm>>
      %dma_wait3A_517 = arith.constant 0 : i32
      %dma_wait3A_518 = tpu.memref_slice %arg5[%dma_wait3A_511, %dma_wait3A_517] : memref<32x3584xf32, #tpu.memory_space<vmem>> -> memref<1x3584xf32, #tpu.memory_space<vmem>>
      %dma_wait3A_519 = tpu.memref_squeeze %dma_wait3A_518 : memref<1x3584xf32, #tpu.memory_space<vmem>> -> memref<3584xf32, #tpu.memory_space<vmem>>
      tpu.wait_dma2 semaphore(%arg7 : memref<!tpu.dma_semaphore, #tpu.memory_space<semaphore_mem>>) src(%dma_wait3A_519 : memref<3584xf32, #tpu.memory_space<vmem>>) dst(%dma_wait3A_516 : memref<3584xf32, #tpu.memory_space<hbm>>)
      %dma_wait3A_520 = arith.constant 17 : i32
      %dma_wait3A_521 = arith.constant 0 : i32
      %dma_wait3A_522 = tpu.memref_slice %arg5[%dma_wait3A_520, %dma_wait3A_521] : memref<32x3584xf32, #tpu.memory_space<vmem>> -> memref<1x3584xf32, #tpu.memory_space<vmem>>
      %dma_wait3A_523 = tpu.memref_squeeze %dma_wait3A_522 : memref<1x3584xf32, #tpu.memory_space<vmem>> -> memref<3584xf32, #tpu.memory_space<vmem>>
      %dma_wait3A_524 = tpu.memref_slice %arg4[%add3A_204] : memref<32002048xf32, #tpu.memory_space<hbm>> -> memref<3584xf32, #tpu.memory_space<hbm>>
      %dma_wait3A_525 = tpu.memref_slice %arg4[%add3A_204] : memref<32002048xf32, #tpu.memory_space<hbm>> -> memref<3584xf32, #tpu.memory_space<hbm>>
      %dma_wait3A_526 = arith.constant 0 : i32
      %dma_wait3A_527 = tpu.memref_slice %arg5[%dma_wait3A_520, %dma_wait3A_526] : memref<32x3584xf32, #tpu.memory_space<vmem>> -> memref<1x3584xf32, #tpu.memory_space<vmem>>
      %dma_wait3A_528 = tpu.memref_squeeze %dma_wait3A_527 : memref<1x3584xf32, #tpu.memory_space<vmem>> -> memref<3584xf32, #tpu.memory_space<vmem>>
      tpu.wait_dma2 semaphore(%arg7 : memref<!tpu.dma_semaphore, #tpu.memory_space<semaphore_mem>>) src(%dma_wait3A_528 : memref<3584xf32, #tpu.memory_space<vmem>>) dst(%dma_wait3A_525 : memref<3584xf32, #tpu.memory_space<hbm>>)
      %dma_wait3A_529 = arith.constant 18 : i32
      %dma_wait3A_530 = arith.constant 0 : i32
      %dma_wait3A_531 = tpu.memref_slice %arg5[%dma_wait3A_529, %dma_wait3A_530] : memref<32x3584xf32, #tpu.memory_space<vmem>> -> memref<1x3584xf32, #tpu.memory_space<vmem>>
      %dma_wait3A_532 = tpu.memref_squeeze %dma_wait3A_531 : memref<1x3584xf32, #tpu.memory_space<vmem>> -> memref<3584xf32, #tpu.memory_space<vmem>>
      %dma_wait3A_533 = tpu.memref_slice %arg4[%add3A_215] : memref<32002048xf32, #tpu.memory_space<hbm>> -> memref<3584xf32, #tpu.memory_space<hbm>>
      %dma_wait3A_534 = tpu.memref_slice %arg4[%add3A_215] : memref<32002048xf32, #tpu.memory_space<hbm>> -> memref<3584xf32, #tpu.memory_space<hbm>>
      %dma_wait3A_535 = arith.constant 0 : i32
      %dma_wait3A_536 = tpu.memref_slice %arg5[%dma_wait3A_529, %dma_wait3A_535] : memref<32x3584xf32, #tpu.memory_space<vmem>> -> memref<1x3584xf32, #tpu.memory_space<vmem>>
      %dma_wait3A_537 = tpu.memref_squeeze %dma_wait3A_536 : memref<1x3584xf32, #tpu.memory_space<vmem>> -> memref<3584xf32, #tpu.memory_space<vmem>>
      tpu.wait_dma2 semaphore(%arg7 : memref<!tpu.dma_semaphore, #tpu.memory_space<semaphore_mem>>) src(%dma_wait3A_537 : memref<3584xf32, #tpu.memory_space<vmem>>) dst(%dma_wait3A_534 : memref<3584xf32, #tpu.memory_space<hbm>>)
      %dma_wait3A_538 = arith.constant 19 : i32
      %dma_wait3A_539 = arith.constant 0 : i32
      %dma_wait3A_540 = tpu.memref_slice %arg5[%dma_wait3A_538, %dma_wait3A_539] : memref<32x3584xf32, #tpu.memory_space<vmem>> -> memref<1x3584xf32, #tpu.memory_space<vmem>>
      %dma_wait3A_541 = tpu.memref_squeeze %dma_wait3A_540 : memref<1x3584xf32, #tpu.memory_space<vmem>> -> memref<3584xf32, #tpu.memory_space<vmem>>
      %dma_wait3A_542 = tpu.memref_slice %arg4[%add3A_226] : memref<32002048xf32, #tpu.memory_space<hbm>> -> memref<3584xf32, #tpu.memory_space<hbm>>
      %dma_wait3A_543 = tpu.memref_slice %arg4[%add3A_226] : memref<32002048xf32, #tpu.memory_space<hbm>> -> memref<3584xf32, #tpu.memory_space<hbm>>
      %dma_wait3A_544 = arith.constant 0 : i32
      %dma_wait3A_545 = tpu.memref_slice %arg5[%dma_wait3A_538, %dma_wait3A_544] : memref<32x3584xf32, #tpu.memory_space<vmem>> -> memref<1x3584xf32, #tpu.memory_space<vmem>>
      %dma_wait3A_546 = tpu.memref_squeeze %dma_wait3A_545 : memref<1x3584xf32, #tpu.memory_space<vmem>> -> memref<3584xf32, #tpu.memory_space<vmem>>
      tpu.wait_dma2 semaphore(%arg7 : memref<!tpu.dma_semaphore, #tpu.memory_space<semaphore_mem>>) src(%dma_wait3A_546 : memref<3584xf32, #tpu.memory_space<vmem>>) dst(%dma_wait3A_543 : memref<3584xf32, #tpu.memory_space<hbm>>)
      %dma_wait3A_547 = arith.constant 20 : i32
      %dma_wait3A_548 = arith.constant 0 : i32
      %dma_wait3A_549 = tpu.memref_slice %arg5[%dma_wait3A_547, %dma_wait3A_548] : memref<32x3584xf32, #tpu.memory_space<vmem>> -> memref<1x3584xf32, #tpu.memory_space<vmem>>
      %dma_wait3A_550 = tpu.memref_squeeze %dma_wait3A_549 : memref<1x3584xf32, #tpu.memory_space<vmem>> -> memref<3584xf32, #tpu.memory_space<vmem>>
      %dma_wait3A_551 = tpu.memref_slice %arg4[%add3A_237] : memref<32002048xf32, #tpu.memory_space<hbm>> -> memref<3584xf32, #tpu.memory_space<hbm>>
      %dma_wait3A_552 = tpu.memref_slice %arg4[%add3A_237] : memref<32002048xf32, #tpu.memory_space<hbm>> -> memref<3584xf32, #tpu.memory_space<hbm>>
      %dma_wait3A_553 = arith.constant 0 : i32
      %dma_wait3A_554 = tpu.memref_slice %arg5[%dma_wait3A_547, %dma_wait3A_553] : memref<32x3584xf32, #tpu.memory_space<vmem>> -> memref<1x3584xf32, #tpu.memory_space<vmem>>
      %dma_wait3A_555 = tpu.memref_squeeze %dma_wait3A_554 : memref<1x3584xf32, #tpu.memory_space<vmem>> -> memref<3584xf32, #tpu.memory_space<vmem>>
      tpu.wait_dma2 semaphore(%arg7 : memref<!tpu.dma_semaphore, #tpu.memory_space<semaphore_mem>>) src(%dma_wait3A_555 : memref<3584xf32, #tpu.memory_space<vmem>>) dst(%dma_wait3A_552 : memref<3584xf32, #tpu.memory_space<hbm>>)
      %dma_wait3A_556 = arith.constant 21 : i32
      %dma_wait3A_557 = arith.constant 0 : i32
      %dma_wait3A_558 = tpu.memref_slice %arg5[%dma_wait3A_556, %dma_wait3A_557] : memref<32x3584xf32, #tpu.memory_space<vmem>> -> memref<1x3584xf32, #tpu.memory_space<vmem>>
      %dma_wait3A_559 = tpu.memref_squeeze %dma_wait3A_558 : memref<1x3584xf32, #tpu.memory_space<vmem>> -> memref<3584xf32, #tpu.memory_space<vmem>>
      %dma_wait3A_560 = tpu.memref_slice %arg4[%add3A_248] : memref<32002048xf32, #tpu.memory_space<hbm>> -> memref<3584xf32, #tpu.memory_space<hbm>>
      %dma_wait3A_561 = tpu.memref_slice %arg4[%add3A_248] : memref<32002048xf32, #tpu.memory_space<hbm>> -> memref<3584xf32, #tpu.memory_space<hbm>>
      %dma_wait3A_562 = arith.constant 0 : i32
      %dma_wait3A_563 = tpu.memref_slice %arg5[%dma_wait3A_556, %dma_wait3A_562] : memref<32x3584xf32, #tpu.memory_space<vmem>> -> memref<1x3584xf32, #tpu.memory_space<vmem>>
      %dma_wait3A_564 = tpu.memref_squeeze %dma_wait3A_563 : memref<1x3584xf32, #tpu.memory_space<vmem>> -> memref<3584xf32, #tpu.memory_space<vmem>>
      tpu.wait_dma2 semaphore(%arg7 : memref<!tpu.dma_semaphore, #tpu.memory_space<semaphore_mem>>) src(%dma_wait3A_564 : memref<3584xf32, #tpu.memory_space<vmem>>) dst(%dma_wait3A_561 : memref<3584xf32, #tpu.memory_space<hbm>>)
      %dma_wait3A_565 = arith.constant 22 : i32
      %dma_wait3A_566 = arith.constant 0 : i32
      %dma_wait3A_567 = tpu.memref_slice %arg5[%dma_wait3A_565, %dma_wait3A_566] : memref<32x3584xf32, #tpu.memory_space<vmem>> -> memref<1x3584xf32, #tpu.memory_space<vmem>>
      %dma_wait3A_568 = tpu.memref_squeeze %dma_wait3A_567 : memref<1x3584xf32, #tpu.memory_space<vmem>> -> memref<3584xf32, #tpu.memory_space<vmem>>
      %dma_wait3A_569 = tpu.memref_slice %arg4[%add3A_259] : memref<32002048xf32, #tpu.memory_space<hbm>> -> memref<3584xf32, #tpu.memory_space<hbm>>
      %dma_wait3A_570 = tpu.memref_slice %arg4[%add3A_259] : memref<32002048xf32, #tpu.memory_space<hbm>> -> memref<3584xf32, #tpu.memory_space<hbm>>
      %dma_wait3A_571 = arith.constant 0 : i32
      %dma_wait3A_572 = tpu.memref_slice %arg5[%dma_wait3A_565, %dma_wait3A_571] : memref<32x3584xf32, #tpu.memory_space<vmem>> -> memref<1x3584xf32, #tpu.memory_space<vmem>>
      %dma_wait3A_573 = tpu.memref_squeeze %dma_wait3A_572 : memref<1x3584xf32, #tpu.memory_space<vmem>> -> memref<3584xf32, #tpu.memory_space<vmem>>
      tpu.wait_dma2 semaphore(%arg7 : memref<!tpu.dma_semaphore, #tpu.memory_space<semaphore_mem>>) src(%dma_wait3A_573 : memref<3584xf32, #tpu.memory_space<vmem>>) dst(%dma_wait3A_570 : memref<3584xf32, #tpu.memory_space<hbm>>)
      %dma_wait3A_574 = arith.constant 23 : i32
      %dma_wait3A_575 = arith.constant 0 : i32
      %dma_wait3A_576 = tpu.memref_slice %arg5[%dma_wait3A_574, %dma_wait3A_575] : memref<32x3584xf32, #tpu.memory_space<vmem>> -> memref<1x3584xf32, #tpu.memory_space<vmem>>
      %dma_wait3A_577 = tpu.memref_squeeze %dma_wait3A_576 : memref<1x3584xf32, #tpu.memory_space<vmem>> -> memref<3584xf32, #tpu.memory_space<vmem>>
      %dma_wait3A_578 = tpu.memref_slice %arg4[%add3A_270] : memref<32002048xf32, #tpu.memory_space<hbm>> -> memref<3584xf32, #tpu.memory_space<hbm>>
      %dma_wait3A_579 = tpu.memref_slice %arg4[%add3A_270] : memref<32002048xf32, #tpu.memory_space<hbm>> -> memref<3584xf32, #tpu.memory_space<hbm>>
      %dma_wait3A_580 = arith.constant 0 : i32
      %dma_wait3A_581 = tpu.memref_slice %arg5[%dma_wait3A_574, %dma_wait3A_580] : memref<32x3584xf32, #tpu.memory_space<vmem>> -> memref<1x3584xf32, #tpu.memory_space<vmem>>
      %dma_wait3A_582 = tpu.memref_squeeze %dma_wait3A_581 : memref<1x3584xf32, #tpu.memory_space<vmem>> -> memref<3584xf32, #tpu.memory_space<vmem>>
      tpu.wait_dma2 semaphore(%arg7 : memref<!tpu.dma_semaphore, #tpu.memory_space<semaphore_mem>>) src(%dma_wait3A_582 : memref<3584xf32, #tpu.memory_space<vmem>>) dst(%dma_wait3A_579 : memref<3584xf32, #tpu.memory_space<hbm>>)
      %dma_wait3A_583 = arith.constant 24 : i32
      %dma_wait3A_584 = arith.constant 0 : i32
      %dma_wait3A_585 = tpu.memref_slice %arg5[%dma_wait3A_583, %dma_wait3A_584] : memref<32x3584xf32, #tpu.memory_space<vmem>> -> memref<1x3584xf32, #tpu.memory_space<vmem>>
      %dma_wait3A_586 = tpu.memref_squeeze %dma_wait3A_585 : memref<1x3584xf32, #tpu.memory_space<vmem>> -> memref<3584xf32, #tpu.memory_space<vmem>>
      %dma_wait3A_587 = tpu.memref_slice %arg4[%add3A_281] : memref<32002048xf32, #tpu.memory_space<hbm>> -> memref<3584xf32, #tpu.memory_space<hbm>>
      %dma_wait3A_588 = tpu.memref_slice %arg4[%add3A_281] : memref<32002048xf32, #tpu.memory_space<hbm>> -> memref<3584xf32, #tpu.memory_space<hbm>>
      %dma_wait3A_589 = arith.constant 0 : i32
      %dma_wait3A_590 = tpu.memref_slice %arg5[%dma_wait3A_583, %dma_wait3A_589] : memref<32x3584xf32, #tpu.memory_space<vmem>> -> memref<1x3584xf32, #tpu.memory_space<vmem>>
      %dma_wait3A_591 = tpu.memref_squeeze %dma_wait3A_590 : memref<1x3584xf32, #tpu.memory_space<vmem>> -> memref<3584xf32, #tpu.memory_space<vmem>>
      tpu.wait_dma2 semaphore(%arg7 : memref<!tpu.dma_semaphore, #tpu.memory_space<semaphore_mem>>) src(%dma_wait3A_591 : memref<3584xf32, #tpu.memory_space<vmem>>) dst(%dma_wait3A_588 : memref<3584xf32, #tpu.memory_space<hbm>>)
      %dma_wait3A_592 = arith.constant 25 : i32
      %dma_wait3A_593 = arith.constant 0 : i32
      %dma_wait3A_594 = tpu.memref_slice %arg5[%dma_wait3A_592, %dma_wait3A_593] : memref<32x3584xf32, #tpu.memory_space<vmem>> -> memref<1x3584xf32, #tpu.memory_space<vmem>>
      %dma_wait3A_595 = tpu.memref_squeeze %dma_wait3A_594 : memref<1x3584xf32, #tpu.memory_space<vmem>> -> memref<3584xf32, #tpu.memory_space<vmem>>
      %dma_wait3A_596 = tpu.memref_slice %arg4[%add3A_292] : memref<32002048xf32, #tpu.memory_space<hbm>> -> memref<3584xf32, #tpu.memory_space<hbm>>
      %dma_wait3A_597 = tpu.memref_slice %arg4[%add3A_292] : memref<32002048xf32, #tpu.memory_space<hbm>> -> memref<3584xf32, #tpu.memory_space<hbm>>
      %dma_wait3A_598 = arith.constant 0 : i32
      %dma_wait3A_599 = tpu.memref_slice %arg5[%dma_wait3A_592, %dma_wait3A_598] : memref<32x3584xf32, #tpu.memory_space<vmem>> -> memref<1x3584xf32, #tpu.memory_space<vmem>>
      %dma_wait3A_600 = tpu.memref_squeeze %dma_wait3A_599 : memref<1x3584xf32, #tpu.memory_space<vmem>> -> memref<3584xf32, #tpu.memory_space<vmem>>
      tpu.wait_dma2 semaphore(%arg7 : memref<!tpu.dma_semaphore, #tpu.memory_space<semaphore_mem>>) src(%dma_wait3A_600 : memref<3584xf32, #tpu.memory_space<vmem>>) dst(%dma_wait3A_597 : memref<3584xf32, #tpu.memory_space<hbm>>)
      %dma_wait3A_601 = arith.constant 26 : i32
      %dma_wait3A_602 = arith.constant 0 : i32
      %dma_wait3A_603 = tpu.memref_slice %arg5[%dma_wait3A_601, %dma_wait3A_602] : memref<32x3584xf32, #tpu.memory_space<vmem>> -> memref<1x3584xf32, #tpu.memory_space<vmem>>
      %dma_wait3A_604 = tpu.memref_squeeze %dma_wait3A_603 : memref<1x3584xf32, #tpu.memory_space<vmem>> -> memref<3584xf32, #tpu.memory_space<vmem>>
      %dma_wait3A_605 = tpu.memref_slice %arg4[%add3A_303] : memref<32002048xf32, #tpu.memory_space<hbm>> -> memref<3584xf32, #tpu.memory_space<hbm>>
      %dma_wait3A_606 = tpu.memref_slice %arg4[%add3A_303] : memref<32002048xf32, #tpu.memory_space<hbm>> -> memref<3584xf32, #tpu.memory_space<hbm>>
      %dma_wait3A_607 = arith.constant 0 : i32
      %dma_wait3A_608 = tpu.memref_slice %arg5[%dma_wait3A_601, %dma_wait3A_607] : memref<32x3584xf32, #tpu.memory_space<vmem>> -> memref<1x3584xf32, #tpu.memory_space<vmem>>
      %dma_wait3A_609 = tpu.memref_squeeze %dma_wait3A_608 : memref<1x3584xf32, #tpu.memory_space<vmem>> -> memref<3584xf32, #tpu.memory_space<vmem>>
      tpu.wait_dma2 semaphore(%arg7 : memref<!tpu.dma_semaphore, #tpu.memory_space<semaphore_mem>>) src(%dma_wait3A_609 : memref<3584xf32, #tpu.memory_space<vmem>>) dst(%dma_wait3A_606 : memref<3584xf32, #tpu.memory_space<hbm>>)
      %dma_wait3A_610 = arith.constant 27 : i32
      %dma_wait3A_611 = arith.constant 0 : i32
      %dma_wait3A_612 = tpu.memref_slice %arg5[%dma_wait3A_610, %dma_wait3A_611] : memref<32x3584xf32, #tpu.memory_space<vmem>> -> memref<1x3584xf32, #tpu.memory_space<vmem>>
      %dma_wait3A_613 = tpu.memref_squeeze %dma_wait3A_612 : memref<1x3584xf32, #tpu.memory_space<vmem>> -> memref<3584xf32, #tpu.memory_space<vmem>>
      %dma_wait3A_614 = tpu.memref_slice %arg4[%add3A_314] : memref<32002048xf32, #tpu.memory_space<hbm>> -> memref<3584xf32, #tpu.memory_space<hbm>>
      %dma_wait3A_615 = tpu.memref_slice %arg4[%add3A_314] : memref<32002048xf32, #tpu.memory_space<hbm>> -> memref<3584xf32, #tpu.memory_space<hbm>>
      %dma_wait3A_616 = arith.constant 0 : i32
      %dma_wait3A_617 = tpu.memref_slice %arg5[%dma_wait3A_610, %dma_wait3A_616] : memref<32x3584xf32, #tpu.memory_space<vmem>> -> memref<1x3584xf32, #tpu.memory_space<vmem>>
      %dma_wait3A_618 = tpu.memref_squeeze %dma_wait3A_617 : memref<1x3584xf32, #tpu.memory_space<vmem>> -> memref<3584xf32, #tpu.memory_space<vmem>>
      tpu.wait_dma2 semaphore(%arg7 : memref<!tpu.dma_semaphore, #tpu.memory_space<semaphore_mem>>) src(%dma_wait3A_618 : memref<3584xf32, #tpu.memory_space<vmem>>) dst(%dma_wait3A_615 : memref<3584xf32, #tpu.memory_space<hbm>>)
      %dma_wait3A_619 = arith.constant 28 : i32
      %dma_wait3A_620 = arith.constant 0 : i32
      %dma_wait3A_621 = tpu.memref_slice %arg5[%dma_wait3A_619, %dma_wait3A_620] : memref<32x3584xf32, #tpu.memory_space<vmem>> -> memref<1x3584xf32, #tpu.memory_space<vmem>>
      %dma_wait3A_622 = tpu.memref_squeeze %dma_wait3A_621 : memref<1x3584xf32, #tpu.memory_space<vmem>> -> memref<3584xf32, #tpu.memory_space<vmem>>
      %dma_wait3A_623 = tpu.memref_slice %arg4[%add3A_325] : memref<32002048xf32, #tpu.memory_space<hbm>> -> memref<3584xf32, #tpu.memory_space<hbm>>
      %dma_wait3A_624 = tpu.memref_slice %arg4[%add3A_325] : memref<32002048xf32, #tpu.memory_space<hbm>> -> memref<3584xf32, #tpu.memory_space<hbm>>
      %dma_wait3A_625 = arith.constant 0 : i32
      %dma_wait3A_626 = tpu.memref_slice %arg5[%dma_wait3A_619, %dma_wait3A_625] : memref<32x3584xf32, #tpu.memory_space<vmem>> -> memref<1x3584xf32, #tpu.memory_space<vmem>>
      %dma_wait3A_627 = tpu.memref_squeeze %dma_wait3A_626 : memref<1x3584xf32, #tpu.memory_space<vmem>> -> memref<3584xf32, #tpu.memory_space<vmem>>
      tpu.wait_dma2 semaphore(%arg7 : memref<!tpu.dma_semaphore, #tpu.memory_space<semaphore_mem>>) src(%dma_wait3A_627 : memref<3584xf32, #tpu.memory_space<vmem>>) dst(%dma_wait3A_624 : memref<3584xf32, #tpu.memory_space<hbm>>)
      %dma_wait3A_628 = arith.constant 29 : i32
      %dma_wait3A_629 = arith.constant 0 : i32
      %dma_wait3A_630 = tpu.memref_slice %arg5[%dma_wait3A_628, %dma_wait3A_629] : memref<32x3584xf32, #tpu.memory_space<vmem>> -> memref<1x3584xf32, #tpu.memory_space<vmem>>
      %dma_wait3A_631 = tpu.memref_squeeze %dma_wait3A_630 : memref<1x3584xf32, #tpu.memory_space<vmem>> -> memref<3584xf32, #tpu.memory_space<vmem>>
      %dma_wait3A_632 = tpu.memref_slice %arg4[%add3A_336] : memref<32002048xf32, #tpu.memory_space<hbm>> -> memref<3584xf32, #tpu.memory_space<hbm>>
      %dma_wait3A_633 = tpu.memref_slice %arg4[%add3A_336] : memref<32002048xf32, #tpu.memory_space<hbm>> -> memref<3584xf32, #tpu.memory_space<hbm>>
      %dma_wait3A_634 = arith.constant 0 : i32
      %dma_wait3A_635 = tpu.memref_slice %arg5[%dma_wait3A_628, %dma_wait3A_634] : memref<32x3584xf32, #tpu.memory_space<vmem>> -> memref<1x3584xf32, #tpu.memory_space<vmem>>
      %dma_wait3A_636 = tpu.memref_squeeze %dma_wait3A_635 : memref<1x3584xf32, #tpu.memory_space<vmem>> -> memref<3584xf32, #tpu.memory_space<vmem>>
      tpu.wait_dma2 semaphore(%arg7 : memref<!tpu.dma_semaphore, #tpu.memory_space<semaphore_mem>>) src(%dma_wait3A_636 : memref<3584xf32, #tpu.memory_space<vmem>>) dst(%dma_wait3A_633 : memref<3584xf32, #tpu.memory_space<hbm>>)
      %dma_wait3A_637 = arith.constant 30 : i32
      %dma_wait3A_638 = arith.constant 0 : i32
      %dma_wait3A_639 = tpu.memref_slice %arg5[%dma_wait3A_637, %dma_wait3A_638] : memref<32x3584xf32, #tpu.memory_space<vmem>> -> memref<1x3584xf32, #tpu.memory_space<vmem>>
      %dma_wait3A_640 = tpu.memref_squeeze %dma_wait3A_639 : memref<1x3584xf32, #tpu.memory_space<vmem>> -> memref<3584xf32, #tpu.memory_space<vmem>>
      %dma_wait3A_641 = tpu.memref_slice %arg4[%add3A_347] : memref<32002048xf32, #tpu.memory_space<hbm>> -> memref<3584xf32, #tpu.memory_space<hbm>>
      %dma_wait3A_642 = tpu.memref_slice %arg4[%add3A_347] : memref<32002048xf32, #tpu.memory_space<hbm>> -> memref<3584xf32, #tpu.memory_space<hbm>>
      %dma_wait3A_643 = arith.constant 0 : i32
      %dma_wait3A_644 = tpu.memref_slice %arg5[%dma_wait3A_637, %dma_wait3A_643] : memref<32x3584xf32, #tpu.memory_space<vmem>> -> memref<1x3584xf32, #tpu.memory_space<vmem>>
      %dma_wait3A_645 = tpu.memref_squeeze %dma_wait3A_644 : memref<1x3584xf32, #tpu.memory_space<vmem>> -> memref<3584xf32, #tpu.memory_space<vmem>>
      tpu.wait_dma2 semaphore(%arg7 : memref<!tpu.dma_semaphore, #tpu.memory_space<semaphore_mem>>) src(%dma_wait3A_645 : memref<3584xf32, #tpu.memory_space<vmem>>) dst(%dma_wait3A_642 : memref<3584xf32, #tpu.memory_space<hbm>>)
      %dma_wait3A_646 = arith.constant 31 : i32
      %dma_wait3A_647 = arith.constant 0 : i32
      %dma_wait3A_648 = tpu.memref_slice %arg5[%dma_wait3A_646, %dma_wait3A_647] : memref<32x3584xf32, #tpu.memory_space<vmem>> -> memref<1x3584xf32, #tpu.memory_space<vmem>>
      %dma_wait3A_649 = tpu.memref_squeeze %dma_wait3A_648 : memref<1x3584xf32, #tpu.memory_space<vmem>> -> memref<3584xf32, #tpu.memory_space<vmem>>
      %dma_wait3A_650 = tpu.memref_slice %arg4[%add3A_358] : memref<32002048xf32, #tpu.memory_space<hbm>> -> memref<3584xf32, #tpu.memory_space<hbm>>
      %dma_wait3A_651 = tpu.memref_slice %arg4[%add3A_358] : memref<32002048xf32, #tpu.memory_space<hbm>> -> memref<3584xf32, #tpu.memory_space<hbm>>
      %dma_wait3A_652 = arith.constant 0 : i32
      %dma_wait3A_653 = tpu.memref_slice %arg5[%dma_wait3A_646, %dma_wait3A_652] : memref<32x3584xf32, #tpu.memory_space<vmem>> -> memref<1x3584xf32, #tpu.memory_space<vmem>>
      %dma_wait3A_654 = tpu.memref_squeeze %dma_wait3A_653 : memref<1x3584xf32, #tpu.memory_space<vmem>> -> memref<3584xf32, #tpu.memory_space<vmem>>
      tpu.wait_dma2 semaphore(%arg7 : memref<!tpu.dma_semaphore, #tpu.memory_space<semaphore_mem>>) src(%dma_wait3A_654 : memref<3584xf32, #tpu.memory_space<vmem>>) dst(%dma_wait3A_651 : memref<3584xf32, #tpu.memory_space<hbm>>)
      %scan3A_655 = arith.constant 0 : i32
      scf.yield %scan3A_655 : i32
    }
    %scan3A_8 = arith.constant 9 : i32
    %eq3A = arith.constant 31 : i32
    %eq3A_9 = arith.cmpi eq, %add3A, %eq3A : i32
    %convert_element_type3A = arith.extui %eq3A_9 : i1 to i32
    %cond3A = arith.constant 0 : i32
    %cond3A_10 = arith.cmpi ne, %convert_element_type3A, %cond3A : i32
    scf.if %cond3A_10 {
      "tpu.region"() ({
        %run_scoped3A = tpu.sem_alloc : memref<!tpu.dma_semaphore, #tpu.memory_space<semaphore_mem>>
        tpu.enqueue_dma source(%arg3 : memref<32x128xf32, #tpu.memory_space<hbm>>) target(%arg6 : memref<32x128xf32, #tpu.memory_space<vmem>>) target_semaphore(%run_scoped3A : memref<!tpu.dma_semaphore, #tpu.memory_space<semaphore_mem>>)
        tpu.wait_dma2 semaphore(%run_scoped3A : memref<!tpu.dma_semaphore, #tpu.memory_space<semaphore_mem>>) src(%arg3 : memref<32x128xf32, #tpu.memory_space<hbm>>) dst(%arg6 : memref<32x128xf32, #tpu.memory_space<vmem>>)
        tpu.yield
      }) : () -> ()
      %dma_start3A = arith.constant 0 : i32
      %dma_start3A_11 = arith.constant 0 : i32
      %dma_start3A_12 = tpu.memref_slice %arg6[%dma_start3A, %dma_start3A_11] : memref<32x128xf32, #tpu.memory_space<vmem>> -> memref<1x128xf32, #tpu.memory_space<vmem>>
      %dma_start3A_13 = tpu.memref_squeeze %dma_start3A_12 : memref<1x128xf32, #tpu.memory_space<vmem>> -> memref<128xf32, #tpu.memory_space<vmem>>
      %dma_start3A_14 = arith.constant 999936 : i32
      %dma_start3A_15 = tpu.memref_slice %arg4[%dma_start3A_14] : memref<32002048xf32, #tpu.memory_space<hbm>> -> memref<128xf32, #tpu.memory_space<hbm>>
      %dma_start3A_16 = arith.constant 999936 : i32
      %dma_start3A_17 = tpu.memref_slice %arg4[%dma_start3A_16] : memref<32002048xf32, #tpu.memory_space<hbm>> -> memref<128xf32, #tpu.memory_space<hbm>>
      %dma_start3A_18 = arith.constant 0 : i32
      %dma_start3A_19 = tpu.memref_slice %arg6[%dma_start3A, %dma_start3A_18] : memref<32x128xf32, #tpu.memory_space<vmem>> -> memref<1x128xf32, #tpu.memory_space<vmem>>
      %dma_start3A_20 = tpu.memref_squeeze %dma_start3A_19 : memref<1x128xf32, #tpu.memory_space<vmem>> -> memref<128xf32, #tpu.memory_space<vmem>>
      tpu.enqueue_dma source(%dma_start3A_20 : memref<128xf32, #tpu.memory_space<vmem>>) target(%dma_start3A_17 : memref<128xf32, #tpu.memory_space<hbm>>) target_semaphore(%arg7 : memref<!tpu.dma_semaphore, #tpu.memory_space<semaphore_mem>>)
      %dma_start3A_21 = arith.constant 1 : i32
      %dma_start3A_22 = arith.constant 0 : i32
      %dma_start3A_23 = tpu.memref_slice %arg6[%dma_start3A_21, %dma_start3A_22] : memref<32x128xf32, #tpu.memory_space<vmem>> -> memref<1x128xf32, #tpu.memory_space<vmem>>
      %dma_start3A_24 = tpu.memref_squeeze %dma_start3A_23 : memref<1x128xf32, #tpu.memory_space<vmem>> -> memref<128xf32, #tpu.memory_space<vmem>>
      %dma_start3A_25 = arith.constant 2000000 : i32
      %dma_start3A_26 = tpu.memref_slice %arg4[%dma_start3A_25] : memref<32002048xf32, #tpu.memory_space<hbm>> -> memref<128xf32, #tpu.memory_space<hbm>>
      %dma_start3A_27 = arith.constant 2000000 : i32
      %dma_start3A_28 = tpu.memref_slice %arg4[%dma_start3A_27] : memref<32002048xf32, #tpu.memory_space<hbm>> -> memref<128xf32, #tpu.memory_space<hbm>>
      %dma_start3A_29 = arith.constant 0 : i32
      %dma_start3A_30 = tpu.memref_slice %arg6[%dma_start3A_21, %dma_start3A_29] : memref<32x128xf32, #tpu.memory_space<vmem>> -> memref<1x128xf32, #tpu.memory_space<vmem>>
      %dma_start3A_31 = tpu.memref_squeeze %dma_start3A_30 : memref<1x128xf32, #tpu.memory_space<vmem>> -> memref<128xf32, #tpu.memory_space<vmem>>
      tpu.enqueue_dma source(%dma_start3A_31 : memref<128xf32, #tpu.memory_space<vmem>>) target(%dma_start3A_28 : memref<128xf32, #tpu.memory_space<hbm>>) target_semaphore(%arg7 : memref<!tpu.dma_semaphore, #tpu.memory_space<semaphore_mem>>)
      %dma_start3A_32 = arith.constant 2 : i32
      %dma_start3A_33 = arith.constant 0 : i32
      %dma_start3A_34 = tpu.memref_slice %arg6[%dma_start3A_32, %dma_start3A_33] : memref<32x128xf32, #tpu.memory_space<vmem>> -> memref<1x128xf32, #tpu.memory_space<vmem>>
      %dma_start3A_35 = tpu.memref_squeeze %dma_start3A_34 : memref<1x128xf32, #tpu.memory_space<vmem>> -> memref<128xf32, #tpu.memory_space<vmem>>
      %dma_start3A_36 = arith.constant 3000064 : i32
      %dma_start3A_37 = tpu.memref_slice %arg4[%dma_start3A_36] : memref<32002048xf32, #tpu.memory_space<hbm>> -> memref<128xf32, #tpu.memory_space<hbm>>
      %dma_start3A_38 = arith.constant 3000064 : i32
      %dma_start3A_39 = tpu.memref_slice %arg4[%dma_start3A_38] : memref<32002048xf32, #tpu.memory_space<hbm>> -> memref<128xf32, #tpu.memory_space<hbm>>
      %dma_start3A_40 = arith.constant 0 : i32
      %dma_start3A_41 = tpu.memref_slice %arg6[%dma_start3A_32, %dma_start3A_40] : memref<32x128xf32, #tpu.memory_space<vmem>> -> memref<1x128xf32, #tpu.memory_space<vmem>>
      %dma_start3A_42 = tpu.memref_squeeze %dma_start3A_41 : memref<1x128xf32, #tpu.memory_space<vmem>> -> memref<128xf32, #tpu.memory_space<vmem>>
      tpu.enqueue_dma source(%dma_start3A_42 : memref<128xf32, #tpu.memory_space<vmem>>) target(%dma_start3A_39 : memref<128xf32, #tpu.memory_space<hbm>>) target_semaphore(%arg7 : memref<!tpu.dma_semaphore, #tpu.memory_space<semaphore_mem>>)
      %dma_start3A_43 = arith.constant 3 : i32
      %dma_start3A_44 = arith.constant 0 : i32
      %dma_start3A_45 = tpu.memref_slice %arg6[%dma_start3A_43, %dma_start3A_44] : memref<32x128xf32, #tpu.memory_space<vmem>> -> memref<1x128xf32, #tpu.memory_space<vmem>>
      %dma_start3A_46 = tpu.memref_squeeze %dma_start3A_45 : memref<1x128xf32, #tpu.memory_space<vmem>> -> memref<128xf32, #tpu.memory_space<vmem>>
      %dma_start3A_47 = arith.constant 4000128 : i32
      %dma_start3A_48 = tpu.memref_slice %arg4[%dma_start3A_47] : memref<32002048xf32, #tpu.memory_space<hbm>> -> memref<128xf32, #tpu.memory_space<hbm>>
      %dma_start3A_49 = arith.constant 4000128 : i32
      %dma_start3A_50 = tpu.memref_slice %arg4[%dma_start3A_49] : memref<32002048xf32, #tpu.memory_space<hbm>> -> memref<128xf32, #tpu.memory_space<hbm>>
      %dma_start3A_51 = arith.constant 0 : i32
      %dma_start3A_52 = tpu.memref_slice %arg6[%dma_start3A_43, %dma_start3A_51] : memref<32x128xf32, #tpu.memory_space<vmem>> -> memref<1x128xf32, #tpu.memory_space<vmem>>
      %dma_start3A_53 = tpu.memref_squeeze %dma_start3A_52 : memref<1x128xf32, #tpu.memory_space<vmem>> -> memref<128xf32, #tpu.memory_space<vmem>>
      tpu.enqueue_dma source(%dma_start3A_53 : memref<128xf32, #tpu.memory_space<vmem>>) target(%dma_start3A_50 : memref<128xf32, #tpu.memory_space<hbm>>) target_semaphore(%arg7 : memref<!tpu.dma_semaphore, #tpu.memory_space<semaphore_mem>>)
      %dma_start3A_54 = arith.constant 4 : i32
      %dma_start3A_55 = arith.constant 0 : i32
      %dma_start3A_56 = tpu.memref_slice %arg6[%dma_start3A_54, %dma_start3A_55] : memref<32x128xf32, #tpu.memory_space<vmem>> -> memref<1x128xf32, #tpu.memory_space<vmem>>
      %dma_start3A_57 = tpu.memref_squeeze %dma_start3A_56 : memref<1x128xf32, #tpu.memory_space<vmem>> -> memref<128xf32, #tpu.memory_space<vmem>>
      %dma_start3A_58 = arith.constant 5000192 : i32
      %dma_start3A_59 = tpu.memref_slice %arg4[%dma_start3A_58] : memref<32002048xf32, #tpu.memory_space<hbm>> -> memref<128xf32, #tpu.memory_space<hbm>>
      %dma_start3A_60 = arith.constant 5000192 : i32
      %dma_start3A_61 = tpu.memref_slice %arg4[%dma_start3A_60] : memref<32002048xf32, #tpu.memory_space<hbm>> -> memref<128xf32, #tpu.memory_space<hbm>>
      %dma_start3A_62 = arith.constant 0 : i32
      %dma_start3A_63 = tpu.memref_slice %arg6[%dma_start3A_54, %dma_start3A_62] : memref<32x128xf32, #tpu.memory_space<vmem>> -> memref<1x128xf32, #tpu.memory_space<vmem>>
      %dma_start3A_64 = tpu.memref_squeeze %dma_start3A_63 : memref<1x128xf32, #tpu.memory_space<vmem>> -> memref<128xf32, #tpu.memory_space<vmem>>
      tpu.enqueue_dma source(%dma_start3A_64 : memref<128xf32, #tpu.memory_space<vmem>>) target(%dma_start3A_61 : memref<128xf32, #tpu.memory_space<hbm>>) target_semaphore(%arg7 : memref<!tpu.dma_semaphore, #tpu.memory_space<semaphore_mem>>)
      %dma_start3A_65 = arith.constant 5 : i32
      %dma_start3A_66 = arith.constant 0 : i32
      %dma_start3A_67 = tpu.memref_slice %arg6[%dma_start3A_65, %dma_start3A_66] : memref<32x128xf32, #tpu.memory_space<vmem>> -> memref<1x128xf32, #tpu.memory_space<vmem>>
      %dma_start3A_68 = tpu.memref_squeeze %dma_start3A_67 : memref<1x128xf32, #tpu.memory_space<vmem>> -> memref<128xf32, #tpu.memory_space<vmem>>
      %dma_start3A_69 = arith.constant 6000256 : i32
      %dma_start3A_70 = tpu.memref_slice %arg4[%dma_start3A_69] : memref<32002048xf32, #tpu.memory_space<hbm>> -> memref<128xf32, #tpu.memory_space<hbm>>
      %dma_start3A_71 = arith.constant 6000256 : i32
      %dma_start3A_72 = tpu.memref_slice %arg4[%dma_start3A_71] : memref<32002048xf32, #tpu.memory_space<hbm>> -> memref<128xf32, #tpu.memory_space<hbm>>
      %dma_start3A_73 = arith.constant 0 : i32
      %dma_start3A_74 = tpu.memref_slice %arg6[%dma_start3A_65, %dma_start3A_73] : memref<32x128xf32, #tpu.memory_space<vmem>> -> memref<1x128xf32, #tpu.memory_space<vmem>>
      %dma_start3A_75 = tpu.memref_squeeze %dma_start3A_74 : memref<1x128xf32, #tpu.memory_space<vmem>> -> memref<128xf32, #tpu.memory_space<vmem>>
      tpu.enqueue_dma source(%dma_start3A_75 : memref<128xf32, #tpu.memory_space<vmem>>) target(%dma_start3A_72 : memref<128xf32, #tpu.memory_space<hbm>>) target_semaphore(%arg7 : memref<!tpu.dma_semaphore, #tpu.memory_space<semaphore_mem>>)
      %dma_start3A_76 = arith.constant 6 : i32
      %dma_start3A_77 = arith.constant 0 : i32
      %dma_start3A_78 = tpu.memref_slice %arg6[%dma_start3A_76, %dma_start3A_77] : memref<32x128xf32, #tpu.memory_space<vmem>> -> memref<1x128xf32, #tpu.memory_space<vmem>>
      %dma_start3A_79 = tpu.memref_squeeze %dma_start3A_78 : memref<1x128xf32, #tpu.memory_space<vmem>> -> memref<128xf32, #tpu.memory_space<vmem>>
      %dma_start3A_80 = arith.constant 7000320 : i32
      %dma_start3A_81 = tpu.memref_slice %arg4[%dma_start3A_80] : memref<32002048xf32, #tpu.memory_space<hbm>> -> memref<128xf32, #tpu.memory_space<hbm>>
      %dma_start3A_82 = arith.constant 7000320 : i32
      %dma_start3A_83 = tpu.memref_slice %arg4[%dma_start3A_82] : memref<32002048xf32, #tpu.memory_space<hbm>> -> memref<128xf32, #tpu.memory_space<hbm>>
      %dma_start3A_84 = arith.constant 0 : i32
      %dma_start3A_85 = tpu.memref_slice %arg6[%dma_start3A_76, %dma_start3A_84] : memref<32x128xf32, #tpu.memory_space<vmem>> -> memref<1x128xf32, #tpu.memory_space<vmem>>
      %dma_start3A_86 = tpu.memref_squeeze %dma_start3A_85 : memref<1x128xf32, #tpu.memory_space<vmem>> -> memref<128xf32, #tpu.memory_space<vmem>>
      tpu.enqueue_dma source(%dma_start3A_86 : memref<128xf32, #tpu.memory_space<vmem>>) target(%dma_start3A_83 : memref<128xf32, #tpu.memory_space<hbm>>) target_semaphore(%arg7 : memref<!tpu.dma_semaphore, #tpu.memory_space<semaphore_mem>>)
      %dma_start3A_87 = arith.constant 7 : i32
      %dma_start3A_88 = arith.constant 0 : i32
      %dma_start3A_89 = tpu.memref_slice %arg6[%dma_start3A_87, %dma_start3A_88] : memref<32x128xf32, #tpu.memory_space<vmem>> -> memref<1x128xf32, #tpu.memory_space<vmem>>
      %dma_start3A_90 = tpu.memref_squeeze %dma_start3A_89 : memref<1x128xf32, #tpu.memory_space<vmem>> -> memref<128xf32, #tpu.memory_space<vmem>>
      %dma_start3A_91 = arith.constant 8000384 : i32
      %dma_start3A_92 = tpu.memref_slice %arg4[%dma_start3A_91] : memref<32002048xf32, #tpu.memory_space<hbm>> -> memref<128xf32, #tpu.memory_space<hbm>>
      %dma_start3A_93 = arith.constant 8000384 : i32
      %dma_start3A_94 = tpu.memref_slice %arg4[%dma_start3A_93] : memref<32002048xf32, #tpu.memory_space<hbm>> -> memref<128xf32, #tpu.memory_space<hbm>>
      %dma_start3A_95 = arith.constant 0 : i32
      %dma_start3A_96 = tpu.memref_slice %arg6[%dma_start3A_87, %dma_start3A_95] : memref<32x128xf32, #tpu.memory_space<vmem>> -> memref<1x128xf32, #tpu.memory_space<vmem>>
      %dma_start3A_97 = tpu.memref_squeeze %dma_start3A_96 : memref<1x128xf32, #tpu.memory_space<vmem>> -> memref<128xf32, #tpu.memory_space<vmem>>
      tpu.enqueue_dma source(%dma_start3A_97 : memref<128xf32, #tpu.memory_space<vmem>>) target(%dma_start3A_94 : memref<128xf32, #tpu.memory_space<hbm>>) target_semaphore(%arg7 : memref<!tpu.dma_semaphore, #tpu.memory_space<semaphore_mem>>)
      %dma_start3A_98 = arith.constant 8 : i32
      %dma_start3A_99 = arith.constant 0 : i32
      %dma_start3A_100 = tpu.memref_slice %arg6[%dma_start3A_98, %dma_start3A_99] : memref<32x128xf32, #tpu.memory_space<vmem>> -> memref<1x128xf32, #tpu.memory_space<vmem>>
      %dma_start3A_101 = tpu.memref_squeeze %dma_start3A_100 : memref<1x128xf32, #tpu.memory_space<vmem>> -> memref<128xf32, #tpu.memory_space<vmem>>
      %dma_start3A_102 = arith.constant 9000448 : i32
      %dma_start3A_103 = tpu.memref_slice %arg4[%dma_start3A_102] : memref<32002048xf32, #tpu.memory_space<hbm>> -> memref<128xf32, #tpu.memory_space<hbm>>
      %dma_start3A_104 = arith.constant 9000448 : i32
      %dma_start3A_105 = tpu.memref_slice %arg4[%dma_start3A_104] : memref<32002048xf32, #tpu.memory_space<hbm>> -> memref<128xf32, #tpu.memory_space<hbm>>
      %dma_start3A_106 = arith.constant 0 : i32
      %dma_start3A_107 = tpu.memref_slice %arg6[%dma_start3A_98, %dma_start3A_106] : memref<32x128xf32, #tpu.memory_space<vmem>> -> memref<1x128xf32, #tpu.memory_space<vmem>>
      %dma_start3A_108 = tpu.memref_squeeze %dma_start3A_107 : memref<1x128xf32, #tpu.memory_space<vmem>> -> memref<128xf32, #tpu.memory_space<vmem>>
      tpu.enqueue_dma source(%dma_start3A_108 : memref<128xf32, #tpu.memory_space<vmem>>) target(%dma_start3A_105 : memref<128xf32, #tpu.memory_space<hbm>>) target_semaphore(%arg7 : memref<!tpu.dma_semaphore, #tpu.memory_space<semaphore_mem>>)
      %dma_start3A_109 = arith.constant 9 : i32
      %dma_start3A_110 = arith.constant 0 : i32
      %dma_start3A_111 = tpu.memref_slice %arg6[%dma_start3A_109, %dma_start3A_110] : memref<32x128xf32, #tpu.memory_space<vmem>> -> memref<1x128xf32, #tpu.memory_space<vmem>>
      %dma_start3A_112 = tpu.memref_squeeze %dma_start3A_111 : memref<1x128xf32, #tpu.memory_space<vmem>> -> memref<128xf32, #tpu.memory_space<vmem>>
      %dma_start3A_113 = arith.constant 10000512 : i32
      %dma_start3A_114 = tpu.memref_slice %arg4[%dma_start3A_113] : memref<32002048xf32, #tpu.memory_space<hbm>> -> memref<128xf32, #tpu.memory_space<hbm>>
      %dma_start3A_115 = arith.constant 10000512 : i32
      %dma_start3A_116 = tpu.memref_slice %arg4[%dma_start3A_115] : memref<32002048xf32, #tpu.memory_space<hbm>> -> memref<128xf32, #tpu.memory_space<hbm>>
      %dma_start3A_117 = arith.constant 0 : i32
      %dma_start3A_118 = tpu.memref_slice %arg6[%dma_start3A_109, %dma_start3A_117] : memref<32x128xf32, #tpu.memory_space<vmem>> -> memref<1x128xf32, #tpu.memory_space<vmem>>
      %dma_start3A_119 = tpu.memref_squeeze %dma_start3A_118 : memref<1x128xf32, #tpu.memory_space<vmem>> -> memref<128xf32, #tpu.memory_space<vmem>>
      tpu.enqueue_dma source(%dma_start3A_119 : memref<128xf32, #tpu.memory_space<vmem>>) target(%dma_start3A_116 : memref<128xf32, #tpu.memory_space<hbm>>) target_semaphore(%arg7 : memref<!tpu.dma_semaphore, #tpu.memory_space<semaphore_mem>>)
      %dma_start3A_120 = arith.constant 10 : i32
      %dma_start3A_121 = arith.constant 0 : i32
      %dma_start3A_122 = tpu.memref_slice %arg6[%dma_start3A_120, %dma_start3A_121] : memref<32x128xf32, #tpu.memory_space<vmem>> -> memref<1x128xf32, #tpu.memory_space<vmem>>
      %dma_start3A_123 = tpu.memref_squeeze %dma_start3A_122 : memref<1x128xf32, #tpu.memory_space<vmem>> -> memref<128xf32, #tpu.memory_space<vmem>>
      %dma_start3A_124 = arith.constant 11000576 : i32
      %dma_start3A_125 = tpu.memref_slice %arg4[%dma_start3A_124] : memref<32002048xf32, #tpu.memory_space<hbm>> -> memref<128xf32, #tpu.memory_space<hbm>>
      %dma_start3A_126 = arith.constant 11000576 : i32
      %dma_start3A_127 = tpu.memref_slice %arg4[%dma_start3A_126] : memref<32002048xf32, #tpu.memory_space<hbm>> -> memref<128xf32, #tpu.memory_space<hbm>>
      %dma_start3A_128 = arith.constant 0 : i32
      %dma_start3A_129 = tpu.memref_slice %arg6[%dma_start3A_120, %dma_start3A_128] : memref<32x128xf32, #tpu.memory_space<vmem>> -> memref<1x128xf32, #tpu.memory_space<vmem>>
      %dma_start3A_130 = tpu.memref_squeeze %dma_start3A_129 : memref<1x128xf32, #tpu.memory_space<vmem>> -> memref<128xf32, #tpu.memory_space<vmem>>
      tpu.enqueue_dma source(%dma_start3A_130 : memref<128xf32, #tpu.memory_space<vmem>>) target(%dma_start3A_127 : memref<128xf32, #tpu.memory_space<hbm>>) target_semaphore(%arg7 : memref<!tpu.dma_semaphore, #tpu.memory_space<semaphore_mem>>)
      %dma_start3A_131 = arith.constant 11 : i32
      %dma_start3A_132 = arith.constant 0 : i32
      %dma_start3A_133 = tpu.memref_slice %arg6[%dma_start3A_131, %dma_start3A_132] : memref<32x128xf32, #tpu.memory_space<vmem>> -> memref<1x128xf32, #tpu.memory_space<vmem>>
      %dma_start3A_134 = tpu.memref_squeeze %dma_start3A_133 : memref<1x128xf32, #tpu.memory_space<vmem>> -> memref<128xf32, #tpu.memory_space<vmem>>
      %dma_start3A_135 = arith.constant 12000640 : i32
      %dma_start3A_136 = tpu.memref_slice %arg4[%dma_start3A_135] : memref<32002048xf32, #tpu.memory_space<hbm>> -> memref<128xf32, #tpu.memory_space<hbm>>
      %dma_start3A_137 = arith.constant 12000640 : i32
      %dma_start3A_138 = tpu.memref_slice %arg4[%dma_start3A_137] : memref<32002048xf32, #tpu.memory_space<hbm>> -> memref<128xf32, #tpu.memory_space<hbm>>
      %dma_start3A_139 = arith.constant 0 : i32
      %dma_start3A_140 = tpu.memref_slice %arg6[%dma_start3A_131, %dma_start3A_139] : memref<32x128xf32, #tpu.memory_space<vmem>> -> memref<1x128xf32, #tpu.memory_space<vmem>>
      %dma_start3A_141 = tpu.memref_squeeze %dma_start3A_140 : memref<1x128xf32, #tpu.memory_space<vmem>> -> memref<128xf32, #tpu.memory_space<vmem>>
      tpu.enqueue_dma source(%dma_start3A_141 : memref<128xf32, #tpu.memory_space<vmem>>) target(%dma_start3A_138 : memref<128xf32, #tpu.memory_space<hbm>>) target_semaphore(%arg7 : memref<!tpu.dma_semaphore, #tpu.memory_space<semaphore_mem>>)
      %dma_start3A_142 = arith.constant 12 : i32
      %dma_start3A_143 = arith.constant 0 : i32
      %dma_start3A_144 = tpu.memref_slice %arg6[%dma_start3A_142, %dma_start3A_143] : memref<32x128xf32, #tpu.memory_space<vmem>> -> memref<1x128xf32, #tpu.memory_space<vmem>>
      %dma_start3A_145 = tpu.memref_squeeze %dma_start3A_144 : memref<1x128xf32, #tpu.memory_space<vmem>> -> memref<128xf32, #tpu.memory_space<vmem>>
      %dma_start3A_146 = arith.constant 13000704 : i32
      %dma_start3A_147 = tpu.memref_slice %arg4[%dma_start3A_146] : memref<32002048xf32, #tpu.memory_space<hbm>> -> memref<128xf32, #tpu.memory_space<hbm>>
      %dma_start3A_148 = arith.constant 13000704 : i32
      %dma_start3A_149 = tpu.memref_slice %arg4[%dma_start3A_148] : memref<32002048xf32, #tpu.memory_space<hbm>> -> memref<128xf32, #tpu.memory_space<hbm>>
      %dma_start3A_150 = arith.constant 0 : i32
      %dma_start3A_151 = tpu.memref_slice %arg6[%dma_start3A_142, %dma_start3A_150] : memref<32x128xf32, #tpu.memory_space<vmem>> -> memref<1x128xf32, #tpu.memory_space<vmem>>
      %dma_start3A_152 = tpu.memref_squeeze %dma_start3A_151 : memref<1x128xf32, #tpu.memory_space<vmem>> -> memref<128xf32, #tpu.memory_space<vmem>>
      tpu.enqueue_dma source(%dma_start3A_152 : memref<128xf32, #tpu.memory_space<vmem>>) target(%dma_start3A_149 : memref<128xf32, #tpu.memory_space<hbm>>) target_semaphore(%arg7 : memref<!tpu.dma_semaphore, #tpu.memory_space<semaphore_mem>>)
      %dma_start3A_153 = arith.constant 13 : i32
      %dma_start3A_154 = arith.constant 0 : i32
      %dma_start3A_155 = tpu.memref_slice %arg6[%dma_start3A_153, %dma_start3A_154] : memref<32x128xf32, #tpu.memory_space<vmem>> -> memref<1x128xf32, #tpu.memory_space<vmem>>
      %dma_start3A_156 = tpu.memref_squeeze %dma_start3A_155 : memref<1x128xf32, #tpu.memory_space<vmem>> -> memref<128xf32, #tpu.memory_space<vmem>>
      %dma_start3A_157 = arith.constant 14000768 : i32
      %dma_start3A_158 = tpu.memref_slice %arg4[%dma_start3A_157] : memref<32002048xf32, #tpu.memory_space<hbm>> -> memref<128xf32, #tpu.memory_space<hbm>>
      %dma_start3A_159 = arith.constant 14000768 : i32
      %dma_start3A_160 = tpu.memref_slice %arg4[%dma_start3A_159] : memref<32002048xf32, #tpu.memory_space<hbm>> -> memref<128xf32, #tpu.memory_space<hbm>>
      %dma_start3A_161 = arith.constant 0 : i32
      %dma_start3A_162 = tpu.memref_slice %arg6[%dma_start3A_153, %dma_start3A_161] : memref<32x128xf32, #tpu.memory_space<vmem>> -> memref<1x128xf32, #tpu.memory_space<vmem>>
      %dma_start3A_163 = tpu.memref_squeeze %dma_start3A_162 : memref<1x128xf32, #tpu.memory_space<vmem>> -> memref<128xf32, #tpu.memory_space<vmem>>
      tpu.enqueue_dma source(%dma_start3A_163 : memref<128xf32, #tpu.memory_space<vmem>>) target(%dma_start3A_160 : memref<128xf32, #tpu.memory_space<hbm>>) target_semaphore(%arg7 : memref<!tpu.dma_semaphore, #tpu.memory_space<semaphore_mem>>)
      %dma_start3A_164 = arith.constant 14 : i32
      %dma_start3A_165 = arith.constant 0 : i32
      %dma_start3A_166 = tpu.memref_slice %arg6[%dma_start3A_164, %dma_start3A_165] : memref<32x128xf32, #tpu.memory_space<vmem>> -> memref<1x128xf32, #tpu.memory_space<vmem>>
      %dma_start3A_167 = tpu.memref_squeeze %dma_start3A_166 : memref<1x128xf32, #tpu.memory_space<vmem>> -> memref<128xf32, #tpu.memory_space<vmem>>
      %dma_start3A_168 = arith.constant 15000832 : i32
      %dma_start3A_169 = tpu.memref_slice %arg4[%dma_start3A_168] : memref<32002048xf32, #tpu.memory_space<hbm>> -> memref<128xf32, #tpu.memory_space<hbm>>
      %dma_start3A_170 = arith.constant 15000832 : i32
      %dma_start3A_171 = tpu.memref_slice %arg4[%dma_start3A_170] : memref<32002048xf32, #tpu.memory_space<hbm>> -> memref<128xf32, #tpu.memory_space<hbm>>
      %dma_start3A_172 = arith.constant 0 : i32
      %dma_start3A_173 = tpu.memref_slice %arg6[%dma_start3A_164, %dma_start3A_172] : memref<32x128xf32, #tpu.memory_space<vmem>> -> memref<1x128xf32, #tpu.memory_space<vmem>>
      %dma_start3A_174 = tpu.memref_squeeze %dma_start3A_173 : memref<1x128xf32, #tpu.memory_space<vmem>> -> memref<128xf32, #tpu.memory_space<vmem>>
      tpu.enqueue_dma source(%dma_start3A_174 : memref<128xf32, #tpu.memory_space<vmem>>) target(%dma_start3A_171 : memref<128xf32, #tpu.memory_space<hbm>>) target_semaphore(%arg7 : memref<!tpu.dma_semaphore, #tpu.memory_space<semaphore_mem>>)
      %dma_start3A_175 = arith.constant 15 : i32
      %dma_start3A_176 = arith.constant 0 : i32
      %dma_start3A_177 = tpu.memref_slice %arg6[%dma_start3A_175, %dma_start3A_176] : memref<32x128xf32, #tpu.memory_space<vmem>> -> memref<1x128xf32, #tpu.memory_space<vmem>>
      %dma_start3A_178 = tpu.memref_squeeze %dma_start3A_177 : memref<1x128xf32, #tpu.memory_space<vmem>> -> memref<128xf32, #tpu.memory_space<vmem>>
      %dma_start3A_179 = arith.constant 16000896 : i32
      %dma_start3A_180 = tpu.memref_slice %arg4[%dma_start3A_179] : memref<32002048xf32, #tpu.memory_space<hbm>> -> memref<128xf32, #tpu.memory_space<hbm>>
      %dma_start3A_181 = arith.constant 16000896 : i32
      %dma_start3A_182 = tpu.memref_slice %arg4[%dma_start3A_181] : memref<32002048xf32, #tpu.memory_space<hbm>> -> memref<128xf32, #tpu.memory_space<hbm>>
      %dma_start3A_183 = arith.constant 0 : i32
      %dma_start3A_184 = tpu.memref_slice %arg6[%dma_start3A_175, %dma_start3A_183] : memref<32x128xf32, #tpu.memory_space<vmem>> -> memref<1x128xf32, #tpu.memory_space<vmem>>
      %dma_start3A_185 = tpu.memref_squeeze %dma_start3A_184 : memref<1x128xf32, #tpu.memory_space<vmem>> -> memref<128xf32, #tpu.memory_space<vmem>>
      tpu.enqueue_dma source(%dma_start3A_185 : memref<128xf32, #tpu.memory_space<vmem>>) target(%dma_start3A_182 : memref<128xf32, #tpu.memory_space<hbm>>) target_semaphore(%arg7 : memref<!tpu.dma_semaphore, #tpu.memory_space<semaphore_mem>>)
      %dma_start3A_186 = arith.constant 16 : i32
      %dma_start3A_187 = arith.constant 0 : i32
      %dma_start3A_188 = tpu.memref_slice %arg6[%dma_start3A_186, %dma_start3A_187] : memref<32x128xf32, #tpu.memory_space<vmem>> -> memref<1x128xf32, #tpu.memory_space<vmem>>
      %dma_start3A_189 = tpu.memref_squeeze %dma_start3A_188 : memref<1x128xf32, #tpu.memory_space<vmem>> -> memref<128xf32, #tpu.memory_space<vmem>>
      %dma_start3A_190 = arith.constant 17000960 : i32
      %dma_start3A_191 = tpu.memref_slice %arg4[%dma_start3A_190] : memref<32002048xf32, #tpu.memory_space<hbm>> -> memref<128xf32, #tpu.memory_space<hbm>>
      %dma_start3A_192 = arith.constant 17000960 : i32
      %dma_start3A_193 = tpu.memref_slice %arg4[%dma_start3A_192] : memref<32002048xf32, #tpu.memory_space<hbm>> -> memref<128xf32, #tpu.memory_space<hbm>>
      %dma_start3A_194 = arith.constant 0 : i32
      %dma_start3A_195 = tpu.memref_slice %arg6[%dma_start3A_186, %dma_start3A_194] : memref<32x128xf32, #tpu.memory_space<vmem>> -> memref<1x128xf32, #tpu.memory_space<vmem>>
      %dma_start3A_196 = tpu.memref_squeeze %dma_start3A_195 : memref<1x128xf32, #tpu.memory_space<vmem>> -> memref<128xf32, #tpu.memory_space<vmem>>
      tpu.enqueue_dma source(%dma_start3A_196 : memref<128xf32, #tpu.memory_space<vmem>>) target(%dma_start3A_193 : memref<128xf32, #tpu.memory_space<hbm>>) target_semaphore(%arg7 : memref<!tpu.dma_semaphore, #tpu.memory_space<semaphore_mem>>)
      %dma_start3A_197 = arith.constant 17 : i32
      %dma_start3A_198 = arith.constant 0 : i32
      %dma_start3A_199 = tpu.memref_slice %arg6[%dma_start3A_197, %dma_start3A_198] : memref<32x128xf32, #tpu.memory_space<vmem>> -> memref<1x128xf32, #tpu.memory_space<vmem>>
      %dma_start3A_200 = tpu.memref_squeeze %dma_start3A_199 : memref<1x128xf32, #tpu.memory_space<vmem>> -> memref<128xf32, #tpu.memory_space<vmem>>
      %dma_start3A_201 = arith.constant 18001024 : i32
      %dma_start3A_202 = tpu.memref_slice %arg4[%dma_start3A_201] : memref<32002048xf32, #tpu.memory_space<hbm>> -> memref<128xf32, #tpu.memory_space<hbm>>
      %dma_start3A_203 = arith.constant 18001024 : i32
      %dma_start3A_204 = tpu.memref_slice %arg4[%dma_start3A_203] : memref<32002048xf32, #tpu.memory_space<hbm>> -> memref<128xf32, #tpu.memory_space<hbm>>
      %dma_start3A_205 = arith.constant 0 : i32
      %dma_start3A_206 = tpu.memref_slice %arg6[%dma_start3A_197, %dma_start3A_205] : memref<32x128xf32, #tpu.memory_space<vmem>> -> memref<1x128xf32, #tpu.memory_space<vmem>>
      %dma_start3A_207 = tpu.memref_squeeze %dma_start3A_206 : memref<1x128xf32, #tpu.memory_space<vmem>> -> memref<128xf32, #tpu.memory_space<vmem>>
      tpu.enqueue_dma source(%dma_start3A_207 : memref<128xf32, #tpu.memory_space<vmem>>) target(%dma_start3A_204 : memref<128xf32, #tpu.memory_space<hbm>>) target_semaphore(%arg7 : memref<!tpu.dma_semaphore, #tpu.memory_space<semaphore_mem>>)
      %dma_start3A_208 = arith.constant 18 : i32
      %dma_start3A_209 = arith.constant 0 : i32
      %dma_start3A_210 = tpu.memref_slice %arg6[%dma_start3A_208, %dma_start3A_209] : memref<32x128xf32, #tpu.memory_space<vmem>> -> memref<1x128xf32, #tpu.memory_space<vmem>>
      %dma_start3A_211 = tpu.memref_squeeze %dma_start3A_210 : memref<1x128xf32, #tpu.memory_space<vmem>> -> memref<128xf32, #tpu.memory_space<vmem>>
      %dma_start3A_212 = arith.constant 19001088 : i32
      %dma_start3A_213 = tpu.memref_slice %arg4[%dma_start3A_212] : memref<32002048xf32, #tpu.memory_space<hbm>> -> memref<128xf32, #tpu.memory_space<hbm>>
      %dma_start3A_214 = arith.constant 19001088 : i32
      %dma_start3A_215 = tpu.memref_slice %arg4[%dma_start3A_214] : memref<32002048xf32, #tpu.memory_space<hbm>> -> memref<128xf32, #tpu.memory_space<hbm>>
      %dma_start3A_216 = arith.constant 0 : i32
      %dma_start3A_217 = tpu.memref_slice %arg6[%dma_start3A_208, %dma_start3A_216] : memref<32x128xf32, #tpu.memory_space<vmem>> -> memref<1x128xf32, #tpu.memory_space<vmem>>
      %dma_start3A_218 = tpu.memref_squeeze %dma_start3A_217 : memref<1x128xf32, #tpu.memory_space<vmem>> -> memref<128xf32, #tpu.memory_space<vmem>>
      tpu.enqueue_dma source(%dma_start3A_218 : memref<128xf32, #tpu.memory_space<vmem>>) target(%dma_start3A_215 : memref<128xf32, #tpu.memory_space<hbm>>) target_semaphore(%arg7 : memref<!tpu.dma_semaphore, #tpu.memory_space<semaphore_mem>>)
      %dma_start3A_219 = arith.constant 19 : i32
      %dma_start3A_220 = arith.constant 0 : i32
      %dma_start3A_221 = tpu.memref_slice %arg6[%dma_start3A_219, %dma_start3A_220] : memref<32x128xf32, #tpu.memory_space<vmem>> -> memref<1x128xf32, #tpu.memory_space<vmem>>
      %dma_start3A_222 = tpu.memref_squeeze %dma_start3A_221 : memref<1x128xf32, #tpu.memory_space<vmem>> -> memref<128xf32, #tpu.memory_space<vmem>>
      %dma_start3A_223 = arith.constant 20001152 : i32
      %dma_start3A_224 = tpu.memref_slice %arg4[%dma_start3A_223] : memref<32002048xf32, #tpu.memory_space<hbm>> -> memref<128xf32, #tpu.memory_space<hbm>>
      %dma_start3A_225 = arith.constant 20001152 : i32
      %dma_start3A_226 = tpu.memref_slice %arg4[%dma_start3A_225] : memref<32002048xf32, #tpu.memory_space<hbm>> -> memref<128xf32, #tpu.memory_space<hbm>>
      %dma_start3A_227 = arith.constant 0 : i32
      %dma_start3A_228 = tpu.memref_slice %arg6[%dma_start3A_219, %dma_start3A_227] : memref<32x128xf32, #tpu.memory_space<vmem>> -> memref<1x128xf32, #tpu.memory_space<vmem>>
      %dma_start3A_229 = tpu.memref_squeeze %dma_start3A_228 : memref<1x128xf32, #tpu.memory_space<vmem>> -> memref<128xf32, #tpu.memory_space<vmem>>
      tpu.enqueue_dma source(%dma_start3A_229 : memref<128xf32, #tpu.memory_space<vmem>>) target(%dma_start3A_226 : memref<128xf32, #tpu.memory_space<hbm>>) target_semaphore(%arg7 : memref<!tpu.dma_semaphore, #tpu.memory_space<semaphore_mem>>)
      %dma_start3A_230 = arith.constant 20 : i32
      %dma_start3A_231 = arith.constant 0 : i32
      %dma_start3A_232 = tpu.memref_slice %arg6[%dma_start3A_230, %dma_start3A_231] : memref<32x128xf32, #tpu.memory_space<vmem>> -> memref<1x128xf32, #tpu.memory_space<vmem>>
      %dma_start3A_233 = tpu.memref_squeeze %dma_start3A_232 : memref<1x128xf32, #tpu.memory_space<vmem>> -> memref<128xf32, #tpu.memory_space<vmem>>
      %dma_start3A_234 = arith.constant 21001216 : i32
      %dma_start3A_235 = tpu.memref_slice %arg4[%dma_start3A_234] : memref<32002048xf32, #tpu.memory_space<hbm>> -> memref<128xf32, #tpu.memory_space<hbm>>
      %dma_start3A_236 = arith.constant 21001216 : i32
      %dma_start3A_237 = tpu.memref_slice %arg4[%dma_start3A_236] : memref<32002048xf32, #tpu.memory_space<hbm>> -> memref<128xf32, #tpu.memory_space<hbm>>
      %dma_start3A_238 = arith.constant 0 : i32
      %dma_start3A_239 = tpu.memref_slice %arg6[%dma_start3A_230, %dma_start3A_238] : memref<32x128xf32, #tpu.memory_space<vmem>> -> memref<1x128xf32, #tpu.memory_space<vmem>>
      %dma_start3A_240 = tpu.memref_squeeze %dma_start3A_239 : memref<1x128xf32, #tpu.memory_space<vmem>> -> memref<128xf32, #tpu.memory_space<vmem>>
      tpu.enqueue_dma source(%dma_start3A_240 : memref<128xf32, #tpu.memory_space<vmem>>) target(%dma_start3A_237 : memref<128xf32, #tpu.memory_space<hbm>>) target_semaphore(%arg7 : memref<!tpu.dma_semaphore, #tpu.memory_space<semaphore_mem>>)
      %dma_start3A_241 = arith.constant 21 : i32
      %dma_start3A_242 = arith.constant 0 : i32
      %dma_start3A_243 = tpu.memref_slice %arg6[%dma_start3A_241, %dma_start3A_242] : memref<32x128xf32, #tpu.memory_space<vmem>> -> memref<1x128xf32, #tpu.memory_space<vmem>>
      %dma_start3A_244 = tpu.memref_squeeze %dma_start3A_243 : memref<1x128xf32, #tpu.memory_space<vmem>> -> memref<128xf32, #tpu.memory_space<vmem>>
      %dma_start3A_245 = arith.constant 22001280 : i32
      %dma_start3A_246 = tpu.memref_slice %arg4[%dma_start3A_245] : memref<32002048xf32, #tpu.memory_space<hbm>> -> memref<128xf32, #tpu.memory_space<hbm>>
      %dma_start3A_247 = arith.constant 22001280 : i32
      %dma_start3A_248 = tpu.memref_slice %arg4[%dma_start3A_247] : memref<32002048xf32, #tpu.memory_space<hbm>> -> memref<128xf32, #tpu.memory_space<hbm>>
      %dma_start3A_249 = arith.constant 0 : i32
      %dma_start3A_250 = tpu.memref_slice %arg6[%dma_start3A_241, %dma_start3A_249] : memref<32x128xf32, #tpu.memory_space<vmem>> -> memref<1x128xf32, #tpu.memory_space<vmem>>
      %dma_start3A_251 = tpu.memref_squeeze %dma_start3A_250 : memref<1x128xf32, #tpu.memory_space<vmem>> -> memref<128xf32, #tpu.memory_space<vmem>>
      tpu.enqueue_dma source(%dma_start3A_251 : memref<128xf32, #tpu.memory_space<vmem>>) target(%dma_start3A_248 : memref<128xf32, #tpu.memory_space<hbm>>) target_semaphore(%arg7 : memref<!tpu.dma_semaphore, #tpu.memory_space<semaphore_mem>>)
      %dma_start3A_252 = arith.constant 22 : i32
      %dma_start3A_253 = arith.constant 0 : i32
      %dma_start3A_254 = tpu.memref_slice %arg6[%dma_start3A_252, %dma_start3A_253] : memref<32x128xf32, #tpu.memory_space<vmem>> -> memref<1x128xf32, #tpu.memory_space<vmem>>
      %dma_start3A_255 = tpu.memref_squeeze %dma_start3A_254 : memref<1x128xf32, #tpu.memory_space<vmem>> -> memref<128xf32, #tpu.memory_space<vmem>>
      %dma_start3A_256 = arith.constant 23001344 : i32
      %dma_start3A_257 = tpu.memref_slice %arg4[%dma_start3A_256] : memref<32002048xf32, #tpu.memory_space<hbm>> -> memref<128xf32, #tpu.memory_space<hbm>>
      %dma_start3A_258 = arith.constant 23001344 : i32
      %dma_start3A_259 = tpu.memref_slice %arg4[%dma_start3A_258] : memref<32002048xf32, #tpu.memory_space<hbm>> -> memref<128xf32, #tpu.memory_space<hbm>>
      %dma_start3A_260 = arith.constant 0 : i32
      %dma_start3A_261 = tpu.memref_slice %arg6[%dma_start3A_252, %dma_start3A_260] : memref<32x128xf32, #tpu.memory_space<vmem>> -> memref<1x128xf32, #tpu.memory_space<vmem>>
      %dma_start3A_262 = tpu.memref_squeeze %dma_start3A_261 : memref<1x128xf32, #tpu.memory_space<vmem>> -> memref<128xf32, #tpu.memory_space<vmem>>
      tpu.enqueue_dma source(%dma_start3A_262 : memref<128xf32, #tpu.memory_space<vmem>>) target(%dma_start3A_259 : memref<128xf32, #tpu.memory_space<hbm>>) target_semaphore(%arg7 : memref<!tpu.dma_semaphore, #tpu.memory_space<semaphore_mem>>)
      %dma_start3A_263 = arith.constant 23 : i32
      %dma_start3A_264 = arith.constant 0 : i32
      %dma_start3A_265 = tpu.memref_slice %arg6[%dma_start3A_263, %dma_start3A_264] : memref<32x128xf32, #tpu.memory_space<vmem>> -> memref<1x128xf32, #tpu.memory_space<vmem>>
      %dma_start3A_266 = tpu.memref_squeeze %dma_start3A_265 : memref<1x128xf32, #tpu.memory_space<vmem>> -> memref<128xf32, #tpu.memory_space<vmem>>
      %dma_start3A_267 = arith.constant 24001408 : i32
      %dma_start3A_268 = tpu.memref_slice %arg4[%dma_start3A_267] : memref<32002048xf32, #tpu.memory_space<hbm>> -> memref<128xf32, #tpu.memory_space<hbm>>
      %dma_start3A_269 = arith.constant 24001408 : i32
      %dma_start3A_270 = tpu.memref_slice %arg4[%dma_start3A_269] : memref<32002048xf32, #tpu.memory_space<hbm>> -> memref<128xf32, #tpu.memory_space<hbm>>
      %dma_start3A_271 = arith.constant 0 : i32
      %dma_start3A_272 = tpu.memref_slice %arg6[%dma_start3A_263, %dma_start3A_271] : memref<32x128xf32, #tpu.memory_space<vmem>> -> memref<1x128xf32, #tpu.memory_space<vmem>>
      %dma_start3A_273 = tpu.memref_squeeze %dma_start3A_272 : memref<1x128xf32, #tpu.memory_space<vmem>> -> memref<128xf32, #tpu.memory_space<vmem>>
      tpu.enqueue_dma source(%dma_start3A_273 : memref<128xf32, #tpu.memory_space<vmem>>) target(%dma_start3A_270 : memref<128xf32, #tpu.memory_space<hbm>>) target_semaphore(%arg7 : memref<!tpu.dma_semaphore, #tpu.memory_space<semaphore_mem>>)
      %dma_start3A_274 = arith.constant 24 : i32
      %dma_start3A_275 = arith.constant 0 : i32
      %dma_start3A_276 = tpu.memref_slice %arg6[%dma_start3A_274, %dma_start3A_275] : memref<32x128xf32, #tpu.memory_space<vmem>> -> memref<1x128xf32, #tpu.memory_space<vmem>>
      %dma_start3A_277 = tpu.memref_squeeze %dma_start3A_276 : memref<1x128xf32, #tpu.memory_space<vmem>> -> memref<128xf32, #tpu.memory_space<vmem>>
      %dma_start3A_278 = arith.constant 25001472 : i32
      %dma_start3A_279 = tpu.memref_slice %arg4[%dma_start3A_278] : memref<32002048xf32, #tpu.memory_space<hbm>> -> memref<128xf32, #tpu.memory_space<hbm>>
      %dma_start3A_280 = arith.constant 25001472 : i32
      %dma_start3A_281 = tpu.memref_slice %arg4[%dma_start3A_280] : memref<32002048xf32, #tpu.memory_space<hbm>> -> memref<128xf32, #tpu.memory_space<hbm>>
      %dma_start3A_282 = arith.constant 0 : i32
      %dma_start3A_283 = tpu.memref_slice %arg6[%dma_start3A_274, %dma_start3A_282] : memref<32x128xf32, #tpu.memory_space<vmem>> -> memref<1x128xf32, #tpu.memory_space<vmem>>
      %dma_start3A_284 = tpu.memref_squeeze %dma_start3A_283 : memref<1x128xf32, #tpu.memory_space<vmem>> -> memref<128xf32, #tpu.memory_space<vmem>>
      tpu.enqueue_dma source(%dma_start3A_284 : memref<128xf32, #tpu.memory_space<vmem>>) target(%dma_start3A_281 : memref<128xf32, #tpu.memory_space<hbm>>) target_semaphore(%arg7 : memref<!tpu.dma_semaphore, #tpu.memory_space<semaphore_mem>>)
      %dma_start3A_285 = arith.constant 25 : i32
      %dma_start3A_286 = arith.constant 0 : i32
      %dma_start3A_287 = tpu.memref_slice %arg6[%dma_start3A_285, %dma_start3A_286] : memref<32x128xf32, #tpu.memory_space<vmem>> -> memref<1x128xf32, #tpu.memory_space<vmem>>
      %dma_start3A_288 = tpu.memref_squeeze %dma_start3A_287 : memref<1x128xf32, #tpu.memory_space<vmem>> -> memref<128xf32, #tpu.memory_space<vmem>>
      %dma_start3A_289 = arith.constant 26001536 : i32
      %dma_start3A_290 = tpu.memref_slice %arg4[%dma_start3A_289] : memref<32002048xf32, #tpu.memory_space<hbm>> -> memref<128xf32, #tpu.memory_space<hbm>>
      %dma_start3A_291 = arith.constant 26001536 : i32
      %dma_start3A_292 = tpu.memref_slice %arg4[%dma_start3A_291] : memref<32002048xf32, #tpu.memory_space<hbm>> -> memref<128xf32, #tpu.memory_space<hbm>>
      %dma_start3A_293 = arith.constant 0 : i32
      %dma_start3A_294 = tpu.memref_slice %arg6[%dma_start3A_285, %dma_start3A_293] : memref<32x128xf32, #tpu.memory_space<vmem>> -> memref<1x128xf32, #tpu.memory_space<vmem>>
      %dma_start3A_295 = tpu.memref_squeeze %dma_start3A_294 : memref<1x128xf32, #tpu.memory_space<vmem>> -> memref<128xf32, #tpu.memory_space<vmem>>
      tpu.enqueue_dma source(%dma_start3A_295 : memref<128xf32, #tpu.memory_space<vmem>>) target(%dma_start3A_292 : memref<128xf32, #tpu.memory_space<hbm>>) target_semaphore(%arg7 : memref<!tpu.dma_semaphore, #tpu.memory_space<semaphore_mem>>)
      %dma_start3A_296 = arith.constant 26 : i32
      %dma_start3A_297 = arith.constant 0 : i32
      %dma_start3A_298 = tpu.memref_slice %arg6[%dma_start3A_296, %dma_start3A_297] : memref<32x128xf32, #tpu.memory_space<vmem>> -> memref<1x128xf32, #tpu.memory_space<vmem>>
      %dma_start3A_299 = tpu.memref_squeeze %dma_start3A_298 : memref<1x128xf32, #tpu.memory_space<vmem>> -> memref<128xf32, #tpu.memory_space<vmem>>
      %dma_start3A_300 = arith.constant 27001600 : i32
      %dma_start3A_301 = tpu.memref_slice %arg4[%dma_start3A_300] : memref<32002048xf32, #tpu.memory_space<hbm>> -> memref<128xf32, #tpu.memory_space<hbm>>
      %dma_start3A_302 = arith.constant 27001600 : i32
      %dma_start3A_303 = tpu.memref_slice %arg4[%dma_start3A_302] : memref<32002048xf32, #tpu.memory_space<hbm>> -> memref<128xf32, #tpu.memory_space<hbm>>
      %dma_start3A_304 = arith.constant 0 : i32
      %dma_start3A_305 = tpu.memref_slice %arg6[%dma_start3A_296, %dma_start3A_304] : memref<32x128xf32, #tpu.memory_space<vmem>> -> memref<1x128xf32, #tpu.memory_space<vmem>>
      %dma_start3A_306 = tpu.memref_squeeze %dma_start3A_305 : memref<1x128xf32, #tpu.memory_space<vmem>> -> memref<128xf32, #tpu.memory_space<vmem>>
      tpu.enqueue_dma source(%dma_start3A_306 : memref<128xf32, #tpu.memory_space<vmem>>) target(%dma_start3A_303 : memref<128xf32, #tpu.memory_space<hbm>>) target_semaphore(%arg7 : memref<!tpu.dma_semaphore, #tpu.memory_space<semaphore_mem>>)
      %dma_start3A_307 = arith.constant 27 : i32
      %dma_start3A_308 = arith.constant 0 : i32
      %dma_start3A_309 = tpu.memref_slice %arg6[%dma_start3A_307, %dma_start3A_308] : memref<32x128xf32, #tpu.memory_space<vmem>> -> memref<1x128xf32, #tpu.memory_space<vmem>>
      %dma_start3A_310 = tpu.memref_squeeze %dma_start3A_309 : memref<1x128xf32, #tpu.memory_space<vmem>> -> memref<128xf32, #tpu.memory_space<vmem>>
      %dma_start3A_311 = arith.constant 28001664 : i32
      %dma_start3A_312 = tpu.memref_slice %arg4[%dma_start3A_311] : memref<32002048xf32, #tpu.memory_space<hbm>> -> memref<128xf32, #tpu.memory_space<hbm>>
      %dma_start3A_313 = arith.constant 28001664 : i32
      %dma_start3A_314 = tpu.memref_slice %arg4[%dma_start3A_313] : memref<32002048xf32, #tpu.memory_space<hbm>> -> memref<128xf32, #tpu.memory_space<hbm>>
      %dma_start3A_315 = arith.constant 0 : i32
      %dma_start3A_316 = tpu.memref_slice %arg6[%dma_start3A_307, %dma_start3A_315] : memref<32x128xf32, #tpu.memory_space<vmem>> -> memref<1x128xf32, #tpu.memory_space<vmem>>
      %dma_start3A_317 = tpu.memref_squeeze %dma_start3A_316 : memref<1x128xf32, #tpu.memory_space<vmem>> -> memref<128xf32, #tpu.memory_space<vmem>>
      tpu.enqueue_dma source(%dma_start3A_317 : memref<128xf32, #tpu.memory_space<vmem>>) target(%dma_start3A_314 : memref<128xf32, #tpu.memory_space<hbm>>) target_semaphore(%arg7 : memref<!tpu.dma_semaphore, #tpu.memory_space<semaphore_mem>>)
      %dma_start3A_318 = arith.constant 28 : i32
      %dma_start3A_319 = arith.constant 0 : i32
      %dma_start3A_320 = tpu.memref_slice %arg6[%dma_start3A_318, %dma_start3A_319] : memref<32x128xf32, #tpu.memory_space<vmem>> -> memref<1x128xf32, #tpu.memory_space<vmem>>
      %dma_start3A_321 = tpu.memref_squeeze %dma_start3A_320 : memref<1x128xf32, #tpu.memory_space<vmem>> -> memref<128xf32, #tpu.memory_space<vmem>>
      %dma_start3A_322 = arith.constant 29001728 : i32
      %dma_start3A_323 = tpu.memref_slice %arg4[%dma_start3A_322] : memref<32002048xf32, #tpu.memory_space<hbm>> -> memref<128xf32, #tpu.memory_space<hbm>>
      %dma_start3A_324 = arith.constant 29001728 : i32
      %dma_start3A_325 = tpu.memref_slice %arg4[%dma_start3A_324] : memref<32002048xf32, #tpu.memory_space<hbm>> -> memref<128xf32, #tpu.memory_space<hbm>>
      %dma_start3A_326 = arith.constant 0 : i32
      %dma_start3A_327 = tpu.memref_slice %arg6[%dma_start3A_318, %dma_start3A_326] : memref<32x128xf32, #tpu.memory_space<vmem>> -> memref<1x128xf32, #tpu.memory_space<vmem>>
      %dma_start3A_328 = tpu.memref_squeeze %dma_start3A_327 : memref<1x128xf32, #tpu.memory_space<vmem>> -> memref<128xf32, #tpu.memory_space<vmem>>
      tpu.enqueue_dma source(%dma_start3A_328 : memref<128xf32, #tpu.memory_space<vmem>>) target(%dma_start3A_325 : memref<128xf32, #tpu.memory_space<hbm>>) target_semaphore(%arg7 : memref<!tpu.dma_semaphore, #tpu.memory_space<semaphore_mem>>)
      %dma_start3A_329 = arith.constant 29 : i32
      %dma_start3A_330 = arith.constant 0 : i32
      %dma_start3A_331 = tpu.memref_slice %arg6[%dma_start3A_329, %dma_start3A_330] : memref<32x128xf32, #tpu.memory_space<vmem>> -> memref<1x128xf32, #tpu.memory_space<vmem>>
      %dma_start3A_332 = tpu.memref_squeeze %dma_start3A_331 : memref<1x128xf32, #tpu.memory_space<vmem>> -> memref<128xf32, #tpu.memory_space<vmem>>
      %dma_start3A_333 = arith.constant 30001792 : i32
      %dma_start3A_334 = tpu.memref_slice %arg4[%dma_start3A_333] : memref<32002048xf32, #tpu.memory_space<hbm>> -> memref<128xf32, #tpu.memory_space<hbm>>
      %dma_start3A_335 = arith.constant 30001792 : i32
      %dma_start3A_336 = tpu.memref_slice %arg4[%dma_start3A_335] : memref<32002048xf32, #tpu.memory_space<hbm>> -> memref<128xf32, #tpu.memory_space<hbm>>
      %dma_start3A_337 = arith.constant 0 : i32
      %dma_start3A_338 = tpu.memref_slice %arg6[%dma_start3A_329, %dma_start3A_337] : memref<32x128xf32, #tpu.memory_space<vmem>> -> memref<1x128xf32, #tpu.memory_space<vmem>>
      %dma_start3A_339 = tpu.memref_squeeze %dma_start3A_338 : memref<1x128xf32, #tpu.memory_space<vmem>> -> memref<128xf32, #tpu.memory_space<vmem>>
      tpu.enqueue_dma source(%dma_start3A_339 : memref<128xf32, #tpu.memory_space<vmem>>) target(%dma_start3A_336 : memref<128xf32, #tpu.memory_space<hbm>>) target_semaphore(%arg7 : memref<!tpu.dma_semaphore, #tpu.memory_space<semaphore_mem>>)
      %dma_start3A_340 = arith.constant 30 : i32
      %dma_start3A_341 = arith.constant 0 : i32
      %dma_start3A_342 = tpu.memref_slice %arg6[%dma_start3A_340, %dma_start3A_341] : memref<32x128xf32, #tpu.memory_space<vmem>> -> memref<1x128xf32, #tpu.memory_space<vmem>>
      %dma_start3A_343 = tpu.memref_squeeze %dma_start3A_342 : memref<1x128xf32, #tpu.memory_space<vmem>> -> memref<128xf32, #tpu.memory_space<vmem>>
      %dma_start3A_344 = arith.constant 31001856 : i32
      %dma_start3A_345 = tpu.memref_slice %arg4[%dma_start3A_344] : memref<32002048xf32, #tpu.memory_space<hbm>> -> memref<128xf32, #tpu.memory_space<hbm>>
      %dma_start3A_346 = arith.constant 31001856 : i32
      %dma_start3A_347 = tpu.memref_slice %arg4[%dma_start3A_346] : memref<32002048xf32, #tpu.memory_space<hbm>> -> memref<128xf32, #tpu.memory_space<hbm>>
      %dma_start3A_348 = arith.constant 0 : i32
      %dma_start3A_349 = tpu.memref_slice %arg6[%dma_start3A_340, %dma_start3A_348] : memref<32x128xf32, #tpu.memory_space<vmem>> -> memref<1x128xf32, #tpu.memory_space<vmem>>
      %dma_start3A_350 = tpu.memref_squeeze %dma_start3A_349 : memref<1x128xf32, #tpu.memory_space<vmem>> -> memref<128xf32, #tpu.memory_space<vmem>>
      tpu.enqueue_dma source(%dma_start3A_350 : memref<128xf32, #tpu.memory_space<vmem>>) target(%dma_start3A_347 : memref<128xf32, #tpu.memory_space<hbm>>) target_semaphore(%arg7 : memref<!tpu.dma_semaphore, #tpu.memory_space<semaphore_mem>>)
      %dma_start3A_351 = arith.constant 31 : i32
      %dma_start3A_352 = arith.constant 0 : i32
      %dma_start3A_353 = tpu.memref_slice %arg6[%dma_start3A_351, %dma_start3A_352] : memref<32x128xf32, #tpu.memory_space<vmem>> -> memref<1x128xf32, #tpu.memory_space<vmem>>
      %dma_start3A_354 = tpu.memref_squeeze %dma_start3A_353 : memref<1x128xf32, #tpu.memory_space<vmem>> -> memref<128xf32, #tpu.memory_space<vmem>>
      %dma_start3A_355 = arith.constant 32001920 : i32
      %dma_start3A_356 = tpu.memref_slice %arg4[%dma_start3A_355] : memref<32002048xf32, #tpu.memory_space<hbm>> -> memref<128xf32, #tpu.memory_space<hbm>>
      %dma_start3A_357 = arith.constant 32001920 : i32
      %dma_start3A_358 = tpu.memref_slice %arg4[%dma_start3A_357] : memref<32002048xf32, #tpu.memory_space<hbm>> -> memref<128xf32, #tpu.memory_space<hbm>>
      %dma_start3A_359 = arith.constant 0 : i32
      %dma_start3A_360 = tpu.memref_slice %arg6[%dma_start3A_351, %dma_start3A_359] : memref<32x128xf32, #tpu.memory_space<vmem>> -> memref<1x128xf32, #tpu.memory_space<vmem>>
      %dma_start3A_361 = tpu.memref_squeeze %dma_start3A_360 : memref<1x128xf32, #tpu.memory_space<vmem>> -> memref<128xf32, #tpu.memory_space<vmem>>
      tpu.enqueue_dma source(%dma_start3A_361 : memref<128xf32, #tpu.memory_space<vmem>>) target(%dma_start3A_358 : memref<128xf32, #tpu.memory_space<hbm>>) target_semaphore(%arg7 : memref<!tpu.dma_semaphore, #tpu.memory_space<semaphore_mem>>)
      %dma_wait3A = arith.constant 0 : i32
      %dma_wait3A_362 = arith.constant 0 : i32
      %dma_wait3A_363 = tpu.memref_slice %arg6[%dma_wait3A, %dma_wait3A_362] : memref<32x128xf32, #tpu.memory_space<vmem>> -> memref<1x128xf32, #tpu.memory_space<vmem>>
      %dma_wait3A_364 = tpu.memref_squeeze %dma_wait3A_363 : memref<1x128xf32, #tpu.memory_space<vmem>> -> memref<128xf32, #tpu.memory_space<vmem>>
      %dma_wait3A_365 = arith.constant 999936 : i32
      %dma_wait3A_366 = tpu.memref_slice %arg4[%dma_wait3A_365] : memref<32002048xf32, #tpu.memory_space<hbm>> -> memref<128xf32, #tpu.memory_space<hbm>>
      %dma_wait3A_367 = arith.constant 999936 : i32
      %dma_wait3A_368 = tpu.memref_slice %arg4[%dma_wait3A_367] : memref<32002048xf32, #tpu.memory_space<hbm>> -> memref<128xf32, #tpu.memory_space<hbm>>
      %dma_wait3A_369 = arith.constant 0 : i32
      %dma_wait3A_370 = tpu.memref_slice %arg6[%dma_wait3A, %dma_wait3A_369] : memref<32x128xf32, #tpu.memory_space<vmem>> -> memref<1x128xf32, #tpu.memory_space<vmem>>
      %dma_wait3A_371 = tpu.memref_squeeze %dma_wait3A_370 : memref<1x128xf32, #tpu.memory_space<vmem>> -> memref<128xf32, #tpu.memory_space<vmem>>
      tpu.wait_dma2 semaphore(%arg7 : memref<!tpu.dma_semaphore, #tpu.memory_space<semaphore_mem>>) src(%dma_wait3A_371 : memref<128xf32, #tpu.memory_space<vmem>>) dst(%dma_wait3A_368 : memref<128xf32, #tpu.memory_space<hbm>>)
      %dma_wait3A_372 = arith.constant 1 : i32
      %dma_wait3A_373 = arith.constant 0 : i32
      %dma_wait3A_374 = tpu.memref_slice %arg6[%dma_wait3A_372, %dma_wait3A_373] : memref<32x128xf32, #tpu.memory_space<vmem>> -> memref<1x128xf32, #tpu.memory_space<vmem>>
      %dma_wait3A_375 = tpu.memref_squeeze %dma_wait3A_374 : memref<1x128xf32, #tpu.memory_space<vmem>> -> memref<128xf32, #tpu.memory_space<vmem>>
      %dma_wait3A_376 = arith.constant 2000000 : i32
      %dma_wait3A_377 = tpu.memref_slice %arg4[%dma_wait3A_376] : memref<32002048xf32, #tpu.memory_space<hbm>> -> memref<128xf32, #tpu.memory_space<hbm>>
      %dma_wait3A_378 = arith.constant 2000000 : i32
      %dma_wait3A_379 = tpu.memref_slice %arg4[%dma_wait3A_378] : memref<32002048xf32, #tpu.memory_space<hbm>> -> memref<128xf32, #tpu.memory_space<hbm>>
      %dma_wait3A_380 = arith.constant 0 : i32
      %dma_wait3A_381 = tpu.memref_slice %arg6[%dma_wait3A_372, %dma_wait3A_380] : memref<32x128xf32, #tpu.memory_space<vmem>> -> memref<1x128xf32, #tpu.memory_space<vmem>>
      %dma_wait3A_382 = tpu.memref_squeeze %dma_wait3A_381 : memref<1x128xf32, #tpu.memory_space<vmem>> -> memref<128xf32, #tpu.memory_space<vmem>>
      tpu.wait_dma2 semaphore(%arg7 : memref<!tpu.dma_semaphore, #tpu.memory_space<semaphore_mem>>) src(%dma_wait3A_382 : memref<128xf32, #tpu.memory_space<vmem>>) dst(%dma_wait3A_379 : memref<128xf32, #tpu.memory_space<hbm>>)
      %dma_wait3A_383 = arith.constant 2 : i32
      %dma_wait3A_384 = arith.constant 0 : i32
      %dma_wait3A_385 = tpu.memref_slice %arg6[%dma_wait3A_383, %dma_wait3A_384] : memref<32x128xf32, #tpu.memory_space<vmem>> -> memref<1x128xf32, #tpu.memory_space<vmem>>
      %dma_wait3A_386 = tpu.memref_squeeze %dma_wait3A_385 : memref<1x128xf32, #tpu.memory_space<vmem>> -> memref<128xf32, #tpu.memory_space<vmem>>
      %dma_wait3A_387 = arith.constant 3000064 : i32
      %dma_wait3A_388 = tpu.memref_slice %arg4[%dma_wait3A_387] : memref<32002048xf32, #tpu.memory_space<hbm>> -> memref<128xf32, #tpu.memory_space<hbm>>
      %dma_wait3A_389 = arith.constant 3000064 : i32
      %dma_wait3A_390 = tpu.memref_slice %arg4[%dma_wait3A_389] : memref<32002048xf32, #tpu.memory_space<hbm>> -> memref<128xf32, #tpu.memory_space<hbm>>
      %dma_wait3A_391 = arith.constant 0 : i32
      %dma_wait3A_392 = tpu.memref_slice %arg6[%dma_wait3A_383, %dma_wait3A_391] : memref<32x128xf32, #tpu.memory_space<vmem>> -> memref<1x128xf32, #tpu.memory_space<vmem>>
      %dma_wait3A_393 = tpu.memref_squeeze %dma_wait3A_392 : memref<1x128xf32, #tpu.memory_space<vmem>> -> memref<128xf32, #tpu.memory_space<vmem>>
      tpu.wait_dma2 semaphore(%arg7 : memref<!tpu.dma_semaphore, #tpu.memory_space<semaphore_mem>>) src(%dma_wait3A_393 : memref<128xf32, #tpu.memory_space<vmem>>) dst(%dma_wait3A_390 : memref<128xf32, #tpu.memory_space<hbm>>)
      %dma_wait3A_394 = arith.constant 3 : i32
      %dma_wait3A_395 = arith.constant 0 : i32
      %dma_wait3A_396 = tpu.memref_slice %arg6[%dma_wait3A_394, %dma_wait3A_395] : memref<32x128xf32, #tpu.memory_space<vmem>> -> memref<1x128xf32, #tpu.memory_space<vmem>>
      %dma_wait3A_397 = tpu.memref_squeeze %dma_wait3A_396 : memref<1x128xf32, #tpu.memory_space<vmem>> -> memref<128xf32, #tpu.memory_space<vmem>>
      %dma_wait3A_398 = arith.constant 4000128 : i32
      %dma_wait3A_399 = tpu.memref_slice %arg4[%dma_wait3A_398] : memref<32002048xf32, #tpu.memory_space<hbm>> -> memref<128xf32, #tpu.memory_space<hbm>>
      %dma_wait3A_400 = arith.constant 4000128 : i32
      %dma_wait3A_401 = tpu.memref_slice %arg4[%dma_wait3A_400] : memref<32002048xf32, #tpu.memory_space<hbm>> -> memref<128xf32, #tpu.memory_space<hbm>>
      %dma_wait3A_402 = arith.constant 0 : i32
      %dma_wait3A_403 = tpu.memref_slice %arg6[%dma_wait3A_394, %dma_wait3A_402] : memref<32x128xf32, #tpu.memory_space<vmem>> -> memref<1x128xf32, #tpu.memory_space<vmem>>
      %dma_wait3A_404 = tpu.memref_squeeze %dma_wait3A_403 : memref<1x128xf32, #tpu.memory_space<vmem>> -> memref<128xf32, #tpu.memory_space<vmem>>
      tpu.wait_dma2 semaphore(%arg7 : memref<!tpu.dma_semaphore, #tpu.memory_space<semaphore_mem>>) src(%dma_wait3A_404 : memref<128xf32, #tpu.memory_space<vmem>>) dst(%dma_wait3A_401 : memref<128xf32, #tpu.memory_space<hbm>>)
      %dma_wait3A_405 = arith.constant 4 : i32
      %dma_wait3A_406 = arith.constant 0 : i32
      %dma_wait3A_407 = tpu.memref_slice %arg6[%dma_wait3A_405, %dma_wait3A_406] : memref<32x128xf32, #tpu.memory_space<vmem>> -> memref<1x128xf32, #tpu.memory_space<vmem>>
      %dma_wait3A_408 = tpu.memref_squeeze %dma_wait3A_407 : memref<1x128xf32, #tpu.memory_space<vmem>> -> memref<128xf32, #tpu.memory_space<vmem>>
      %dma_wait3A_409 = arith.constant 5000192 : i32
      %dma_wait3A_410 = tpu.memref_slice %arg4[%dma_wait3A_409] : memref<32002048xf32, #tpu.memory_space<hbm>> -> memref<128xf32, #tpu.memory_space<hbm>>
      %dma_wait3A_411 = arith.constant 5000192 : i32
      %dma_wait3A_412 = tpu.memref_slice %arg4[%dma_wait3A_411] : memref<32002048xf32, #tpu.memory_space<hbm>> -> memref<128xf32, #tpu.memory_space<hbm>>
      %dma_wait3A_413 = arith.constant 0 : i32
      %dma_wait3A_414 = tpu.memref_slice %arg6[%dma_wait3A_405, %dma_wait3A_413] : memref<32x128xf32, #tpu.memory_space<vmem>> -> memref<1x128xf32, #tpu.memory_space<vmem>>
      %dma_wait3A_415 = tpu.memref_squeeze %dma_wait3A_414 : memref<1x128xf32, #tpu.memory_space<vmem>> -> memref<128xf32, #tpu.memory_space<vmem>>
      tpu.wait_dma2 semaphore(%arg7 : memref<!tpu.dma_semaphore, #tpu.memory_space<semaphore_mem>>) src(%dma_wait3A_415 : memref<128xf32, #tpu.memory_space<vmem>>) dst(%dma_wait3A_412 : memref<128xf32, #tpu.memory_space<hbm>>)
      %dma_wait3A_416 = arith.constant 5 : i32
      %dma_wait3A_417 = arith.constant 0 : i32
      %dma_wait3A_418 = tpu.memref_slice %arg6[%dma_wait3A_416, %dma_wait3A_417] : memref<32x128xf32, #tpu.memory_space<vmem>> -> memref<1x128xf32, #tpu.memory_space<vmem>>
      %dma_wait3A_419 = tpu.memref_squeeze %dma_wait3A_418 : memref<1x128xf32, #tpu.memory_space<vmem>> -> memref<128xf32, #tpu.memory_space<vmem>>
      %dma_wait3A_420 = arith.constant 6000256 : i32
      %dma_wait3A_421 = tpu.memref_slice %arg4[%dma_wait3A_420] : memref<32002048xf32, #tpu.memory_space<hbm>> -> memref<128xf32, #tpu.memory_space<hbm>>
      %dma_wait3A_422 = arith.constant 6000256 : i32
      %dma_wait3A_423 = tpu.memref_slice %arg4[%dma_wait3A_422] : memref<32002048xf32, #tpu.memory_space<hbm>> -> memref<128xf32, #tpu.memory_space<hbm>>
      %dma_wait3A_424 = arith.constant 0 : i32
      %dma_wait3A_425 = tpu.memref_slice %arg6[%dma_wait3A_416, %dma_wait3A_424] : memref<32x128xf32, #tpu.memory_space<vmem>> -> memref<1x128xf32, #tpu.memory_space<vmem>>
      %dma_wait3A_426 = tpu.memref_squeeze %dma_wait3A_425 : memref<1x128xf32, #tpu.memory_space<vmem>> -> memref<128xf32, #tpu.memory_space<vmem>>
      tpu.wait_dma2 semaphore(%arg7 : memref<!tpu.dma_semaphore, #tpu.memory_space<semaphore_mem>>) src(%dma_wait3A_426 : memref<128xf32, #tpu.memory_space<vmem>>) dst(%dma_wait3A_423 : memref<128xf32, #tpu.memory_space<hbm>>)
      %dma_wait3A_427 = arith.constant 6 : i32
      %dma_wait3A_428 = arith.constant 0 : i32
      %dma_wait3A_429 = tpu.memref_slice %arg6[%dma_wait3A_427, %dma_wait3A_428] : memref<32x128xf32, #tpu.memory_space<vmem>> -> memref<1x128xf32, #tpu.memory_space<vmem>>
      %dma_wait3A_430 = tpu.memref_squeeze %dma_wait3A_429 : memref<1x128xf32, #tpu.memory_space<vmem>> -> memref<128xf32, #tpu.memory_space<vmem>>
      %dma_wait3A_431 = arith.constant 7000320 : i32
      %dma_wait3A_432 = tpu.memref_slice %arg4[%dma_wait3A_431] : memref<32002048xf32, #tpu.memory_space<hbm>> -> memref<128xf32, #tpu.memory_space<hbm>>
      %dma_wait3A_433 = arith.constant 7000320 : i32
      %dma_wait3A_434 = tpu.memref_slice %arg4[%dma_wait3A_433] : memref<32002048xf32, #tpu.memory_space<hbm>> -> memref<128xf32, #tpu.memory_space<hbm>>
      %dma_wait3A_435 = arith.constant 0 : i32
      %dma_wait3A_436 = tpu.memref_slice %arg6[%dma_wait3A_427, %dma_wait3A_435] : memref<32x128xf32, #tpu.memory_space<vmem>> -> memref<1x128xf32, #tpu.memory_space<vmem>>
      %dma_wait3A_437 = tpu.memref_squeeze %dma_wait3A_436 : memref<1x128xf32, #tpu.memory_space<vmem>> -> memref<128xf32, #tpu.memory_space<vmem>>
      tpu.wait_dma2 semaphore(%arg7 : memref<!tpu.dma_semaphore, #tpu.memory_space<semaphore_mem>>) src(%dma_wait3A_437 : memref<128xf32, #tpu.memory_space<vmem>>) dst(%dma_wait3A_434 : memref<128xf32, #tpu.memory_space<hbm>>)
      %dma_wait3A_438 = arith.constant 7 : i32
      %dma_wait3A_439 = arith.constant 0 : i32
      %dma_wait3A_440 = tpu.memref_slice %arg6[%dma_wait3A_438, %dma_wait3A_439] : memref<32x128xf32, #tpu.memory_space<vmem>> -> memref<1x128xf32, #tpu.memory_space<vmem>>
      %dma_wait3A_441 = tpu.memref_squeeze %dma_wait3A_440 : memref<1x128xf32, #tpu.memory_space<vmem>> -> memref<128xf32, #tpu.memory_space<vmem>>
      %dma_wait3A_442 = arith.constant 8000384 : i32
      %dma_wait3A_443 = tpu.memref_slice %arg4[%dma_wait3A_442] : memref<32002048xf32, #tpu.memory_space<hbm>> -> memref<128xf32, #tpu.memory_space<hbm>>
      %dma_wait3A_444 = arith.constant 8000384 : i32
      %dma_wait3A_445 = tpu.memref_slice %arg4[%dma_wait3A_444] : memref<32002048xf32, #tpu.memory_space<hbm>> -> memref<128xf32, #tpu.memory_space<hbm>>
      %dma_wait3A_446 = arith.constant 0 : i32
      %dma_wait3A_447 = tpu.memref_slice %arg6[%dma_wait3A_438, %dma_wait3A_446] : memref<32x128xf32, #tpu.memory_space<vmem>> -> memref<1x128xf32, #tpu.memory_space<vmem>>
      %dma_wait3A_448 = tpu.memref_squeeze %dma_wait3A_447 : memref<1x128xf32, #tpu.memory_space<vmem>> -> memref<128xf32, #tpu.memory_space<vmem>>
      tpu.wait_dma2 semaphore(%arg7 : memref<!tpu.dma_semaphore, #tpu.memory_space<semaphore_mem>>) src(%dma_wait3A_448 : memref<128xf32, #tpu.memory_space<vmem>>) dst(%dma_wait3A_445 : memref<128xf32, #tpu.memory_space<hbm>>)
      %dma_wait3A_449 = arith.constant 8 : i32
      %dma_wait3A_450 = arith.constant 0 : i32
      %dma_wait3A_451 = tpu.memref_slice %arg6[%dma_wait3A_449, %dma_wait3A_450] : memref<32x128xf32, #tpu.memory_space<vmem>> -> memref<1x128xf32, #tpu.memory_space<vmem>>
      %dma_wait3A_452 = tpu.memref_squeeze %dma_wait3A_451 : memref<1x128xf32, #tpu.memory_space<vmem>> -> memref<128xf32, #tpu.memory_space<vmem>>
      %dma_wait3A_453 = arith.constant 9000448 : i32
      %dma_wait3A_454 = tpu.memref_slice %arg4[%dma_wait3A_453] : memref<32002048xf32, #tpu.memory_space<hbm>> -> memref<128xf32, #tpu.memory_space<hbm>>
      %dma_wait3A_455 = arith.constant 9000448 : i32
      %dma_wait3A_456 = tpu.memref_slice %arg4[%dma_wait3A_455] : memref<32002048xf32, #tpu.memory_space<hbm>> -> memref<128xf32, #tpu.memory_space<hbm>>
      %dma_wait3A_457 = arith.constant 0 : i32
      %dma_wait3A_458 = tpu.memref_slice %arg6[%dma_wait3A_449, %dma_wait3A_457] : memref<32x128xf32, #tpu.memory_space<vmem>> -> memref<1x128xf32, #tpu.memory_space<vmem>>
      %dma_wait3A_459 = tpu.memref_squeeze %dma_wait3A_458 : memref<1x128xf32, #tpu.memory_space<vmem>> -> memref<128xf32, #tpu.memory_space<vmem>>
      tpu.wait_dma2 semaphore(%arg7 : memref<!tpu.dma_semaphore, #tpu.memory_space<semaphore_mem>>) src(%dma_wait3A_459 : memref<128xf32, #tpu.memory_space<vmem>>) dst(%dma_wait3A_456 : memref<128xf32, #tpu.memory_space<hbm>>)
      %dma_wait3A_460 = arith.constant 9 : i32
      %dma_wait3A_461 = arith.constant 0 : i32
      %dma_wait3A_462 = tpu.memref_slice %arg6[%dma_wait3A_460, %dma_wait3A_461] : memref<32x128xf32, #tpu.memory_space<vmem>> -> memref<1x128xf32, #tpu.memory_space<vmem>>
      %dma_wait3A_463 = tpu.memref_squeeze %dma_wait3A_462 : memref<1x128xf32, #tpu.memory_space<vmem>> -> memref<128xf32, #tpu.memory_space<vmem>>
      %dma_wait3A_464 = arith.constant 10000512 : i32
      %dma_wait3A_465 = tpu.memref_slice %arg4[%dma_wait3A_464] : memref<32002048xf32, #tpu.memory_space<hbm>> -> memref<128xf32, #tpu.memory_space<hbm>>
      %dma_wait3A_466 = arith.constant 10000512 : i32
      %dma_wait3A_467 = tpu.memref_slice %arg4[%dma_wait3A_466] : memref<32002048xf32, #tpu.memory_space<hbm>> -> memref<128xf32, #tpu.memory_space<hbm>>
      %dma_wait3A_468 = arith.constant 0 : i32
      %dma_wait3A_469 = tpu.memref_slice %arg6[%dma_wait3A_460, %dma_wait3A_468] : memref<32x128xf32, #tpu.memory_space<vmem>> -> memref<1x128xf32, #tpu.memory_space<vmem>>
      %dma_wait3A_470 = tpu.memref_squeeze %dma_wait3A_469 : memref<1x128xf32, #tpu.memory_space<vmem>> -> memref<128xf32, #tpu.memory_space<vmem>>
      tpu.wait_dma2 semaphore(%arg7 : memref<!tpu.dma_semaphore, #tpu.memory_space<semaphore_mem>>) src(%dma_wait3A_470 : memref<128xf32, #tpu.memory_space<vmem>>) dst(%dma_wait3A_467 : memref<128xf32, #tpu.memory_space<hbm>>)
      %dma_wait3A_471 = arith.constant 10 : i32
      %dma_wait3A_472 = arith.constant 0 : i32
      %dma_wait3A_473 = tpu.memref_slice %arg6[%dma_wait3A_471, %dma_wait3A_472] : memref<32x128xf32, #tpu.memory_space<vmem>> -> memref<1x128xf32, #tpu.memory_space<vmem>>
      %dma_wait3A_474 = tpu.memref_squeeze %dma_wait3A_473 : memref<1x128xf32, #tpu.memory_space<vmem>> -> memref<128xf32, #tpu.memory_space<vmem>>
      %dma_wait3A_475 = arith.constant 11000576 : i32
      %dma_wait3A_476 = tpu.memref_slice %arg4[%dma_wait3A_475] : memref<32002048xf32, #tpu.memory_space<hbm>> -> memref<128xf32, #tpu.memory_space<hbm>>
      %dma_wait3A_477 = arith.constant 11000576 : i32
      %dma_wait3A_478 = tpu.memref_slice %arg4[%dma_wait3A_477] : memref<32002048xf32, #tpu.memory_space<hbm>> -> memref<128xf32, #tpu.memory_space<hbm>>
      %dma_wait3A_479 = arith.constant 0 : i32
      %dma_wait3A_480 = tpu.memref_slice %arg6[%dma_wait3A_471, %dma_wait3A_479] : memref<32x128xf32, #tpu.memory_space<vmem>> -> memref<1x128xf32, #tpu.memory_space<vmem>>
      %dma_wait3A_481 = tpu.memref_squeeze %dma_wait3A_480 : memref<1x128xf32, #tpu.memory_space<vmem>> -> memref<128xf32, #tpu.memory_space<vmem>>
      tpu.wait_dma2 semaphore(%arg7 : memref<!tpu.dma_semaphore, #tpu.memory_space<semaphore_mem>>) src(%dma_wait3A_481 : memref<128xf32, #tpu.memory_space<vmem>>) dst(%dma_wait3A_478 : memref<128xf32, #tpu.memory_space<hbm>>)
      %dma_wait3A_482 = arith.constant 11 : i32
      %dma_wait3A_483 = arith.constant 0 : i32
      %dma_wait3A_484 = tpu.memref_slice %arg6[%dma_wait3A_482, %dma_wait3A_483] : memref<32x128xf32, #tpu.memory_space<vmem>> -> memref<1x128xf32, #tpu.memory_space<vmem>>
      %dma_wait3A_485 = tpu.memref_squeeze %dma_wait3A_484 : memref<1x128xf32, #tpu.memory_space<vmem>> -> memref<128xf32, #tpu.memory_space<vmem>>
      %dma_wait3A_486 = arith.constant 12000640 : i32
      %dma_wait3A_487 = tpu.memref_slice %arg4[%dma_wait3A_486] : memref<32002048xf32, #tpu.memory_space<hbm>> -> memref<128xf32, #tpu.memory_space<hbm>>
      %dma_wait3A_488 = arith.constant 12000640 : i32
      %dma_wait3A_489 = tpu.memref_slice %arg4[%dma_wait3A_488] : memref<32002048xf32, #tpu.memory_space<hbm>> -> memref<128xf32, #tpu.memory_space<hbm>>
      %dma_wait3A_490 = arith.constant 0 : i32
      %dma_wait3A_491 = tpu.memref_slice %arg6[%dma_wait3A_482, %dma_wait3A_490] : memref<32x128xf32, #tpu.memory_space<vmem>> -> memref<1x128xf32, #tpu.memory_space<vmem>>
      %dma_wait3A_492 = tpu.memref_squeeze %dma_wait3A_491 : memref<1x128xf32, #tpu.memory_space<vmem>> -> memref<128xf32, #tpu.memory_space<vmem>>
      tpu.wait_dma2 semaphore(%arg7 : memref<!tpu.dma_semaphore, #tpu.memory_space<semaphore_mem>>) src(%dma_wait3A_492 : memref<128xf32, #tpu.memory_space<vmem>>) dst(%dma_wait3A_489 : memref<128xf32, #tpu.memory_space<hbm>>)
      %dma_wait3A_493 = arith.constant 12 : i32
      %dma_wait3A_494 = arith.constant 0 : i32
      %dma_wait3A_495 = tpu.memref_slice %arg6[%dma_wait3A_493, %dma_wait3A_494] : memref<32x128xf32, #tpu.memory_space<vmem>> -> memref<1x128xf32, #tpu.memory_space<vmem>>
      %dma_wait3A_496 = tpu.memref_squeeze %dma_wait3A_495 : memref<1x128xf32, #tpu.memory_space<vmem>> -> memref<128xf32, #tpu.memory_space<vmem>>
      %dma_wait3A_497 = arith.constant 13000704 : i32
      %dma_wait3A_498 = tpu.memref_slice %arg4[%dma_wait3A_497] : memref<32002048xf32, #tpu.memory_space<hbm>> -> memref<128xf32, #tpu.memory_space<hbm>>
      %dma_wait3A_499 = arith.constant 13000704 : i32
      %dma_wait3A_500 = tpu.memref_slice %arg4[%dma_wait3A_499] : memref<32002048xf32, #tpu.memory_space<hbm>> -> memref<128xf32, #tpu.memory_space<hbm>>
      %dma_wait3A_501 = arith.constant 0 : i32
      %dma_wait3A_502 = tpu.memref_slice %arg6[%dma_wait3A_493, %dma_wait3A_501] : memref<32x128xf32, #tpu.memory_space<vmem>> -> memref<1x128xf32, #tpu.memory_space<vmem>>
      %dma_wait3A_503 = tpu.memref_squeeze %dma_wait3A_502 : memref<1x128xf32, #tpu.memory_space<vmem>> -> memref<128xf32, #tpu.memory_space<vmem>>
      tpu.wait_dma2 semaphore(%arg7 : memref<!tpu.dma_semaphore, #tpu.memory_space<semaphore_mem>>) src(%dma_wait3A_503 : memref<128xf32, #tpu.memory_space<vmem>>) dst(%dma_wait3A_500 : memref<128xf32, #tpu.memory_space<hbm>>)
      %dma_wait3A_504 = arith.constant 13 : i32
      %dma_wait3A_505 = arith.constant 0 : i32
      %dma_wait3A_506 = tpu.memref_slice %arg6[%dma_wait3A_504, %dma_wait3A_505] : memref<32x128xf32, #tpu.memory_space<vmem>> -> memref<1x128xf32, #tpu.memory_space<vmem>>
      %dma_wait3A_507 = tpu.memref_squeeze %dma_wait3A_506 : memref<1x128xf32, #tpu.memory_space<vmem>> -> memref<128xf32, #tpu.memory_space<vmem>>
      %dma_wait3A_508 = arith.constant 14000768 : i32
      %dma_wait3A_509 = tpu.memref_slice %arg4[%dma_wait3A_508] : memref<32002048xf32, #tpu.memory_space<hbm>> -> memref<128xf32, #tpu.memory_space<hbm>>
      %dma_wait3A_510 = arith.constant 14000768 : i32
      %dma_wait3A_511 = tpu.memref_slice %arg4[%dma_wait3A_510] : memref<32002048xf32, #tpu.memory_space<hbm>> -> memref<128xf32, #tpu.memory_space<hbm>>
      %dma_wait3A_512 = arith.constant 0 : i32
      %dma_wait3A_513 = tpu.memref_slice %arg6[%dma_wait3A_504, %dma_wait3A_512] : memref<32x128xf32, #tpu.memory_space<vmem>> -> memref<1x128xf32, #tpu.memory_space<vmem>>
      %dma_wait3A_514 = tpu.memref_squeeze %dma_wait3A_513 : memref<1x128xf32, #tpu.memory_space<vmem>> -> memref<128xf32, #tpu.memory_space<vmem>>
      tpu.wait_dma2 semaphore(%arg7 : memref<!tpu.dma_semaphore, #tpu.memory_space<semaphore_mem>>) src(%dma_wait3A_514 : memref<128xf32, #tpu.memory_space<vmem>>) dst(%dma_wait3A_511 : memref<128xf32, #tpu.memory_space<hbm>>)
      %dma_wait3A_515 = arith.constant 14 : i32
      %dma_wait3A_516 = arith.constant 0 : i32
      %dma_wait3A_517 = tpu.memref_slice %arg6[%dma_wait3A_515, %dma_wait3A_516] : memref<32x128xf32, #tpu.memory_space<vmem>> -> memref<1x128xf32, #tpu.memory_space<vmem>>
      %dma_wait3A_518 = tpu.memref_squeeze %dma_wait3A_517 : memref<1x128xf32, #tpu.memory_space<vmem>> -> memref<128xf32, #tpu.memory_space<vmem>>
      %dma_wait3A_519 = arith.constant 15000832 : i32
      %dma_wait3A_520 = tpu.memref_slice %arg4[%dma_wait3A_519] : memref<32002048xf32, #tpu.memory_space<hbm>> -> memref<128xf32, #tpu.memory_space<hbm>>
      %dma_wait3A_521 = arith.constant 15000832 : i32
      %dma_wait3A_522 = tpu.memref_slice %arg4[%dma_wait3A_521] : memref<32002048xf32, #tpu.memory_space<hbm>> -> memref<128xf32, #tpu.memory_space<hbm>>
      %dma_wait3A_523 = arith.constant 0 : i32
      %dma_wait3A_524 = tpu.memref_slice %arg6[%dma_wait3A_515, %dma_wait3A_523] : memref<32x128xf32, #tpu.memory_space<vmem>> -> memref<1x128xf32, #tpu.memory_space<vmem>>
      %dma_wait3A_525 = tpu.memref_squeeze %dma_wait3A_524 : memref<1x128xf32, #tpu.memory_space<vmem>> -> memref<128xf32, #tpu.memory_space<vmem>>
      tpu.wait_dma2 semaphore(%arg7 : memref<!tpu.dma_semaphore, #tpu.memory_space<semaphore_mem>>) src(%dma_wait3A_525 : memref<128xf32, #tpu.memory_space<vmem>>) dst(%dma_wait3A_522 : memref<128xf32, #tpu.memory_space<hbm>>)
      %dma_wait3A_526 = arith.constant 15 : i32
      %dma_wait3A_527 = arith.constant 0 : i32
      %dma_wait3A_528 = tpu.memref_slice %arg6[%dma_wait3A_526, %dma_wait3A_527] : memref<32x128xf32, #tpu.memory_space<vmem>> -> memref<1x128xf32, #tpu.memory_space<vmem>>
      %dma_wait3A_529 = tpu.memref_squeeze %dma_wait3A_528 : memref<1x128xf32, #tpu.memory_space<vmem>> -> memref<128xf32, #tpu.memory_space<vmem>>
      %dma_wait3A_530 = arith.constant 16000896 : i32
      %dma_wait3A_531 = tpu.memref_slice %arg4[%dma_wait3A_530] : memref<32002048xf32, #tpu.memory_space<hbm>> -> memref<128xf32, #tpu.memory_space<hbm>>
      %dma_wait3A_532 = arith.constant 16000896 : i32
      %dma_wait3A_533 = tpu.memref_slice %arg4[%dma_wait3A_532] : memref<32002048xf32, #tpu.memory_space<hbm>> -> memref<128xf32, #tpu.memory_space<hbm>>
      %dma_wait3A_534 = arith.constant 0 : i32
      %dma_wait3A_535 = tpu.memref_slice %arg6[%dma_wait3A_526, %dma_wait3A_534] : memref<32x128xf32, #tpu.memory_space<vmem>> -> memref<1x128xf32, #tpu.memory_space<vmem>>
      %dma_wait3A_536 = tpu.memref_squeeze %dma_wait3A_535 : memref<1x128xf32, #tpu.memory_space<vmem>> -> memref<128xf32, #tpu.memory_space<vmem>>
      tpu.wait_dma2 semaphore(%arg7 : memref<!tpu.dma_semaphore, #tpu.memory_space<semaphore_mem>>) src(%dma_wait3A_536 : memref<128xf32, #tpu.memory_space<vmem>>) dst(%dma_wait3A_533 : memref<128xf32, #tpu.memory_space<hbm>>)
      %dma_wait3A_537 = arith.constant 16 : i32
      %dma_wait3A_538 = arith.constant 0 : i32
      %dma_wait3A_539 = tpu.memref_slice %arg6[%dma_wait3A_537, %dma_wait3A_538] : memref<32x128xf32, #tpu.memory_space<vmem>> -> memref<1x128xf32, #tpu.memory_space<vmem>>
      %dma_wait3A_540 = tpu.memref_squeeze %dma_wait3A_539 : memref<1x128xf32, #tpu.memory_space<vmem>> -> memref<128xf32, #tpu.memory_space<vmem>>
      %dma_wait3A_541 = arith.constant 17000960 : i32
      %dma_wait3A_542 = tpu.memref_slice %arg4[%dma_wait3A_541] : memref<32002048xf32, #tpu.memory_space<hbm>> -> memref<128xf32, #tpu.memory_space<hbm>>
      %dma_wait3A_543 = arith.constant 17000960 : i32
      %dma_wait3A_544 = tpu.memref_slice %arg4[%dma_wait3A_543] : memref<32002048xf32, #tpu.memory_space<hbm>> -> memref<128xf32, #tpu.memory_space<hbm>>
      %dma_wait3A_545 = arith.constant 0 : i32
      %dma_wait3A_546 = tpu.memref_slice %arg6[%dma_wait3A_537, %dma_wait3A_545] : memref<32x128xf32, #tpu.memory_space<vmem>> -> memref<1x128xf32, #tpu.memory_space<vmem>>
      %dma_wait3A_547 = tpu.memref_squeeze %dma_wait3A_546 : memref<1x128xf32, #tpu.memory_space<vmem>> -> memref<128xf32, #tpu.memory_space<vmem>>
      tpu.wait_dma2 semaphore(%arg7 : memref<!tpu.dma_semaphore, #tpu.memory_space<semaphore_mem>>) src(%dma_wait3A_547 : memref<128xf32, #tpu.memory_space<vmem>>) dst(%dma_wait3A_544 : memref<128xf32, #tpu.memory_space<hbm>>)
      %dma_wait3A_548 = arith.constant 17 : i32
      %dma_wait3A_549 = arith.constant 0 : i32
      %dma_wait3A_550 = tpu.memref_slice %arg6[%dma_wait3A_548, %dma_wait3A_549] : memref<32x128xf32, #tpu.memory_space<vmem>> -> memref<1x128xf32, #tpu.memory_space<vmem>>
      %dma_wait3A_551 = tpu.memref_squeeze %dma_wait3A_550 : memref<1x128xf32, #tpu.memory_space<vmem>> -> memref<128xf32, #tpu.memory_space<vmem>>
      %dma_wait3A_552 = arith.constant 18001024 : i32
      %dma_wait3A_553 = tpu.memref_slice %arg4[%dma_wait3A_552] : memref<32002048xf32, #tpu.memory_space<hbm>> -> memref<128xf32, #tpu.memory_space<hbm>>
      %dma_wait3A_554 = arith.constant 18001024 : i32
      %dma_wait3A_555 = tpu.memref_slice %arg4[%dma_wait3A_554] : memref<32002048xf32, #tpu.memory_space<hbm>> -> memref<128xf32, #tpu.memory_space<hbm>>
      %dma_wait3A_556 = arith.constant 0 : i32
      %dma_wait3A_557 = tpu.memref_slice %arg6[%dma_wait3A_548, %dma_wait3A_556] : memref<32x128xf32, #tpu.memory_space<vmem>> -> memref<1x128xf32, #tpu.memory_space<vmem>>
      %dma_wait3A_558 = tpu.memref_squeeze %dma_wait3A_557 : memref<1x128xf32, #tpu.memory_space<vmem>> -> memref<128xf32, #tpu.memory_space<vmem>>
      tpu.wait_dma2 semaphore(%arg7 : memref<!tpu.dma_semaphore, #tpu.memory_space<semaphore_mem>>) src(%dma_wait3A_558 : memref<128xf32, #tpu.memory_space<vmem>>) dst(%dma_wait3A_555 : memref<128xf32, #tpu.memory_space<hbm>>)
      %dma_wait3A_559 = arith.constant 18 : i32
      %dma_wait3A_560 = arith.constant 0 : i32
      %dma_wait3A_561 = tpu.memref_slice %arg6[%dma_wait3A_559, %dma_wait3A_560] : memref<32x128xf32, #tpu.memory_space<vmem>> -> memref<1x128xf32, #tpu.memory_space<vmem>>
      %dma_wait3A_562 = tpu.memref_squeeze %dma_wait3A_561 : memref<1x128xf32, #tpu.memory_space<vmem>> -> memref<128xf32, #tpu.memory_space<vmem>>
      %dma_wait3A_563 = arith.constant 19001088 : i32
      %dma_wait3A_564 = tpu.memref_slice %arg4[%dma_wait3A_563] : memref<32002048xf32, #tpu.memory_space<hbm>> -> memref<128xf32, #tpu.memory_space<hbm>>
      %dma_wait3A_565 = arith.constant 19001088 : i32
      %dma_wait3A_566 = tpu.memref_slice %arg4[%dma_wait3A_565] : memref<32002048xf32, #tpu.memory_space<hbm>> -> memref<128xf32, #tpu.memory_space<hbm>>
      %dma_wait3A_567 = arith.constant 0 : i32
      %dma_wait3A_568 = tpu.memref_slice %arg6[%dma_wait3A_559, %dma_wait3A_567] : memref<32x128xf32, #tpu.memory_space<vmem>> -> memref<1x128xf32, #tpu.memory_space<vmem>>
      %dma_wait3A_569 = tpu.memref_squeeze %dma_wait3A_568 : memref<1x128xf32, #tpu.memory_space<vmem>> -> memref<128xf32, #tpu.memory_space<vmem>>
      tpu.wait_dma2 semaphore(%arg7 : memref<!tpu.dma_semaphore, #tpu.memory_space<semaphore_mem>>) src(%dma_wait3A_569 : memref<128xf32, #tpu.memory_space<vmem>>) dst(%dma_wait3A_566 : memref<128xf32, #tpu.memory_space<hbm>>)
      %dma_wait3A_570 = arith.constant 19 : i32
      %dma_wait3A_571 = arith.constant 0 : i32
      %dma_wait3A_572 = tpu.memref_slice %arg6[%dma_wait3A_570, %dma_wait3A_571] : memref<32x128xf32, #tpu.memory_space<vmem>> -> memref<1x128xf32, #tpu.memory_space<vmem>>
      %dma_wait3A_573 = tpu.memref_squeeze %dma_wait3A_572 : memref<1x128xf32, #tpu.memory_space<vmem>> -> memref<128xf32, #tpu.memory_space<vmem>>
      %dma_wait3A_574 = arith.constant 20001152 : i32
      %dma_wait3A_575 = tpu.memref_slice %arg4[%dma_wait3A_574] : memref<32002048xf32, #tpu.memory_space<hbm>> -> memref<128xf32, #tpu.memory_space<hbm>>
      %dma_wait3A_576 = arith.constant 20001152 : i32
      %dma_wait3A_577 = tpu.memref_slice %arg4[%dma_wait3A_576] : memref<32002048xf32, #tpu.memory_space<hbm>> -> memref<128xf32, #tpu.memory_space<hbm>>
      %dma_wait3A_578 = arith.constant 0 : i32
      %dma_wait3A_579 = tpu.memref_slice %arg6[%dma_wait3A_570, %dma_wait3A_578] : memref<32x128xf32, #tpu.memory_space<vmem>> -> memref<1x128xf32, #tpu.memory_space<vmem>>
      %dma_wait3A_580 = tpu.memref_squeeze %dma_wait3A_579 : memref<1x128xf32, #tpu.memory_space<vmem>> -> memref<128xf32, #tpu.memory_space<vmem>>
      tpu.wait_dma2 semaphore(%arg7 : memref<!tpu.dma_semaphore, #tpu.memory_space<semaphore_mem>>) src(%dma_wait3A_580 : memref<128xf32, #tpu.memory_space<vmem>>) dst(%dma_wait3A_577 : memref<128xf32, #tpu.memory_space<hbm>>)
      %dma_wait3A_581 = arith.constant 20 : i32
      %dma_wait3A_582 = arith.constant 0 : i32
      %dma_wait3A_583 = tpu.memref_slice %arg6[%dma_wait3A_581, %dma_wait3A_582] : memref<32x128xf32, #tpu.memory_space<vmem>> -> memref<1x128xf32, #tpu.memory_space<vmem>>
      %dma_wait3A_584 = tpu.memref_squeeze %dma_wait3A_583 : memref<1x128xf32, #tpu.memory_space<vmem>> -> memref<128xf32, #tpu.memory_space<vmem>>
      %dma_wait3A_585 = arith.constant 21001216 : i32
      %dma_wait3A_586 = tpu.memref_slice %arg4[%dma_wait3A_585] : memref<32002048xf32, #tpu.memory_space<hbm>> -> memref<128xf32, #tpu.memory_space<hbm>>
      %dma_wait3A_587 = arith.constant 21001216 : i32
      %dma_wait3A_588 = tpu.memref_slice %arg4[%dma_wait3A_587] : memref<32002048xf32, #tpu.memory_space<hbm>> -> memref<128xf32, #tpu.memory_space<hbm>>
      %dma_wait3A_589 = arith.constant 0 : i32
      %dma_wait3A_590 = tpu.memref_slice %arg6[%dma_wait3A_581, %dma_wait3A_589] : memref<32x128xf32, #tpu.memory_space<vmem>> -> memref<1x128xf32, #tpu.memory_space<vmem>>
      %dma_wait3A_591 = tpu.memref_squeeze %dma_wait3A_590 : memref<1x128xf32, #tpu.memory_space<vmem>> -> memref<128xf32, #tpu.memory_space<vmem>>
      tpu.wait_dma2 semaphore(%arg7 : memref<!tpu.dma_semaphore, #tpu.memory_space<semaphore_mem>>) src(%dma_wait3A_591 : memref<128xf32, #tpu.memory_space<vmem>>) dst(%dma_wait3A_588 : memref<128xf32, #tpu.memory_space<hbm>>)
      %dma_wait3A_592 = arith.constant 21 : i32
      %dma_wait3A_593 = arith.constant 0 : i32
      %dma_wait3A_594 = tpu.memref_slice %arg6[%dma_wait3A_592, %dma_wait3A_593] : memref<32x128xf32, #tpu.memory_space<vmem>> -> memref<1x128xf32, #tpu.memory_space<vmem>>
      %dma_wait3A_595 = tpu.memref_squeeze %dma_wait3A_594 : memref<1x128xf32, #tpu.memory_space<vmem>> -> memref<128xf32, #tpu.memory_space<vmem>>
      %dma_wait3A_596 = arith.constant 22001280 : i32
      %dma_wait3A_597 = tpu.memref_slice %arg4[%dma_wait3A_596] : memref<32002048xf32, #tpu.memory_space<hbm>> -> memref<128xf32, #tpu.memory_space<hbm>>
      %dma_wait3A_598 = arith.constant 22001280 : i32
      %dma_wait3A_599 = tpu.memref_slice %arg4[%dma_wait3A_598] : memref<32002048xf32, #tpu.memory_space<hbm>> -> memref<128xf32, #tpu.memory_space<hbm>>
      %dma_wait3A_600 = arith.constant 0 : i32
      %dma_wait3A_601 = tpu.memref_slice %arg6[%dma_wait3A_592, %dma_wait3A_600] : memref<32x128xf32, #tpu.memory_space<vmem>> -> memref<1x128xf32, #tpu.memory_space<vmem>>
      %dma_wait3A_602 = tpu.memref_squeeze %dma_wait3A_601 : memref<1x128xf32, #tpu.memory_space<vmem>> -> memref<128xf32, #tpu.memory_space<vmem>>
      tpu.wait_dma2 semaphore(%arg7 : memref<!tpu.dma_semaphore, #tpu.memory_space<semaphore_mem>>) src(%dma_wait3A_602 : memref<128xf32, #tpu.memory_space<vmem>>) dst(%dma_wait3A_599 : memref<128xf32, #tpu.memory_space<hbm>>)
      %dma_wait3A_603 = arith.constant 22 : i32
      %dma_wait3A_604 = arith.constant 0 : i32
      %dma_wait3A_605 = tpu.memref_slice %arg6[%dma_wait3A_603, %dma_wait3A_604] : memref<32x128xf32, #tpu.memory_space<vmem>> -> memref<1x128xf32, #tpu.memory_space<vmem>>
      %dma_wait3A_606 = tpu.memref_squeeze %dma_wait3A_605 : memref<1x128xf32, #tpu.memory_space<vmem>> -> memref<128xf32, #tpu.memory_space<vmem>>
      %dma_wait3A_607 = arith.constant 23001344 : i32
      %dma_wait3A_608 = tpu.memref_slice %arg4[%dma_wait3A_607] : memref<32002048xf32, #tpu.memory_space<hbm>> -> memref<128xf32, #tpu.memory_space<hbm>>
      %dma_wait3A_609 = arith.constant 23001344 : i32
      %dma_wait3A_610 = tpu.memref_slice %arg4[%dma_wait3A_609] : memref<32002048xf32, #tpu.memory_space<hbm>> -> memref<128xf32, #tpu.memory_space<hbm>>
      %dma_wait3A_611 = arith.constant 0 : i32
      %dma_wait3A_612 = tpu.memref_slice %arg6[%dma_wait3A_603, %dma_wait3A_611] : memref<32x128xf32, #tpu.memory_space<vmem>> -> memref<1x128xf32, #tpu.memory_space<vmem>>
      %dma_wait3A_613 = tpu.memref_squeeze %dma_wait3A_612 : memref<1x128xf32, #tpu.memory_space<vmem>> -> memref<128xf32, #tpu.memory_space<vmem>>
      tpu.wait_dma2 semaphore(%arg7 : memref<!tpu.dma_semaphore, #tpu.memory_space<semaphore_mem>>) src(%dma_wait3A_613 : memref<128xf32, #tpu.memory_space<vmem>>) dst(%dma_wait3A_610 : memref<128xf32, #tpu.memory_space<hbm>>)
      %dma_wait3A_614 = arith.constant 23 : i32
      %dma_wait3A_615 = arith.constant 0 : i32
      %dma_wait3A_616 = tpu.memref_slice %arg6[%dma_wait3A_614, %dma_wait3A_615] : memref<32x128xf32, #tpu.memory_space<vmem>> -> memref<1x128xf32, #tpu.memory_space<vmem>>
      %dma_wait3A_617 = tpu.memref_squeeze %dma_wait3A_616 : memref<1x128xf32, #tpu.memory_space<vmem>> -> memref<128xf32, #tpu.memory_space<vmem>>
      %dma_wait3A_618 = arith.constant 24001408 : i32
      %dma_wait3A_619 = tpu.memref_slice %arg4[%dma_wait3A_618] : memref<32002048xf32, #tpu.memory_space<hbm>> -> memref<128xf32, #tpu.memory_space<hbm>>
      %dma_wait3A_620 = arith.constant 24001408 : i32
      %dma_wait3A_621 = tpu.memref_slice %arg4[%dma_wait3A_620] : memref<32002048xf32, #tpu.memory_space<hbm>> -> memref<128xf32, #tpu.memory_space<hbm>>
      %dma_wait3A_622 = arith.constant 0 : i32
      %dma_wait3A_623 = tpu.memref_slice %arg6[%dma_wait3A_614, %dma_wait3A_622] : memref<32x128xf32, #tpu.memory_space<vmem>> -> memref<1x128xf32, #tpu.memory_space<vmem>>
      %dma_wait3A_624 = tpu.memref_squeeze %dma_wait3A_623 : memref<1x128xf32, #tpu.memory_space<vmem>> -> memref<128xf32, #tpu.memory_space<vmem>>
      tpu.wait_dma2 semaphore(%arg7 : memref<!tpu.dma_semaphore, #tpu.memory_space<semaphore_mem>>) src(%dma_wait3A_624 : memref<128xf32, #tpu.memory_space<vmem>>) dst(%dma_wait3A_621 : memref<128xf32, #tpu.memory_space<hbm>>)
      %dma_wait3A_625 = arith.constant 24 : i32
      %dma_wait3A_626 = arith.constant 0 : i32
      %dma_wait3A_627 = tpu.memref_slice %arg6[%dma_wait3A_625, %dma_wait3A_626] : memref<32x128xf32, #tpu.memory_space<vmem>> -> memref<1x128xf32, #tpu.memory_space<vmem>>
      %dma_wait3A_628 = tpu.memref_squeeze %dma_wait3A_627 : memref<1x128xf32, #tpu.memory_space<vmem>> -> memref<128xf32, #tpu.memory_space<vmem>>
      %dma_wait3A_629 = arith.constant 25001472 : i32
      %dma_wait3A_630 = tpu.memref_slice %arg4[%dma_wait3A_629] : memref<32002048xf32, #tpu.memory_space<hbm>> -> memref<128xf32, #tpu.memory_space<hbm>>
      %dma_wait3A_631 = arith.constant 25001472 : i32
      %dma_wait3A_632 = tpu.memref_slice %arg4[%dma_wait3A_631] : memref<32002048xf32, #tpu.memory_space<hbm>> -> memref<128xf32, #tpu.memory_space<hbm>>
      %dma_wait3A_633 = arith.constant 0 : i32
      %dma_wait3A_634 = tpu.memref_slice %arg6[%dma_wait3A_625, %dma_wait3A_633] : memref<32x128xf32, #tpu.memory_space<vmem>> -> memref<1x128xf32, #tpu.memory_space<vmem>>
      %dma_wait3A_635 = tpu.memref_squeeze %dma_wait3A_634 : memref<1x128xf32, #tpu.memory_space<vmem>> -> memref<128xf32, #tpu.memory_space<vmem>>
      tpu.wait_dma2 semaphore(%arg7 : memref<!tpu.dma_semaphore, #tpu.memory_space<semaphore_mem>>) src(%dma_wait3A_635 : memref<128xf32, #tpu.memory_space<vmem>>) dst(%dma_wait3A_632 : memref<128xf32, #tpu.memory_space<hbm>>)
      %dma_wait3A_636 = arith.constant 25 : i32
      %dma_wait3A_637 = arith.constant 0 : i32
      %dma_wait3A_638 = tpu.memref_slice %arg6[%dma_wait3A_636, %dma_wait3A_637] : memref<32x128xf32, #tpu.memory_space<vmem>> -> memref<1x128xf32, #tpu.memory_space<vmem>>
      %dma_wait3A_639 = tpu.memref_squeeze %dma_wait3A_638 : memref<1x128xf32, #tpu.memory_space<vmem>> -> memref<128xf32, #tpu.memory_space<vmem>>
      %dma_wait3A_640 = arith.constant 26001536 : i32
      %dma_wait3A_641 = tpu.memref_slice %arg4[%dma_wait3A_640] : memref<32002048xf32, #tpu.memory_space<hbm>> -> memref<128xf32, #tpu.memory_space<hbm>>
      %dma_wait3A_642 = arith.constant 26001536 : i32
      %dma_wait3A_643 = tpu.memref_slice %arg4[%dma_wait3A_642] : memref<32002048xf32, #tpu.memory_space<hbm>> -> memref<128xf32, #tpu.memory_space<hbm>>
      %dma_wait3A_644 = arith.constant 0 : i32
      %dma_wait3A_645 = tpu.memref_slice %arg6[%dma_wait3A_636, %dma_wait3A_644] : memref<32x128xf32, #tpu.memory_space<vmem>> -> memref<1x128xf32, #tpu.memory_space<vmem>>
      %dma_wait3A_646 = tpu.memref_squeeze %dma_wait3A_645 : memref<1x128xf32, #tpu.memory_space<vmem>> -> memref<128xf32, #tpu.memory_space<vmem>>
      tpu.wait_dma2 semaphore(%arg7 : memref<!tpu.dma_semaphore, #tpu.memory_space<semaphore_mem>>) src(%dma_wait3A_646 : memref<128xf32, #tpu.memory_space<vmem>>) dst(%dma_wait3A_643 : memref<128xf32, #tpu.memory_space<hbm>>)
      %dma_wait3A_647 = arith.constant 26 : i32
      %dma_wait3A_648 = arith.constant 0 : i32
      %dma_wait3A_649 = tpu.memref_slice %arg6[%dma_wait3A_647, %dma_wait3A_648] : memref<32x128xf32, #tpu.memory_space<vmem>> -> memref<1x128xf32, #tpu.memory_space<vmem>>
      %dma_wait3A_650 = tpu.memref_squeeze %dma_wait3A_649 : memref<1x128xf32, #tpu.memory_space<vmem>> -> memref<128xf32, #tpu.memory_space<vmem>>
      %dma_wait3A_651 = arith.constant 27001600 : i32
      %dma_wait3A_652 = tpu.memref_slice %arg4[%dma_wait3A_651] : memref<32002048xf32, #tpu.memory_space<hbm>> -> memref<128xf32, #tpu.memory_space<hbm>>
      %dma_wait3A_653 = arith.constant 27001600 : i32
      %dma_wait3A_654 = tpu.memref_slice %arg4[%dma_wait3A_653] : memref<32002048xf32, #tpu.memory_space<hbm>> -> memref<128xf32, #tpu.memory_space<hbm>>
      %dma_wait3A_655 = arith.constant 0 : i32
      %dma_wait3A_656 = tpu.memref_slice %arg6[%dma_wait3A_647, %dma_wait3A_655] : memref<32x128xf32, #tpu.memory_space<vmem>> -> memref<1x128xf32, #tpu.memory_space<vmem>>
      %dma_wait3A_657 = tpu.memref_squeeze %dma_wait3A_656 : memref<1x128xf32, #tpu.memory_space<vmem>> -> memref<128xf32, #tpu.memory_space<vmem>>
      tpu.wait_dma2 semaphore(%arg7 : memref<!tpu.dma_semaphore, #tpu.memory_space<semaphore_mem>>) src(%dma_wait3A_657 : memref<128xf32, #tpu.memory_space<vmem>>) dst(%dma_wait3A_654 : memref<128xf32, #tpu.memory_space<hbm>>)
      %dma_wait3A_658 = arith.constant 27 : i32
      %dma_wait3A_659 = arith.constant 0 : i32
      %dma_wait3A_660 = tpu.memref_slice %arg6[%dma_wait3A_658, %dma_wait3A_659] : memref<32x128xf32, #tpu.memory_space<vmem>> -> memref<1x128xf32, #tpu.memory_space<vmem>>
      %dma_wait3A_661 = tpu.memref_squeeze %dma_wait3A_660 : memref<1x128xf32, #tpu.memory_space<vmem>> -> memref<128xf32, #tpu.memory_space<vmem>>
      %dma_wait3A_662 = arith.constant 28001664 : i32
      %dma_wait3A_663 = tpu.memref_slice %arg4[%dma_wait3A_662] : memref<32002048xf32, #tpu.memory_space<hbm>> -> memref<128xf32, #tpu.memory_space<hbm>>
      %dma_wait3A_664 = arith.constant 28001664 : i32
      %dma_wait3A_665 = tpu.memref_slice %arg4[%dma_wait3A_664] : memref<32002048xf32, #tpu.memory_space<hbm>> -> memref<128xf32, #tpu.memory_space<hbm>>
      %dma_wait3A_666 = arith.constant 0 : i32
      %dma_wait3A_667 = tpu.memref_slice %arg6[%dma_wait3A_658, %dma_wait3A_666] : memref<32x128xf32, #tpu.memory_space<vmem>> -> memref<1x128xf32, #tpu.memory_space<vmem>>
      %dma_wait3A_668 = tpu.memref_squeeze %dma_wait3A_667 : memref<1x128xf32, #tpu.memory_space<vmem>> -> memref<128xf32, #tpu.memory_space<vmem>>
      tpu.wait_dma2 semaphore(%arg7 : memref<!tpu.dma_semaphore, #tpu.memory_space<semaphore_mem>>) src(%dma_wait3A_668 : memref<128xf32, #tpu.memory_space<vmem>>) dst(%dma_wait3A_665 : memref<128xf32, #tpu.memory_space<hbm>>)
      %dma_wait3A_669 = arith.constant 28 : i32
      %dma_wait3A_670 = arith.constant 0 : i32
      %dma_wait3A_671 = tpu.memref_slice %arg6[%dma_wait3A_669, %dma_wait3A_670] : memref<32x128xf32, #tpu.memory_space<vmem>> -> memref<1x128xf32, #tpu.memory_space<vmem>>
      %dma_wait3A_672 = tpu.memref_squeeze %dma_wait3A_671 : memref<1x128xf32, #tpu.memory_space<vmem>> -> memref<128xf32, #tpu.memory_space<vmem>>
      %dma_wait3A_673 = arith.constant 29001728 : i32
      %dma_wait3A_674 = tpu.memref_slice %arg4[%dma_wait3A_673] : memref<32002048xf32, #tpu.memory_space<hbm>> -> memref<128xf32, #tpu.memory_space<hbm>>
      %dma_wait3A_675 = arith.constant 29001728 : i32
      %dma_wait3A_676 = tpu.memref_slice %arg4[%dma_wait3A_675] : memref<32002048xf32, #tpu.memory_space<hbm>> -> memref<128xf32, #tpu.memory_space<hbm>>
      %dma_wait3A_677 = arith.constant 0 : i32
      %dma_wait3A_678 = tpu.memref_slice %arg6[%dma_wait3A_669, %dma_wait3A_677] : memref<32x128xf32, #tpu.memory_space<vmem>> -> memref<1x128xf32, #tpu.memory_space<vmem>>
      %dma_wait3A_679 = tpu.memref_squeeze %dma_wait3A_678 : memref<1x128xf32, #tpu.memory_space<vmem>> -> memref<128xf32, #tpu.memory_space<vmem>>
      tpu.wait_dma2 semaphore(%arg7 : memref<!tpu.dma_semaphore, #tpu.memory_space<semaphore_mem>>) src(%dma_wait3A_679 : memref<128xf32, #tpu.memory_space<vmem>>) dst(%dma_wait3A_676 : memref<128xf32, #tpu.memory_space<hbm>>)
      %dma_wait3A_680 = arith.constant 29 : i32
      %dma_wait3A_681 = arith.constant 0 : i32
      %dma_wait3A_682 = tpu.memref_slice %arg6[%dma_wait3A_680, %dma_wait3A_681] : memref<32x128xf32, #tpu.memory_space<vmem>> -> memref<1x128xf32, #tpu.memory_space<vmem>>
      %dma_wait3A_683 = tpu.memref_squeeze %dma_wait3A_682 : memref<1x128xf32, #tpu.memory_space<vmem>> -> memref<128xf32, #tpu.memory_space<vmem>>
      %dma_wait3A_684 = arith.constant 30001792 : i32
      %dma_wait3A_685 = tpu.memref_slice %arg4[%dma_wait3A_684] : memref<32002048xf32, #tpu.memory_space<hbm>> -> memref<128xf32, #tpu.memory_space<hbm>>
      %dma_wait3A_686 = arith.constant 30001792 : i32
      %dma_wait3A_687 = tpu.memref_slice %arg4[%dma_wait3A_686] : memref<32002048xf32, #tpu.memory_space<hbm>> -> memref<128xf32, #tpu.memory_space<hbm>>
      %dma_wait3A_688 = arith.constant 0 : i32
      %dma_wait3A_689 = tpu.memref_slice %arg6[%dma_wait3A_680, %dma_wait3A_688] : memref<32x128xf32, #tpu.memory_space<vmem>> -> memref<1x128xf32, #tpu.memory_space<vmem>>
      %dma_wait3A_690 = tpu.memref_squeeze %dma_wait3A_689 : memref<1x128xf32, #tpu.memory_space<vmem>> -> memref<128xf32, #tpu.memory_space<vmem>>
      tpu.wait_dma2 semaphore(%arg7 : memref<!tpu.dma_semaphore, #tpu.memory_space<semaphore_mem>>) src(%dma_wait3A_690 : memref<128xf32, #tpu.memory_space<vmem>>) dst(%dma_wait3A_687 : memref<128xf32, #tpu.memory_space<hbm>>)
      %dma_wait3A_691 = arith.constant 30 : i32
      %dma_wait3A_692 = arith.constant 0 : i32
      %dma_wait3A_693 = tpu.memref_slice %arg6[%dma_wait3A_691, %dma_wait3A_692] : memref<32x128xf32, #tpu.memory_space<vmem>> -> memref<1x128xf32, #tpu.memory_space<vmem>>
      %dma_wait3A_694 = tpu.memref_squeeze %dma_wait3A_693 : memref<1x128xf32, #tpu.memory_space<vmem>> -> memref<128xf32, #tpu.memory_space<vmem>>
      %dma_wait3A_695 = arith.constant 31001856 : i32
      %dma_wait3A_696 = tpu.memref_slice %arg4[%dma_wait3A_695] : memref<32002048xf32, #tpu.memory_space<hbm>> -> memref<128xf32, #tpu.memory_space<hbm>>
      %dma_wait3A_697 = arith.constant 31001856 : i32
      %dma_wait3A_698 = tpu.memref_slice %arg4[%dma_wait3A_697] : memref<32002048xf32, #tpu.memory_space<hbm>> -> memref<128xf32, #tpu.memory_space<hbm>>
      %dma_wait3A_699 = arith.constant 0 : i32
      %dma_wait3A_700 = tpu.memref_slice %arg6[%dma_wait3A_691, %dma_wait3A_699] : memref<32x128xf32, #tpu.memory_space<vmem>> -> memref<1x128xf32, #tpu.memory_space<vmem>>
      %dma_wait3A_701 = tpu.memref_squeeze %dma_wait3A_700 : memref<1x128xf32, #tpu.memory_space<vmem>> -> memref<128xf32, #tpu.memory_space<vmem>>
      tpu.wait_dma2 semaphore(%arg7 : memref<!tpu.dma_semaphore, #tpu.memory_space<semaphore_mem>>) src(%dma_wait3A_701 : memref<128xf32, #tpu.memory_space<vmem>>) dst(%dma_wait3A_698 : memref<128xf32, #tpu.memory_space<hbm>>)
      %dma_wait3A_702 = arith.constant 31 : i32
      %dma_wait3A_703 = arith.constant 0 : i32
      %dma_wait3A_704 = tpu.memref_slice %arg6[%dma_wait3A_702, %dma_wait3A_703] : memref<32x128xf32, #tpu.memory_space<vmem>> -> memref<1x128xf32, #tpu.memory_space<vmem>>
      %dma_wait3A_705 = tpu.memref_squeeze %dma_wait3A_704 : memref<1x128xf32, #tpu.memory_space<vmem>> -> memref<128xf32, #tpu.memory_space<vmem>>
      %dma_wait3A_706 = arith.constant 32001920 : i32
      %dma_wait3A_707 = tpu.memref_slice %arg4[%dma_wait3A_706] : memref<32002048xf32, #tpu.memory_space<hbm>> -> memref<128xf32, #tpu.memory_space<hbm>>
      %dma_wait3A_708 = arith.constant 32001920 : i32
      %dma_wait3A_709 = tpu.memref_slice %arg4[%dma_wait3A_708] : memref<32002048xf32, #tpu.memory_space<hbm>> -> memref<128xf32, #tpu.memory_space<hbm>>
      %dma_wait3A_710 = arith.constant 0 : i32
      %dma_wait3A_711 = tpu.memref_slice %arg6[%dma_wait3A_702, %dma_wait3A_710] : memref<32x128xf32, #tpu.memory_space<vmem>> -> memref<1x128xf32, #tpu.memory_space<vmem>>
      %dma_wait3A_712 = tpu.memref_squeeze %dma_wait3A_711 : memref<1x128xf32, #tpu.memory_space<vmem>> -> memref<128xf32, #tpu.memory_space<vmem>>
      tpu.wait_dma2 semaphore(%arg7 : memref<!tpu.dma_semaphore, #tpu.memory_space<semaphore_mem>>) src(%dma_wait3A_712 : memref<128xf32, #tpu.memory_space<vmem>>) dst(%dma_wait3A_709 : memref<128xf32, #tpu.memory_space<hbm>>)
    } else {
    }
    return
  }
}

</mosaic_0001>

<sc_bundles>
// kernel: _linearize.3.cloned.1.call-start
scs
__scs_entry_jumppad:
0x0: {  	(pc) =	sbr.rel $0x88, $3  }
0x1: {  	(tag) =	ssettag $0x0;
	lr =	simm.s32 $0x1  }
0x2: {  	[smem:$0x3F9F] =	sst lr;
	_ =	strace $0xD0000000  }
0x3: {  	_ = 	snop  }
0x4: {  	_ = 	snop  }
0x5: {  	_ = 	snop  }
0x6: {  	_ = 	snop  }
0x7: {  	_ = 	snop  }
__scs_overlays_trampoline_lowered:
0x8: {  	[smem:$0x3FAE] =	sst s0  }
0x9: {  	[smem:$0x3FAF] =	sst s1  }
0xa: {  	[smem:$0x3FB0] =	sst s2  }
0xb: {  	[smem:$0x3FB1] =	sst s3  }
0xc: {  	[smem:$0x3FB2] =	sst s4  }
0xd: {  	[smem:$0x3FB3] =	sst s5  }
0xe: {  	[smem:$0x3FB4] =	sst s6  }
0xf: {  	[smem:$0x3FB5] =	sst s7  }
0x10: {  	[smem:$0x3FB6] =	sst s8  }
0x11: {  	[smem:$0x3FB7] =	sst s9;
	s0 =	simm.s32 @!p0 $0x0  }
0x12: {  	s1 =	sld [smem:$0x3F9D];
	s0 =	simm.s32 @p0 $0x1  }
0x13: {  	[smem:$0x3FB8] =	sst s0;
	s0 =	simm.s32 @!p1 $0x0  }
0x14: {  	s2 =	sld [smem:$0x3F9C];
	s0 =	simm.s32 @p1 $0x1  }
0x15: {  	[smem:$0x3FB9] =	sst s0;
	s0 =	simm.s32 @!p2 $0x0  }
0x16: {  	s3 =	sld [smem:$0x3FDB];
	s0 =	simm.s32 @p2 $0x1  }
0x17: {  	s4 =	simm.s32 $0x1BF5;
	[smem:$0x3FBB] =	sst s0  }
0x18: {  	s0 =	sld [smem:$0x3F9E];
	_ =	swait.ge [sflag:s4], $0x0  }
0x19: {  	s7 =	sld [smem:$0x3F9F]  }
0x1a: {  	s8 =	sadd.s32 $0xFFFFE003, lr  }
0x1b: {  	s9 =	sadd.s32 $0xFFFFFEF7, lr;
	s5 =	simm.s32 $0xFFFFFFFF;
	p2 =	slt.u32 s8, $0xFFFFF086  }
0x1c: {  	p1 =	slt.u32 s9, $0xF7A;
	s5 =	simm.s32 @!p2 $0x0  }
0x1d: {  	s5 =	simm.s32 @p1 $0x1;
	p0 =	seq.s32 s7, s2  }
0x1e: {  	s7 =	smul.u32 @!p0 $0xF7A, s2;
	p2 =	seq.s32 @!p0 s5, $0x0  }
0x1f: {  	s9 =	smul.u32 $0xF7A, s1;
	s8 =	simm.s32 @!p0 $0x1BF5;
	p2 =	por !p2, p0  }
0x20: {  	[sflag:s8] =	ssyncset.s32 @!p0 $0xFFFFF086;
	s6 =	sadd.s32 @!p0 s3, s7;
	s7 =	simm.s32 @!p0 $0x108  }
0x21: {  	s3 =	sadd.s32 s3, s9;
	s6 =	sadd.s32 @!p0 $0x88, s6;
	s7 =	simm.s32 @p2 $0x1082  }
0x22: {  	[simem:s7], [sflag:s8] =	dma.local @!p0 [hbm:s6], $0xF7A  }
0x23: {  	s9 =	sor.u32 $0xD0000000, s2;
	s6 =	simm.s32 $0x108;
	_ =	swait.ge @!p0 [sflag:s8], $0x0  }
0x24: {  	s3 =	sadd.s32 $0x88, s3;
	s6 =	simm.s32 @!p1 $0x1082;
	[sflag:s4] =	ssyncset.s32 $0xFFFFF086  }
0x25: {  	[simem:s6], [sflag:s4] =	dma.local [hbm:s3], $0xF7A  }
0x26: {  	[smem:$0x3F9F] =	sst s1;
	(tag) =	ssettag s2;
	_ =	strace s9  }
0x27: {  	s1 =	sld [smem:$0x3FAF]  }
0x28: {  	s2 =	sld [smem:$0x3FB0]  }
0x29: {  	s4 =	sld [smem:$0x3FB2]  }
0x2a: {  	p0 =	seq.s32 s5, $0x0;
	s5 =	sld [smem:$0x3FB3]  }
0x2b: {  	s6 =	sld [smem:$0x3FB4]  }
0x2c: {  	s7 =	sld [smem:$0x3FB5]  }
0x2d: {  	s3 =	simm.s32 $0x108;
	s8 =	sld [smem:$0x3FB6]  }
0x2e: {  	s3 =	simm.s32 @!p0 $0x1082;
	s9 =	sld [smem:$0x3FB7]  }
0x2f: {  	lr =	sadd.s32 s0, s3;
	s0 =	sld [smem:$0x3FAE]  }
0x30: {  	s3 =	sld [smem:$0x3FB1]  }
0x31: {  	[smem:$0x3FBA] =	sst s10  }
0x32: {  	s10 =	sld [smem:$0x3FB8];
	_ =	sdelay $0x3  }
0x33: {  	p0 =	seq.s32 s10, $0x1;
	s10 =	sld [smem:$0x3FBA];
	_ =	sdelay $0x3  }
0x34: {  	[smem:$0x3FBA] =	sst s10  }
0x35: {  	s10 =	sld [smem:$0x3FB9];
	_ =	sdelay $0x3  }
0x36: {  	p1 =	seq.s32 s10, $0x1;
	s10 =	sld [smem:$0x3FBA];
	_ =	sdelay $0x3  }
0x37: {  	[smem:$0x3FBA] =	sst s10  }
0x38: {  	s10 =	sld [smem:$0x3FBB]  }
0x39: {  	_ = 	snop;
	(pc) =	sbr.ind lr, $3  }
0x3a: {  	_ = 	snop  }
0x3b: {  	_ = 	snop  }
0x3c: {  	p2 =	seq.s32 s10, $0x1;
	s10 =	sld [smem:$0x3FBA]  }
0x3d: {  	_ =	shalt  }
0x3e: {  	_ =	shalt  }
0x3f: {  	_ =	shalt  }
0x40: {  	_ =	shalt  }
0x41: {  	_ =	shalt  }
0x42: {  	_ =	shalt  }
0x43: {  	_ =	shalt  }
0x44: {  	_ =	shalt  }
0x45: {  	_ =	shalt  }
0x46: {  	_ =	shalt  }
0x47: {  	_ =	shalt  }
0x48: {  	_ =	shalt  }
0x49: {  	_ =	shalt  }
0x4a: {  	_ =	shalt  }
0x4b: {  	_ =	shalt  }
0x4c: {  	_ =	shalt  }
0x4d: {  	_ =	shalt  }
0x4e: {  	_ =	shalt  }
0x4f: {  	_ =	shalt  }
0x50: {  	_ =	shalt  }
0x51: {  	_ =	shalt  }
0x52: {  	_ =	shalt  }
0x53: {  	_ =	shalt  }
0x54: {  	_ =	shalt  }
0x55: {  	_ =	shalt  }
0x56: {  	_ =	shalt  }
0x57: {  	_ =	shalt  }
0x58: {  	_ =	shalt  }
0x59: {  	_ =	shalt  }
0x5a: {  	_ =	shalt  }
0x5b: {  	_ =	shalt  }
0x5c: {  	_ =	shalt  }
0x5d: {  	_ =	shalt  }
0x5e: {  	_ =	shalt  }
0x5f: {  	_ =	shalt  }
0x60: {  	_ =	shalt  }
0x61: {  	_ =	shalt  }
0x62: {  	_ =	shalt  }
0x63: {  	_ =	shalt  }
0x64: {  	_ =	shalt  }
0x65: {  	_ =	shalt  }
0x66: {  	_ =	shalt  }
0x67: {  	_ =	shalt  }
0x68: {  	_ =	shalt  }
0x69: {  	_ =	shalt  }
0x6a: {  	_ =	shalt  }
0x6b: {  	_ =	shalt  }
0x6c: {  	_ =	shalt  }
0x6d: {  	_ =	shalt  }
0x6e: {  	_ =	shalt  }
0x6f: {  	_ =	shalt  }
0x70: {  	_ =	shalt  }
0x71: {  	_ =	shalt  }
0x72: {  	_ =	shalt  }
0x73: {  	_ =	shalt  }
0x74: {  	_ =	shalt  }
0x75: {  	_ =	shalt  }
0x76: {  	_ =	shalt  }
0x77: {  	_ =	shalt  }
0x78: {  	_ =	shalt  }
0x79: {  	_ =	shalt  }
0x7a: {  	_ =	shalt  }
0x7b: {  	_ =	shalt  }
0x7c: {  	_ =	shalt  }
0x7d: {  	_ =	shalt  }
0x7e: {  	_ =	shalt  }
0x7f: {  	_ =	shalt  }
0x80: {  	_ =	shalt  }
0x81: {  	_ =	shalt  }
0x82: {  	_ =	shalt  }
0x83: {  	_ =	shalt  }
0x84: {  	_ =	shalt  }
0x85: {  	_ =	shalt  }
0x86: {  	_ =	shalt  }
0x87: {  	_ =	shalt  }
.Lfunc_end0:
.L_simem_size_0:
called_computation_lowered:
.L_overlay_start_0:
0x88: {  	s2 =	sld [smem:$0x3FD9]  }
0x89: {  	s3 =	sld [smem:$0x3FFE];
	_ =	sdelay $0x1  }
0x8a: {  	s1 =	srdreg.scid  }
0x8b: {  	s0 =	sand.u32 $0x1, s1  }
0x8c: {  	s18 =	sshll.u32 s0, $0xA;
	s2 =	sadd.s32 s3, s2  }
0x8d: {  	s2 =	sadd.s32 s2, s18  }
0x8e: {  	[smem:$0x3FC6] =	sst s2  }
0x8f: {  	_ = 	snop  }
0x90: {  	s2 =	sld [smem:$0x3FC9]  }
0x91: {  	s19 =	sld [smem:$0x3FC8]  }
0x92: {  	s4 =	sld [smem:$0x3FD0];
	(tm) =	ssettm $0x1  }
0x93: {  	s5 =	sld [smem:$0x3FFB];
	_ =	sdelay $0x3  }
0x94: {  	_ =	strace s5  }
0x95: {  	s5 =	sld [smem:$0x3FFC];
	_ =	sdelay $0x3  }
0x96: {  	_ =	strace s5  }
0x97: {  	s5 =	sld [smem:$0x3FFD];
	_ =	sdelay $0x3  }
0x98: {  	_ =	strace s5  }
0x99: {  	_ =	strace $0x8FFFFFFF  }
0x9a: {  	s20 =	sld [smem:$0x3FDB];
	_ =	sdelay $0x1  }
0x9b: {  	s6 =	simm.s32 $_scs_section_size  }
0x9c: {  	s7 =	simm.s32 $_size__tile_overlayer_lowered;
	s8 =	simm.s32 $_tile_overlayer_lowered  }
0x9d: {  	s23 =	simm.s32 $0x1BFF;
	s22 =	sshll.u32 s8, $0x1;
	s5 =	sadd.s32 s6, s20  }
0x9e: {  	s9 =	simm.s32 $0x0;
	s21 =	sshll.u32 s7, $0x1;
	s7 =	sadd.s32 s22, s5  }
0x9f: {  	[timem:s9], [sflag:s23] =	dma.local [hbm:s7], s21  }
0xa0: {  	_ =	swait.ge [sflag:s23], s21  }
0xa1: {  	s6 =	ssub.s32 $0x0, s21;
	[sflag:s23] =	ssyncset.done $0x0  }
0xa2: {  	[sflag:s23] =	ssyncadd.s32 s6;
	_ =	sdelay $0x1  }
0xa3: {  	s24 =	simm.s32 $0x1B8B  }
0xa4: {  	_ =	swait.ge [sflag:s24], $0x1  }
0xa5: {  	[sflag:s24] =	ssyncset.done $0x0  }
0xa6: {  	s25 =	simm.s32 $0x1B8E;
	[sflag:s24] =	ssyncadd.s32 $0xFFFFFFFF  }
0xa7: {  	s26 =	simm.s32 $execute0_lowered;
	[smem:$0x3FD2] =	sst s25  }
0xa8: {  	s6 =	sshll.u32 s26, $0x1;
	_ =	strace $0x80000046;
	[dreg:$0x1] =	wrdreg $0xFFFFFFFF  }
0xa9: {  	s28 =	simm.s32 $_size_execute0_lowered;
	s5 =	sadd.s32 s5, s6;
	[dreg:$0x0] =	wrdreg $0x0  }
0xaa: {  	s6 =	sshll.u32 s28, $0x1;
	[dreg:$0x2] =	wrdreg s5  }
0xab: {  	[dreg:$0x3] =	wrdreg s6  }
0xac: {  	[dreg:$0x4] =	wrdreg $0xC0  }
0xad: {  	_ =	task [dreg:s9], $0x5FFFF  }
0xae: {  	[dreg:$0x1] =	wrdreg $0xFFFFFFFF  }
0xaf: {  	[dreg:$0x0] =	wrdreg $0x60  }
0xb0: {  	[dreg:$0x2] =	wrdreg s2  }
0xb1: {  	[dreg:$0x3] =	wrdreg s19  }
0xb2: {  	[dreg:$0x4] =	wrdreg s4  }
0xb3: {  	[dreg:$0x5] =	wrdreg $0x9  }
0xb4: {  	_ =	task.clear_ibuf [dreg:s9], $0x6FFFF;
	_ =	strace $0x90000046  }
0xb5: {  	s29 =	simm.s32 $0x9;
	_ =	strace $0x80000048  }
0xb6: {  	_ =	swait.ge [sflag:s29], $0x1  }
0xb7: {  	[sflag:s29] =	ssyncadd.s32 $0xFFFFFFFF  }
0xb8: {  	_ =	strace $0x90000048  }
0xb9: {  	_ =	sfence  }
0xba: {  	s30 =	sld [smem:$0x0];
	_ =	sdelay $0x2  }
0xbb: {  	s31 =	sshll.u32 s1, $0xD;
	s1 =	sshrl.u32 s1, $0x2  }
0xbc: {  	s3 =	sand.u32 $0x4000, s31;
	s1 =	sadd.s32 s1, s30  }
0xbd: {  	s0 =	sor.u32 s3, s0;
	s1 =	sshll.u32 s1, $0x11  }
0xbe: {  	s0 =	sor.u32 s1, s0  }
0xbf: {  	s0 =	sadd.s32 $0x8F2B, s0  }
0xc0: {  	[sflag:s0] =	ssyncadd.remote.s32 $0x1  }
0xc1: {  	_ =	sfence.sel $0xFFFF  }
0xc2: {  	[dreg:$0x0] =	wrdreg $0xFFFFFFFF;
	(pc) =	sbr.abs _section_cstart, $3  }
0xc3: {  	[dreg:$0x1] =	wrdreg $0xFFFFFFFF  }
0xc4: {  	_ =	task.clear_ibuf [dreg:s9], $0x2FFFF;
	_ =	strace $0x9FFFFFFF  }
0xc5: {  	(tm) =	ssettm $0x7FFFFFFF  }
tec
execute0_lowered:
.L_overlay_start_1:
0x0: {  	(tag) =	ssettag $0x1  }
0x1: {  	s1 =	rddreg [dreg:$0x0]  }
0x2: {  	s4 =	rddreg [dreg:$0x2];
	s5 =	simm.s32 $0x0  }
0x3: {  	[smem:$0x7FF] =	sst s5;
	s3 =	sadd.s32 $0x1E840, s4  }
0x4: {  	s7 =	sadd.s32 $0x3D090, s4;
	_ =	strace $0x80000047;
	[dreg:$0x4] =	wrdreg s3  }
0x5: {  	s8 =	sadd.s32 $0x5B8E0, s4;
	[dreg:$0x5] =	wrdreg s7  }
0x6: {  	s9 =	sadd.s32 $0x7A130, s4;
	[dreg:$0x6] =	wrdreg s8  }
0x7: {  	s10 =	sadd.s32 $0x98980, s4;
	[dreg:$0x7] =	wrdreg s9  }
0x8: {  	s11 =	sadd.s32 $0xB71D0, s4;
	[dreg:$0x8] =	wrdreg s10  }
0x9: {  	s12 =	sadd.s32 $0x112AC0, s4;
	[dreg:$0x9] =	wrdreg s11  }
0xa: {  	s0 =	srdreg.scid;
	s13 =	sadd.s32 $0x131310, s4;
	[dreg:$0xa] =	wrdreg s12  }
0xb: {  	s2 =	stileid.u32;
	s14 =	sadd.s32 $0x14FB60, s4;
	[dreg:$0xb] =	wrdreg s13  }
0xc: {  	s0 =	sand.u32 $0x1, s0;
	s15 =	sadd.s32 $0x16E3B0, s4;
	[dreg:$0xc] =	wrdreg s14  }
0xd: {  	s2 =	sshll.u32 s2, $0x1;
	s16 =	sadd.s32 $0x18CC00, s4;
	[dreg:$0xd] =	wrdreg s15  }
0xe: {  	s17 =	sadd.s32 $0x1AB450, s4;
	s18 =	sadd.s32 $0x1C9CA0, s4;
	[dreg:$0xe] =	wrdreg s16  }
0xf: {  	s19 =	sadd.s32 $0x1E84F0, s4;
	s20 =	sadd.s32 $0x206D40, s4;
	[dreg:$0xf] =	wrdreg s17  }
0x10: {  	s21 =	sadd.s32 $0x225590, s4;
	s22 =	sadd.s32 $0xD5A20, s4;
	[dreg:$0x10] =	wrdreg s18  }
0x11: {  	s23 =	sadd.s32 $0x243DE0, s4;
	s25 =	sadd.s32 $0x262630, s4;
	[dreg:$0x11] =	wrdreg s19  }
0x12: {  	s26 =	sadd.s32 $0x280E80, s4;
	s28 =	sadd.s32 $0x29F6D0, s4;
	[dreg:$0x12] =	wrdreg s20  }
0x13: {  	s29 =	sadd.s32 $0x2BDF20, s4;
	s30 =	sadd.s32 $0x2DC770, s4;
	[dreg:$0x13] =	wrdreg s21  }
0x14: {  	s31 =	sadd.s32 $0x2FAFC0, s4;
	s2 =	sor.u32 s0, s2;
	[dreg:$0x14] =	wrdreg s22  }
0x15: {  	s24 =	ssub.s32 $0x2, s0;
	s0 =	sadd.s32 $0x319810, s4;
	s3 =	sadd.s32 $0x3568B0, s4  }
0x16: {  	[dreg:$0x15] =	wrdreg s23;
	s9 =	sadd.s32 $0x393950, s4;
	s10 =	sadd.s32 $0x3B21A0, s4  }
.Ltmp0:
0x17: {  	s11 =	sadd.s32 $0xF4270, s4;
	s12 =	sadd.s32 $0x3D09F0, s4;
	(pc) =	sbr.rel .LBB2_1-.Ltmp0, $4  }
0x18: {  	s13 =	simm.s32 $0x7000;
	s14 =	simm.s32 $0x7A1400;
	s15 =	simm.s32 $0x2  }
0x19: {  	s16 =	simm.s32 $0x1;
	s17 =	simm.s32 $0x0;
	s7 =	sshrl.u32 s24, $0x1  }
0x1a: {  	s6 =	smul.u32 $0x7A80, s2;
	p0 =	sne.s32 s2, $0x1F;
	s8 =	ssub.s32 s24, s7  }
0x1b: {  	s2 =	sadd.s32 $0x338060, s4;
	s7 =	sadd.s32 $0x375100, s4;
	s8 =	smax.u32 s8, $0x1  }
.LBB2_69:
0x1c: {  	s17 =	sadd.s32 $0x1, s17  }
0x1d: {  	p1 =	sne.s32 s17, s8  }
.Ltmp1:
0x1e: {  	_ = 	snop;
	(pc) =	sbr.rel @!p1 .LBB2_70-.Ltmp1, $1  }
0x1f: {  	_ =	sdelay $0x3  }
.LBB2_1:
0x20: {  	s18 =	simm.s32 $0x0  }
.LBB2_2:
0x21: {  	s19 =	smul.u32 $0xE00, s18;
	_ =	sdelay $0x1  }
0x22: {  	s19 =	sadd.s32 s6, s19  }
0x23: {  	p1 =	slt.s32 s19, $0xF3400  }
0x24: {  	s19 =	simm.s32 @!p1 $0xF3400  }
0x25: {  	s20 =	simm.s32 $0x0;
	s21 =	sadd.s32 s1, s19  }
0x26: {  	[tilespmem:s20], [sflag:$0x2] =	stream.strided.gather [hbm4b:s21+s13], $0x1C000, s14, s13, $0x38;
	[tilespmem:$0x1D000] =	vst v63  }
0x27: {  	s19 =	sshrl.u32 s19, $0x3;
	_ =	swait.ge [sflag:s15], $0x1C000  }
0x28: {  	s22 =	simm.s32 $0x400;
	s19 =	sadd.s32 s4, s19;
	[sflag:s15] =	ssyncset.done $0x0  }
0x29: {  	s21 =	simm.s32 $0x10;
	s23 =	sadd.s32 $0x0, s19;
	[sflag:s15] =	ssyncadd.s32 $0xFFFE4000  }
.LBB2_3:
0x2a: {  	[hbm4b:s23+s5] =	stream.linear.scatter [tilespmem:s20], [sflag:$0x1], $0x80, $0x38;
	[tilespmem:$0x1D000] =	vst v63  }
0x2b: {  	s23 =	smov.u32 s21;
	s20 =	smov.u32 s22;
	p1 =	sne.s32 s21, $0x1B0  }
.Ltmp2:
0x2c: {  	s21 =	sadd.s32 $0x10, s21;
	(pc) =	sbr.rel @p1 .LBB2_3-.Ltmp2, $2  }
0x2d: {  	_ =	sdelay $0x2  }
0x2e: {  	s22 =	sadd.s32 $0x400, s22;
	s23 =	sadd.s32 s23, s19  }
0x2f: {  	[hbm4b:s23+s5] =	stream.linear.scatter [tilespmem:s20], [sflag:$0x1], $0x80, $0x38;
	[tilespmem:$0x1D000] =	vst v63  }
0x30: {  	s20 =	sadd.s32 $0x1E850, s19;
	s21 =	simm.s32 $0x80  }
0x31: {  	s22 =	simm.s32 $0x10;
	s23 =	simm.s32 $0x480;
	s24 =	sadd.s32 $0x0, s20  }
.LBB2_5:
0x32: {  	[hbm4b:s24+s5] =	stream.linear.scatter [tilespmem:s21], [sflag:$0x1], $0x80, $0x38;
	[tilespmem:$0x1D000] =	vst v63  }
0x33: {  	s24 =	smov.u32 s22;
	s21 =	smov.u32 s23;
	p1 =	sne.s32 s22, $0x1B0  }
.Ltmp3:
0x34: {  	s22 =	sadd.s32 $0x10, s22;
	(pc) =	sbr.rel @p1 .LBB2_5-.Ltmp3, $2  }
0x35: {  	_ =	sdelay $0x2  }
0x36: {  	s23 =	sadd.s32 $0x400, s23;
	s24 =	sadd.s32 s24, s20  }
0x37: {  	[hbm4b:s24+s5] =	stream.linear.scatter [tilespmem:s21], [sflag:$0x1], $0x80, $0x38;
	[tilespmem:$0x1D000] =	vst v63  }
0x38: {  	s20 =	sadd.s32 $0x3D0A0, s19;
	s21 =	simm.s32 $0x100  }
0x39: {  	s22 =	simm.s32 $0x10;
	s23 =	simm.s32 $0x500;
	s24 =	sadd.s32 $0x0, s20  }
.LBB2_7:
0x3a: {  	[hbm4b:s24+s5] =	stream.linear.scatter [tilespmem:s21], [sflag:$0x1], $0x80, $0x38;
	[tilespmem:$0x1D000] =	vst v63  }
0x3b: {  	s24 =	smov.u32 s22;
	s21 =	smov.u32 s23;
	p1 =	sne.s32 s22, $0x1B0  }
.Ltmp4:
0x3c: {  	s22 =	sadd.s32 $0x10, s22;
	(pc) =	sbr.rel @p1 .LBB2_7-.Ltmp4, $2  }
0x3d: {  	_ =	sdelay $0x2  }
0x3e: {  	s23 =	sadd.s32 $0x400, s23;
	s24 =	sadd.s32 s24, s20  }
0x3f: {  	[hbm4b:s24+s5] =	stream.linear.scatter [tilespmem:s21], [sflag:$0x1], $0x80, $0x38;
	[tilespmem:$0x1D000] =	vst v63  }
0x40: {  	s20 =	sadd.s32 $0x5B8F0, s19;
	s21 =	simm.s32 $0x180  }
0x41: {  	s22 =	simm.s32 $0x10;
	s23 =	simm.s32 $0x580;
	s24 =	sadd.s32 $0x0, s20  }
.LBB2_9:
0x42: {  	[hbm4b:s24+s5] =	stream.linear.scatter [tilespmem:s21], [sflag:$0x1], $0x80, $0x38;
	[tilespmem:$0x1D000] =	vst v63  }
0x43: {  	s24 =	smov.u32 s22;
	s21 =	smov.u32 s23;
	p1 =	sne.s32 s22, $0x1B0  }
.Ltmp5:
0x44: {  	s22 =	sadd.s32 $0x10, s22;
	(pc) =	sbr.rel @p1 .LBB2_9-.Ltmp5, $2  }
0x45: {  	_ =	sdelay $0x2  }
0x46: {  	s23 =	sadd.s32 $0x400, s23;
	s24 =	sadd.s32 s24, s20  }
0x47: {  	[hbm4b:s24+s5] =	stream.linear.scatter [tilespmem:s21], [sflag:$0x1], $0x80, $0x38;
	[tilespmem:$0x1D000] =	vst v63  }
0x48: {  	s20 =	sadd.s32 $0x7A140, s19;
	s21 =	simm.s32 $0x200  }
0x49: {  	s22 =	simm.s32 $0x10;
	s23 =	simm.s32 $0x600;
	s24 =	sadd.s32 $0x0, s20  }
.LBB2_11:
0x4a: {  	[hbm4b:s24+s5] =	stream.linear.scatter [tilespmem:s21], [sflag:$0x1], $0x80, $0x38;
	[tilespmem:$0x1D000] =	vst v63  }
0x4b: {  	s24 =	smov.u32 s22;
	s21 =	smov.u32 s23;
	p1 =	sne.s32 s22, $0x1B0  }
.Ltmp6:
0x4c: {  	s22 =	sadd.s32 $0x10, s22;
	(pc) =	sbr.rel @p1 .LBB2_11-.Ltmp6, $2  }
0x4d: {  	_ =	sdelay $0x2  }
0x4e: {  	s23 =	sadd.s32 $0x400, s23;
	s24 =	sadd.s32 s24, s20  }
0x4f: {  	[hbm4b:s24+s5] =	stream.linear.scatter [tilespmem:s21], [sflag:$0x1], $0x80, $0x38;
	[tilespmem:$0x1D000] =	vst v63  }
0x50: {  	s20 =	sadd.s32 $0x98990, s19;
	s21 =	simm.s32 $0x280  }
0x51: {  	s22 =	simm.s32 $0x10;
	s23 =	simm.s32 $0x680;
	s24 =	sadd.s32 $0x0, s20  }
.LBB2_13:
0x52: {  	[hbm4b:s24+s5] =	stream.linear.scatter [tilespmem:s21], [sflag:$0x1], $0x80, $0x38;
	[tilespmem:$0x1D000] =	vst v63  }
0x53: {  	s24 =	smov.u32 s22;
	s21 =	smov.u32 s23;
	p1 =	sne.s32 s22, $0x1B0  }
.Ltmp7:
0x54: {  	s22 =	sadd.s32 $0x10, s22;
	(pc) =	sbr.rel @p1 .LBB2_13-.Ltmp7, $2  }
0x55: {  	_ =	sdelay $0x2  }
0x56: {  	s23 =	sadd.s32 $0x400, s23;
	s24 =	sadd.s32 s24, s20  }
0x57: {  	[hbm4b:s24+s5] =	stream.linear.scatter [tilespmem:s21], [sflag:$0x1], $0x80, $0x38;
	[tilespmem:$0x1D000] =	vst v63  }
0x58: {  	s20 =	sadd.s32 $0xB71E0, s19;
	s21 =	simm.s32 $0x300  }
0x59: {  	s22 =	simm.s32 $0x10;
	s23 =	simm.s32 $0x700;
	s24 =	sadd.s32 $0x0, s20  }
.LBB2_15:
0x5a: {  	[hbm4b:s24+s5] =	stream.linear.scatter [tilespmem:s21], [sflag:$0x1], $0x80, $0x38;
	[tilespmem:$0x1D000] =	vst v63  }
0x5b: {  	s24 =	smov.u32 s22;
	s21 =	smov.u32 s23;
	p1 =	sne.s32 s22, $0x1B0  }
.Ltmp8:
0x5c: {  	s22 =	sadd.s32 $0x10, s22;
	(pc) =	sbr.rel @p1 .LBB2_15-.Ltmp8, $2  }
0x5d: {  	_ =	sdelay $0x2  }
0x5e: {  	s23 =	sadd.s32 $0x400, s23;
	s24 =	sadd.s32 s24, s20  }
0x5f: {  	[hbm4b:s24+s5] =	stream.linear.scatter [tilespmem:s21], [sflag:$0x1], $0x80, $0x38;
	[tilespmem:$0x1D000] =	vst v63  }
0x60: {  	s20 =	sadd.s32 $0xD5A30, s19;
	s21 =	simm.s32 $0x380  }
0x61: {  	s22 =	simm.s32 $0x10;
	s23 =	simm.s32 $0x780;
	s24 =	sadd.s32 $0x0, s20  }
.LBB2_17:
0x62: {  	[hbm4b:s24+s5] =	stream.linear.scatter [tilespmem:s21], [sflag:$0x1], $0x80, $0x38;
	[tilespmem:$0x1D000] =	vst v63  }
0x63: {  	s24 =	smov.u32 s22;
	s21 =	smov.u32 s23;
	p1 =	sne.s32 s22, $0x1B0  }
.Ltmp9:
0x64: {  	s22 =	sadd.s32 $0x10, s22;
	(pc) =	sbr.rel @p1 .LBB2_17-.Ltmp9, $2  }
0x65: {  	_ =	sdelay $0x2  }
0x66: {  	s23 =	sadd.s32 $0x400, s23;
	s24 =	sadd.s32 s24, s20  }
0x67: {  	[hbm4b:s24+s5] =	stream.linear.scatter [tilespmem:s21], [sflag:$0x1], $0x80, $0x38;
	[tilespmem:$0x1D000] =	vst v63  }
0x68: {  	s20 =	sadd.s32 $0xF4280, s19;
	s21 =	simm.s32 $0x7000  }
0x69: {  	s22 =	simm.s32 $0x10;
	s23 =	simm.s32 $0x7400;
	s24 =	sadd.s32 $0x0, s20  }
.LBB2_19:
0x6a: {  	[hbm4b:s24+s5] =	stream.linear.scatter [tilespmem:s21], [sflag:$0x1], $0x80, $0x38;
	[tilespmem:$0x1D000] =	vst v63  }
0x6b: {  	s24 =	smov.u32 s22;
	s21 =	smov.u32 s23;
	p1 =	sne.s32 s22, $0x1B0  }
.Ltmp10:
0x6c: {  	s22 =	sadd.s32 $0x10, s22;
	(pc) =	sbr.rel @p1 .LBB2_19-.Ltmp10, $2  }
0x6d: {  	_ =	sdelay $0x2  }
0x6e: {  	s23 =	sadd.s32 $0x400, s23;
	s24 =	sadd.s32 s24, s20  }
0x6f: {  	[hbm4b:s24+s5] =	stream.linear.scatter [tilespmem:s21], [sflag:$0x1], $0x80, $0x38;
	[tilespmem:$0x1D000] =	vst v63  }
0x70: {  	s20 =	sadd.s32 $0x112AD0, s19;
	s21 =	simm.s32 $0x7080  }
0x71: {  	s22 =	simm.s32 $0x10;
	s23 =	simm.s32 $0x7480;
	s24 =	sadd.s32 $0x0, s20  }
.LBB2_21:
0x72: {  	[hbm4b:s24+s5] =	stream.linear.scatter [tilespmem:s21], [sflag:$0x1], $0x80, $0x38;
	[tilespmem:$0x1D000] =	vst v63  }
0x73: {  	s24 =	smov.u32 s22;
	s21 =	smov.u32 s23;
	p1 =	sne.s32 s22, $0x1B0  }
.Ltmp11:
0x74: {  	s22 =	sadd.s32 $0x10, s22;
	(pc) =	sbr.rel @p1 .LBB2_21-.Ltmp11, $2  }
0x75: {  	_ =	sdelay $0x2  }
0x76: {  	s23 =	sadd.s32 $0x400, s23;
	s24 =	sadd.s32 s24, s20  }
0x77: {  	[hbm4b:s24+s5] =	stream.linear.scatter [tilespmem:s21], [sflag:$0x1], $0x80, $0x38;
	[tilespmem:$0x1D000] =	vst v63  }
0x78: {  	s20 =	sadd.s32 $0x131320, s19;
	s21 =	simm.s32 $0x7100  }
0x79: {  	s22 =	simm.s32 $0x10;
	s23 =	simm.s32 $0x7500;
	s24 =	sadd.s32 $0x0, s20  }
.LBB2_23:
0x7a: {  	[hbm4b:s24+s5] =	stream.linear.scatter [tilespmem:s21], [sflag:$0x1], $0x80, $0x38;
	[tilespmem:$0x1D000] =	vst v63  }
0x7b: {  	s24 =	smov.u32 s22;
	s21 =	smov.u32 s23;
	p1 =	sne.s32 s22, $0x1B0  }
.Ltmp12:
0x7c: {  	s22 =	sadd.s32 $0x10, s22;
	(pc) =	sbr.rel @p1 .LBB2_23-.Ltmp12, $2  }
0x7d: {  	_ =	sdelay $0x2  }
0x7e: {  	s23 =	sadd.s32 $0x400, s23;
	s24 =	sadd.s32 s24, s20  }
0x7f: {  	[hbm4b:s24+s5] =	stream.linear.scatter [tilespmem:s21], [sflag:$0x1], $0x80, $0x38;
	[tilespmem:$0x1D000] =	vst v63  }
0x80: {  	s20 =	sadd.s32 $0x14FB70, s19;
	s21 =	simm.s32 $0x7180  }
0x81: {  	s22 =	simm.s32 $0x10;
	s23 =	simm.s32 $0x7580;
	s24 =	sadd.s32 $0x0, s20  }
.LBB2_25:
0x82: {  	[hbm4b:s24+s5] =	stream.linear.scatter [tilespmem:s21], [sflag:$0x1], $0x80, $0x38;
	[tilespmem:$0x1D000] =	vst v63  }
0x83: {  	s24 =	smov.u32 s22;
	s21 =	smov.u32 s23;
	p1 =	sne.s32 s22, $0x1B0  }
.Ltmp13:
0x84: {  	s22 =	sadd.s32 $0x10, s22;
	(pc) =	sbr.rel @p1 .LBB2_25-.Ltmp13, $2  }
0x85: {  	_ =	sdelay $0x2  }
0x86: {  	s23 =	sadd.s32 $0x400, s23;
	s24 =	sadd.s32 s24, s20  }
0x87: {  	[hbm4b:s24+s5] =	stream.linear.scatter [tilespmem:s21], [sflag:$0x1], $0x80, $0x38;
	[tilespmem:$0x1D000] =	vst v63  }
0x88: {  	s20 =	sadd.s32 $0x16E3C0, s19;
	s21 =	simm.s32 $0x7200  }
0x89: {  	s22 =	simm.s32 $0x10;
	s23 =	simm.s32 $0x7600;
	s24 =	sadd.s32 $0x0, s20  }
.LBB2_27:
0x8a: {  	[hbm4b:s24+s5] =	stream.linear.scatter [tilespmem:s21], [sflag:$0x1], $0x80, $0x38;
	[tilespmem:$0x1D000] =	vst v63  }
0x8b: {  	s24 =	smov.u32 s22;
	s21 =	smov.u32 s23;
	p1 =	sne.s32 s22, $0x1B0  }
.Ltmp14:
0x8c: {  	s22 =	sadd.s32 $0x10, s22;
	(pc) =	sbr.rel @p1 .LBB2_27-.Ltmp14, $2  }
0x8d: {  	_ =	sdelay $0x2  }
0x8e: {  	s23 =	sadd.s32 $0x400, s23;
	s24 =	sadd.s32 s24, s20  }
0x8f: {  	[hbm4b:s24+s5] =	stream.linear.scatter [tilespmem:s21], [sflag:$0x1], $0x80, $0x38;
	[tilespmem:$0x1D000] =	vst v63  }
0x90: {  	s20 =	sadd.s32 $0x18CC10, s19;
	s21 =	simm.s32 $0x7280  }
0x91: {  	s22 =	simm.s32 $0x10;
	s23 =	simm.s32 $0x7680;
	s24 =	sadd.s32 $0x0, s20  }
.LBB2_29:
0x92: {  	[hbm4b:s24+s5] =	stream.linear.scatter [tilespmem:s21], [sflag:$0x1], $0x80, $0x38;
	[tilespmem:$0x1D000] =	vst v63  }
0x93: {  	s24 =	smov.u32 s22;
	s21 =	smov.u32 s23;
	p1 =	sne.s32 s22, $0x1B0  }
.Ltmp15:
0x94: {  	s22 =	sadd.s32 $0x10, s22;
	(pc) =	sbr.rel @p1 .LBB2_29-.Ltmp15, $2  }
0x95: {  	_ =	sdelay $0x2  }
0x96: {  	s23 =	sadd.s32 $0x400, s23;
	s24 =	sadd.s32 s24, s20  }
0x97: {  	[hbm4b:s24+s5] =	stream.linear.scatter [tilespmem:s21], [sflag:$0x1], $0x80, $0x38;
	[tilespmem:$0x1D000] =	vst v63  }
0x98: {  	s20 =	sadd.s32 $0x1AB460, s19;
	s21 =	simm.s32 $0x7300  }
0x99: {  	s22 =	simm.s32 $0x10;
	s23 =	simm.s32 $0x7700;
	s24 =	sadd.s32 $0x0, s20  }
.LBB2_31:
0x9a: {  	[hbm4b:s24+s5] =	stream.linear.scatter [tilespmem:s21], [sflag:$0x1], $0x80, $0x38;
	[tilespmem:$0x1D000] =	vst v63  }
0x9b: {  	s24 =	smov.u32 s22;
	s21 =	smov.u32 s23;
	p1 =	sne.s32 s22, $0x1B0  }
.Ltmp16:
0x9c: {  	s22 =	sadd.s32 $0x10, s22;
	(pc) =	sbr.rel @p1 .LBB2_31-.Ltmp16, $2  }
0x9d: {  	_ =	sdelay $0x2  }
0x9e: {  	s23 =	sadd.s32 $0x400, s23;
	s24 =	sadd.s32 s24, s20  }
0x9f: {  	[hbm4b:s24+s5] =	stream.linear.scatter [tilespmem:s21], [sflag:$0x1], $0x80, $0x38;
	[tilespmem:$0x1D000] =	vst v63  }
0xa0: {  	s20 =	sadd.s32 $0x1C9CB0, s19;
	s21 =	simm.s32 $0x7380  }
0xa1: {  	s22 =	simm.s32 $0x10;
	s23 =	simm.s32 $0x7780;
	s24 =	sadd.s32 $0x0, s20  }
.LBB2_33:
0xa2: {  	[hbm4b:s24+s5] =	stream.linear.scatter [tilespmem:s21], [sflag:$0x1], $0x80, $0x38;
	[tilespmem:$0x1D000] =	vst v63  }
0xa3: {  	s24 =	smov.u32 s22;
	s21 =	smov.u32 s23;
	p1 =	sne.s32 s22, $0x1B0  }
.Ltmp17:
0xa4: {  	s22 =	sadd.s32 $0x10, s22;
	(pc) =	sbr.rel @p1 .LBB2_33-.Ltmp17, $2  }
0xa5: {  	_ =	sdelay $0x2  }
0xa6: {  	s23 =	sadd.s32 $0x400, s23;
	s24 =	sadd.s32 s24, s20  }
0xa7: {  	[hbm4b:s24+s5] =	stream.linear.scatter [tilespmem:s21], [sflag:$0x1], $0x80, $0x38;
	[tilespmem:$0x1D000] =	vst v63  }
0xa8: {  	s20 =	sadd.s32 $0x1E8500, s19;
	s21 =	simm.s32 $0xE000  }
0xa9: {  	s22 =	simm.s32 $0x10;
	s23 =	simm.s32 $0xE400;
	s24 =	sadd.s32 $0x0, s20  }
.LBB2_35:
0xaa: {  	[hbm4b:s24+s5] =	stream.linear.scatter [tilespmem:s21], [sflag:$0x1], $0x80, $0x38;
	[tilespmem:$0x1D000] =	vst v63  }
0xab: {  	s24 =	smov.u32 s22;
	s21 =	smov.u32 s23;
	p1 =	sne.s32 s22, $0x1B0  }
.Ltmp18:
0xac: {  	s22 =	sadd.s32 $0x10, s22;
	(pc) =	sbr.rel @p1 .LBB2_35-.Ltmp18, $2  }
0xad: {  	_ =	sdelay $0x2  }
0xae: {  	s23 =	sadd.s32 $0x400, s23;
	s24 =	sadd.s32 s24, s20  }
0xaf: {  	[hbm4b:s24+s5] =	stream.linear.scatter [tilespmem:s21], [sflag:$0x1], $0x80, $0x38;
	[tilespmem:$0x1D000] =	vst v63  }
0xb0: {  	s20 =	sadd.s32 $0x206D50, s19;
	s21 =	simm.s32 $0xE080  }
0xb1: {  	s22 =	simm.s32 $0x10;
	s23 =	simm.s32 $0xE480;
	s24 =	sadd.s32 $0x0, s20  }
.LBB2_37:
0xb2: {  	[hbm4b:s24+s5] =	stream.linear.scatter [tilespmem:s21], [sflag:$0x1], $0x80, $0x38;
	[tilespmem:$0x1D000] =	vst v63  }
0xb3: {  	s24 =	smov.u32 s22;
	s21 =	smov.u32 s23;
	p1 =	sne.s32 s22, $0x1B0  }
.Ltmp19:
0xb4: {  	s22 =	sadd.s32 $0x10, s22;
	(pc) =	sbr.rel @p1 .LBB2_37-.Ltmp19, $2  }
0xb5: {  	_ =	sdelay $0x2  }
0xb6: {  	s23 =	sadd.s32 $0x400, s23;
	s24 =	sadd.s32 s24, s20  }
0xb7: {  	[hbm4b:s24+s5] =	stream.linear.scatter [tilespmem:s21], [sflag:$0x1], $0x80, $0x38;
	[tilespmem:$0x1D000] =	vst v63  }
0xb8: {  	s20 =	sadd.s32 $0x2255A0, s19;
	s21 =	simm.s32 $0xE100  }
0xb9: {  	s22 =	simm.s32 $0x10;
	s23 =	simm.s32 $0xE500;
	s24 =	sadd.s32 $0x0, s20  }
.LBB2_39:
0xba: {  	[hbm4b:s24+s5] =	stream.linear.scatter [tilespmem:s21], [sflag:$0x1], $0x80, $0x38;
	[tilespmem:$0x1D000] =	vst v63  }
0xbb: {  	s24 =	smov.u32 s22;
	s21 =	smov.u32 s23;
	p1 =	sne.s32 s22, $0x1B0  }
.Ltmp20:
0xbc: {  	s22 =	sadd.s32 $0x10, s22;
	(pc) =	sbr.rel @p1 .LBB2_39-.Ltmp20, $2  }
0xbd: {  	_ =	sdelay $0x2  }
0xbe: {  	s23 =	sadd.s32 $0x400, s23;
	s24 =	sadd.s32 s24, s20  }
0xbf: {  	[hbm4b:s24+s5] =	stream.linear.scatter [tilespmem:s21], [sflag:$0x1], $0x80, $0x38;
	[tilespmem:$0x1D000] =	vst v63  }
0xc0: {  	s20 =	sadd.s32 $0x243DF0, s19;
	s21 =	simm.s32 $0xE180  }
0xc1: {  	s22 =	simm.s32 $0x10;
	s23 =	simm.s32 $0xE580;
	s24 =	sadd.s32 $0x0, s20  }
.LBB2_41:
0xc2: {  	[hbm4b:s24+s5] =	stream.linear.scatter [tilespmem:s21], [sflag:$0x1], $0x80, $0x38;
	[tilespmem:$0x1D000] =	vst v63  }
0xc3: {  	s24 =	smov.u32 s22;
	s21 =	smov.u32 s23;
	p1 =	sne.s32 s22, $0x1B0  }
.Ltmp21:
0xc4: {  	s22 =	sadd.s32 $0x10, s22;
	(pc) =	sbr.rel @p1 .LBB2_41-.Ltmp21, $2  }
0xc5: {  	_ =	sdelay $0x2  }
0xc6: {  	s23 =	sadd.s32 $0x400, s23;
	s24 =	sadd.s32 s24, s20  }
0xc7: {  	[hbm4b:s24+s5] =	stream.linear.scatter [tilespmem:s21], [sflag:$0x1], $0x80, $0x38;
	[tilespmem:$0x1D000] =	vst v63  }
0xc8: {  	s20 =	sadd.s32 $0x262640, s19;
	s21 =	simm.s32 $0xE200  }
0xc9: {  	s22 =	simm.s32 $0x10;
	s23 =	simm.s32 $0xE600;
	s24 =	sadd.s32 $0x0, s20  }
.LBB2_43:
0xca: {  	[hbm4b:s24+s5] =	stream.linear.scatter [tilespmem:s21], [sflag:$0x1], $0x80, $0x38;
	[tilespmem:$0x1D000] =	vst v63  }
0xcb: {  	s24 =	smov.u32 s22;
	s21 =	smov.u32 s23;
	p1 =	sne.s32 s22, $0x1B0  }
.Ltmp22:
0xcc: {  	s22 =	sadd.s32 $0x10, s22;
	(pc) =	sbr.rel @p1 .LBB2_43-.Ltmp22, $2  }
0xcd: {  	_ =	sdelay $0x2  }
0xce: {  	s23 =	sadd.s32 $0x400, s23;
	s24 =	sadd.s32 s24, s20  }
0xcf: {  	[hbm4b:s24+s5] =	stream.linear.scatter [tilespmem:s21], [sflag:$0x1], $0x80, $0x38;
	[tilespmem:$0x1D000] =	vst v63  }
0xd0: {  	s20 =	sadd.s32 $0x280E90, s19;
	s21 =	simm.s32 $0xE280  }
0xd1: {  	s22 =	simm.s32 $0x10;
	s23 =	simm.s32 $0xE680;
	s24 =	sadd.s32 $0x0, s20  }
.LBB2_45:
0xd2: {  	[hbm4b:s24+s5] =	stream.linear.scatter [tilespmem:s21], [sflag:$0x1], $0x80, $0x38;
	[tilespmem:$0x1D000] =	vst v63  }
0xd3: {  	s24 =	smov.u32 s22;
	s21 =	smov.u32 s23;
	p1 =	sne.s32 s22, $0x1B0  }
.Ltmp23:
0xd4: {  	s22 =	sadd.s32 $0x10, s22;
	(pc) =	sbr.rel @p1 .LBB2_45-.Ltmp23, $2  }
0xd5: {  	_ =	sdelay $0x2  }
0xd6: {  	s23 =	sadd.s32 $0x400, s23;
	s24 =	sadd.s32 s24, s20  }
0xd7: {  	[hbm4b:s24+s5] =	stream.linear.scatter [tilespmem:s21], [sflag:$0x1], $0x80, $0x38;
	[tilespmem:$0x1D000] =	vst v63  }
0xd8: {  	s20 =	sadd.s32 $0x29F6E0, s19;
	s21 =	simm.s32 $0xE300  }
0xd9: {  	s22 =	simm.s32 $0x10;
	s23 =	simm.s32 $0xE700;
	s24 =	sadd.s32 $0x0, s20  }
.LBB2_47:
0xda: {  	[hbm4b:s24+s5] =	stream.linear.scatter [tilespmem:s21], [sflag:$0x1], $0x80, $0x38;
	[tilespmem:$0x1D000] =	vst v63  }
0xdb: {  	s24 =	smov.u32 s22;
	s21 =	smov.u32 s23;
	p1 =	sne.s32 s22, $0x1B0  }
.Ltmp24:
0xdc: {  	s22 =	sadd.s32 $0x10, s22;
	(pc) =	sbr.rel @p1 .LBB2_47-.Ltmp24, $2  }
0xdd: {  	_ =	sdelay $0x2  }
0xde: {  	s23 =	sadd.s32 $0x400, s23;
	s24 =	sadd.s32 s24, s20  }
0xdf: {  	[hbm4b:s24+s5] =	stream.linear.scatter [tilespmem:s21], [sflag:$0x1], $0x80, $0x38;
	[tilespmem:$0x1D000] =	vst v63  }
0xe0: {  	s20 =	sadd.s32 $0x2BDF30, s19;
	s21 =	simm.s32 $0xE380  }
0xe1: {  	s22 =	simm.s32 $0x10;
	s23 =	simm.s32 $0xE780;
	s24 =	sadd.s32 $0x0, s20  }
.LBB2_49:
0xe2: {  	[hbm4b:s24+s5] =	stream.linear.scatter [tilespmem:s21], [sflag:$0x1], $0x80, $0x38;
	[tilespmem:$0x1D000] =	vst v63  }
0xe3: {  	s24 =	smov.u32 s22;
	s21 =	smov.u32 s23;
	p1 =	sne.s32 s22, $0x1B0  }
.Ltmp25:
0xe4: {  	s22 =	sadd.s32 $0x10, s22;
	(pc) =	sbr.rel @p1 .LBB2_49-.Ltmp25, $2  }
0xe5: {  	_ =	sdelay $0x2  }
0xe6: {  	s23 =	sadd.s32 $0x400, s23;
	s24 =	sadd.s32 s24, s20  }
0xe7: {  	[hbm4b:s24+s5] =	stream.linear.scatter [tilespmem:s21], [sflag:$0x1], $0x80, $0x38;
	[tilespmem:$0x1D000] =	vst v63  }
0xe8: {  	s20 =	sadd.s32 $0x2DC780, s19;
	s21 =	simm.s32 $0x15000  }
0xe9: {  	s22 =	simm.s32 $0x10;
	s23 =	simm.s32 $0x15400;
	s24 =	sadd.s32 $0x0, s20  }
.LBB2_51:
0xea: {  	[hbm4b:s24+s5] =	stream.linear.scatter [tilespmem:s21], [sflag:$0x1], $0x80, $0x38;
	[tilespmem:$0x1D000] =	vst v63  }
0xeb: {  	s24 =	smov.u32 s22;
	s21 =	smov.u32 s23;
	p1 =	sne.s32 s22, $0x1B0  }
.Ltmp26:
0xec: {  	s22 =	sadd.s32 $0x10, s22;
	(pc) =	sbr.rel @p1 .LBB2_51-.Ltmp26, $2  }
0xed: {  	_ =	sdelay $0x2  }
0xee: {  	s23 =	sadd.s32 $0x400, s23;
	s24 =	sadd.s32 s24, s20  }
0xef: {  	[hbm4b:s24+s5] =	stream.linear.scatter [tilespmem:s21], [sflag:$0x1], $0x80, $0x38;
	[tilespmem:$0x1D000] =	vst v63  }
0xf0: {  	s20 =	sadd.s32 $0x2FAFD0, s19;
	s21 =	simm.s32 $0x15080  }
0xf1: {  	s22 =	simm.s32 $0x10;
	s23 =	simm.s32 $0x15480;
	s24 =	sadd.s32 $0x0, s20  }
.LBB2_53:
0xf2: {  	[hbm4b:s24+s5] =	stream.linear.scatter [tilespmem:s21], [sflag:$0x1], $0x80, $0x38;
	[tilespmem:$0x1D000] =	vst v63  }
0xf3: {  	s24 =	smov.u32 s22;
	s21 =	smov.u32 s23;
	p1 =	sne.s32 s22, $0x1B0  }
.Ltmp27:
0xf4: {  	s22 =	sadd.s32 $0x10, s22;
	(pc) =	sbr.rel @p1 .LBB2_53-.Ltmp27, $2  }
0xf5: {  	_ =	sdelay $0x2  }
0xf6: {  	s23 =	sadd.s32 $0x400, s23;
	s24 =	sadd.s32 s24, s20  }
0xf7: {  	[hbm4b:s24+s5] =	stream.linear.scatter [tilespmem:s21], [sflag:$0x1], $0x80, $0x38;
	[tilespmem:$0x1D000] =	vst v63  }
0xf8: {  	s20 =	sadd.s32 $0x319820, s19;
	s21 =	simm.s32 $0x15100  }
0xf9: {  	s22 =	simm.s32 $0x10;
	s23 =	simm.s32 $0x15500;
	s24 =	sadd.s32 $0x0, s20  }
.LBB2_55:
0xfa: {  	[hbm4b:s24+s5] =	stream.linear.scatter [tilespmem:s21], [sflag:$0x1], $0x80, $0x38;
	[tilespmem:$0x1D000] =	vst v63  }
0xfb: {  	s24 =	smov.u32 s22;
	s21 =	smov.u32 s23;
	p1 =	sne.s32 s22, $0x1B0  }
.Ltmp28:
0xfc: {  	s22 =	sadd.s32 $0x10, s22;
	(pc) =	sbr.rel @p1 .LBB2_55-.Ltmp28, $2  }
0xfd: {  	_ =	sdelay $0x2  }
0xfe: {  	s23 =	sadd.s32 $0x400, s23;
	s24 =	sadd.s32 s24, s20  }
0xff: {  	[hbm4b:s24+s5] =	stream.linear.scatter [tilespmem:s21], [sflag:$0x1], $0x80, $0x38;
	[tilespmem:$0x1D000] =	vst v63  }
0x100: {  	s20 =	sadd.s32 $0x338070, s19;
	s21 =	simm.s32 $0x15180  }
0x101: {  	s22 =	simm.s32 $0x10;
	s23 =	simm.s32 $0x15580;
	s24 =	sadd.s32 $0x0, s20  }
.LBB2_57:
0x102: {  	[hbm4b:s24+s5] =	stream.linear.scatter [tilespmem:s21], [sflag:$0x1], $0x80, $0x38;
	[tilespmem:$0x1D000] =	vst v63  }
0x103: {  	s24 =	smov.u32 s22;
	s21 =	smov.u32 s23;
	p1 =	sne.s32 s22, $0x1B0  }
.Ltmp29:
0x104: {  	s22 =	sadd.s32 $0x10, s22;
	(pc) =	sbr.rel @p1 .LBB2_57-.Ltmp29, $2  }
0x105: {  	_ =	sdelay $0x2  }
0x106: {  	s23 =	sadd.s32 $0x400, s23;
	s24 =	sadd.s32 s24, s20  }
0x107: {  	[hbm4b:s24+s5] =	stream.linear.scatter [tilespmem:s21], [sflag:$0x1], $0x80, $0x38;
	[tilespmem:$0x1D000] =	vst v63  }
0x108: {  	s20 =	sadd.s32 $0x3568C0, s19;
	s21 =	simm.s32 $0x15200  }
0x109: {  	s22 =	simm.s32 $0x10;
	s23 =	simm.s32 $0x15600;
	s24 =	sadd.s32 $0x0, s20  }
.LBB2_59:
0x10a: {  	[hbm4b:s24+s5] =	stream.linear.scatter [tilespmem:s21], [sflag:$0x1], $0x80, $0x38;
	[tilespmem:$0x1D000] =	vst v63  }
0x10b: {  	s24 =	smov.u32 s22;
	s21 =	smov.u32 s23;
	p1 =	sne.s32 s22, $0x1B0  }
.Ltmp30:
0x10c: {  	s22 =	sadd.s32 $0x10, s22;
	(pc) =	sbr.rel @p1 .LBB2_59-.Ltmp30, $2  }
0x10d: {  	_ =	sdelay $0x2  }
0x10e: {  	s23 =	sadd.s32 $0x400, s23;
	s24 =	sadd.s32 s24, s20  }
0x10f: {  	[hbm4b:s24+s5] =	stream.linear.scatter [tilespmem:s21], [sflag:$0x1], $0x80, $0x38;
	[tilespmem:$0x1D000] =	vst v63  }
0x110: {  	s20 =	sadd.s32 $0x375110, s19;
	s21 =	simm.s32 $0x15280  }
0x111: {  	s22 =	simm.s32 $0x10;
	s23 =	simm.s32 $0x15680;
	s24 =	sadd.s32 $0x0, s20  }
.LBB2_61:
0x112: {  	[hbm4b:s24+s5] =	stream.linear.scatter [tilespmem:s21], [sflag:$0x1], $0x80, $0x38;
	[tilespmem:$0x1D000] =	vst v63  }
0x113: {  	s24 =	smov.u32 s22;
	s21 =	smov.u32 s23;
	p1 =	sne.s32 s22, $0x1B0  }
.Ltmp31:
0x114: {  	s22 =	sadd.s32 $0x10, s22;
	(pc) =	sbr.rel @p1 .LBB2_61-.Ltmp31, $2  }
0x115: {  	_ =	sdelay $0x2  }
0x116: {  	s23 =	sadd.s32 $0x400, s23;
	s24 =	sadd.s32 s24, s20  }
0x117: {  	[hbm4b:s24+s5] =	stream.linear.scatter [tilespmem:s21], [sflag:$0x1], $0x80, $0x38;
	[tilespmem:$0x1D000] =	vst v63  }
0x118: {  	s20 =	sadd.s32 $0x393960, s19;
	s21 =	simm.s32 $0x15300  }
0x119: {  	s22 =	simm.s32 $0x10;
	s23 =	simm.s32 $0x15700;
	s24 =	sadd.s32 $0x0, s20  }
.LBB2_63:
0x11a: {  	[hbm4b:s24+s5] =	stream.linear.scatter [tilespmem:s21], [sflag:$0x1], $0x80, $0x38;
	[tilespmem:$0x1D000] =	vst v63  }
0x11b: {  	s24 =	smov.u32 s22;
	s21 =	smov.u32 s23;
	p1 =	sne.s32 s22, $0x1B0  }
.Ltmp32:
0x11c: {  	s22 =	sadd.s32 $0x10, s22;
	(pc) =	sbr.rel @p1 .LBB2_63-.Ltmp32, $2  }
0x11d: {  	_ =	sdelay $0x2  }
0x11e: {  	s23 =	sadd.s32 $0x400, s23;
	s24 =	sadd.s32 s24, s20  }
0x11f: {  	[hbm4b:s24+s5] =	stream.linear.scatter [tilespmem:s21], [sflag:$0x1], $0x80, $0x38;
	[tilespmem:$0x1D000] =	vst v63  }
0x120: {  	s19 =	sadd.s32 $0x3B21B0, s19;
	s20 =	simm.s32 $0x15380  }
0x121: {  	s21 =	simm.s32 $0x10;
	s22 =	simm.s32 $0x15780;
	s23 =	sadd.s32 $0x0, s19  }
.LBB2_65:
0x122: {  	[hbm4b:s23+s5] =	stream.linear.scatter [tilespmem:s20], [sflag:$0x1], $0x80, $0x38;
	[tilespmem:$0x1D000] =	vst v63  }
0x123: {  	s23 =	smov.u32 s21;
	s20 =	smov.u32 s22;
	p1 =	sne.s32 s21, $0x1B0  }
.Ltmp33:
0x124: {  	s21 =	sadd.s32 $0x10, s21;
	(pc) =	sbr.rel @p1 .LBB2_65-.Ltmp33, $2  }
0x125: {  	_ =	sdelay $0x2  }
0x126: {  	s22 =	sadd.s32 $0x400, s22;
	s23 =	sadd.s32 s23, s19  }
0x127: {  	[hbm4b:s23+s5] =	stream.linear.scatter [tilespmem:s20], [sflag:$0x1], $0x80, $0x38;
	[tilespmem:$0x1D000] =	vst v63  }
0x128: {  	_ =	swait.ge [sflag:s16], $0xE00  }
0x129: {  	[sflag:s16] =	ssyncset.done $0x0  }
0x12a: {  	[sflag:s16] =	ssyncadd.s32 $0xFFFFF200  }
0x12b: {  	_ =	swait.ge [sflag:s16], $0xE00  }
0x12c: {  	[sflag:s16] =	ssyncset.done $0x0  }
0x12d: {  	[sflag:s16] =	ssyncadd.s32 $0xFFFFF200  }
0x12e: {  	_ =	swait.ge [sflag:s16], $0xE00  }
0x12f: {  	[sflag:s16] =	ssyncset.done $0x0  }
0x130: {  	[sflag:s16] =	ssyncadd.s32 $0xFFFFF200  }
0x131: {  	_ =	swait.ge [sflag:s16], $0xE00  }
0x132: {  	[sflag:s16] =	ssyncset.done $0x0  }
0x133: {  	[sflag:s16] =	ssyncadd.s32 $0xFFFFF200  }
0x134: {  	_ =	swait.ge [sflag:s16], $0xE00  }
0x135: {  	[sflag:s16] =	ssyncset.done $0x0  }
0x136: {  	[sflag:s16] =	ssyncadd.s32 $0xFFFFF200  }
0x137: {  	_ =	swait.ge [sflag:s16], $0xE00  }
0x138: {  	[sflag:s16] =	ssyncset.done $0x0  }
0x139: {  	[sflag:s16] =	ssyncadd.s32 $0xFFFFF200  }
0x13a: {  	_ =	swait.ge [sflag:s16], $0xE00  }
0x13b: {  	[sflag:s16] =	ssyncset.done $0x0  }
0x13c: {  	[sflag:s16] =	ssyncadd.s32 $0xFFFFF200  }
0x13d: {  	_ =	swait.ge [sflag:s16], $0xE00  }
0x13e: {  	[sflag:s16] =	ssyncset.done $0x0  }
0x13f: {  	[sflag:s16] =	ssyncadd.s32 $0xFFFFF200  }
0x140: {  	_ =	swait.ge [sflag:s16], $0xE00  }
0x141: {  	[sflag:s16] =	ssyncset.done $0x0  }
0x142: {  	[sflag:s16] =	ssyncadd.s32 $0xFFFFF200  }
0x143: {  	_ =	swait.ge [sflag:s16], $0xE00  }
0x144: {  	[sflag:s16] =	ssyncset.done $0x0  }
0x145: {  	[sflag:s16] =	ssyncadd.s32 $0xFFFFF200  }
0x146: {  	_ =	swait.ge [sflag:s16], $0xE00  }
0x147: {  	[sflag:s16] =	ssyncset.done $0x0  }
0x148: {  	[sflag:s16] =	ssyncadd.s32 $0xFFFFF200  }
0x149: {  	_ =	swait.ge [sflag:s16], $0xE00  }
0x14a: {  	[sflag:s16] =	ssyncset.done $0x0  }
0x14b: {  	[sflag:s16] =	ssyncadd.s32 $0xFFFFF200  }
0x14c: {  	_ =	swait.ge [sflag:s16], $0xE00  }
0x14d: {  	[sflag:s16] =	ssyncset.done $0x0  }
0x14e: {  	[sflag:s16] =	ssyncadd.s32 $0xFFFFF200  }
0x14f: {  	_ =	swait.ge [sflag:s16], $0xE00  }
0x150: {  	[sflag:s16] =	ssyncset.done $0x0  }
0x151: {  	[sflag:s16] =	ssyncadd.s32 $0xFFFFF200  }
0x152: {  	_ =	swait.ge [sflag:s16], $0xE00  }
0x153: {  	[sflag:s16] =	ssyncset.done $0x0  }
0x154: {  	[sflag:s16] =	ssyncadd.s32 $0xFFFFF200  }
0x155: {  	_ =	swait.ge [sflag:s16], $0xE00  }
0x156: {  	[sflag:s16] =	ssyncset.done $0x0  }
0x157: {  	[sflag:s16] =	ssyncadd.s32 $0xFFFFF200  }
0x158: {  	_ =	swait.ge [sflag:s16], $0xE00  }
0x159: {  	[sflag:s16] =	ssyncset.done $0x0  }
0x15a: {  	[sflag:s16] =	ssyncadd.s32 $0xFFFFF200  }
0x15b: {  	_ =	swait.ge [sflag:s16], $0xE00  }
0x15c: {  	[sflag:s16] =	ssyncset.done $0x0  }
0x15d: {  	[sflag:s16] =	ssyncadd.s32 $0xFFFFF200  }
0x15e: {  	_ =	swait.ge [sflag:s16], $0xE00  }
0x15f: {  	[sflag:s16] =	ssyncset.done $0x0  }
0x160: {  	[sflag:s16] =	ssyncadd.s32 $0xFFFFF200  }
0x161: {  	_ =	swait.ge [sflag:s16], $0xE00  }
0x162: {  	[sflag:s16] =	ssyncset.done $0x0  }
0x163: {  	[sflag:s16] =	ssyncadd.s32 $0xFFFFF200  }
0x164: {  	_ =	swait.ge [sflag:s16], $0xE00  }
0x165: {  	[sflag:s16] =	ssyncset.done $0x0  }
0x166: {  	[sflag:s16] =	ssyncadd.s32 $0xFFFFF200  }
0x167: {  	_ =	swait.ge [sflag:s16], $0xE00  }
0x168: {  	[sflag:s16] =	ssyncset.done $0x0  }
0x169: {  	[sflag:s16] =	ssyncadd.s32 $0xFFFFF200  }
0x16a: {  	_ =	swait.ge [sflag:s16], $0xE00  }
0x16b: {  	[sflag:s16] =	ssyncset.done $0x0  }
0x16c: {  	[sflag:s16] =	ssyncadd.s32 $0xFFFFF200  }
0x16d: {  	_ =	swait.ge [sflag:s16], $0xE00  }
0x16e: {  	[sflag:s16] =	ssyncset.done $0x0  }
0x16f: {  	[sflag:s16] =	ssyncadd.s32 $0xFFFFF200  }
0x170: {  	_ =	swait.ge [sflag:s16], $0xE00  }
0x171: {  	[sflag:s16] =	ssyncset.done $0x0  }
0x172: {  	[sflag:s16] =	ssyncadd.s32 $0xFFFFF200  }
0x173: {  	_ =	swait.ge [sflag:s16], $0xE00  }
0x174: {  	[sflag:s16] =	ssyncset.done $0x0  }
0x175: {  	[sflag:s16] =	ssyncadd.s32 $0xFFFFF200  }
0x176: {  	_ =	swait.ge [sflag:s16], $0xE00  }
0x177: {  	[sflag:s16] =	ssyncset.done $0x0  }
0x178: {  	[sflag:s16] =	ssyncadd.s32 $0xFFFFF200  }
0x179: {  	_ =	swait.ge [sflag:s16], $0xE00  }
0x17a: {  	[sflag:s16] =	ssyncset.done $0x0  }
0x17b: {  	[sflag:s16] =	ssyncadd.s32 $0xFFFFF200  }
0x17c: {  	_ =	swait.ge [sflag:s16], $0xE00  }
0x17d: {  	[sflag:s16] =	ssyncset.done $0x0  }
0x17e: {  	[sflag:s16] =	ssyncadd.s32 $0xFFFFF200  }
0x17f: {  	_ =	swait.ge [sflag:s16], $0xE00  }
0x180: {  	[sflag:s16] =	ssyncset.done $0x0  }
0x181: {  	s18 =	sadd.s32 $0x1, s18;
	[sflag:s16] =	ssyncadd.s32 $0xFFFFF200  }
0x182: {  	p1 =	sne.s32 s18, $0x9;
	_ =	swait.ge [sflag:s16], $0xE00  }
.Ltmp34:
0x183: {  	[sflag:s16] =	ssyncset.done $0x0;
	(pc) =	sbr.rel @p1 .LBB2_2-.Ltmp34, $4  }
0x184: {  	[sflag:s16] =	ssyncadd.s32 $0xFFFFF200  }
0x185: {  	_ =	swait.ge [sflag:s16], $0xE00  }
0x186: {  	[sflag:s16] =	ssyncset.done $0x0  }
0x187: {  	[sflag:s16] =	ssyncadd.s32 $0xFFFFF200  }
.Ltmp35:
0x188: {  	(pc) =	sbr.rel @p0 .LBB2_69-.Ltmp35, $1  }
0x189: {  	_ =	sdelay $0x3  }
0x18a: {  	s18 =	rddreg [dreg:$0x1];
	s19 =	simm.s32 $0x1C000  }
0x18b: {  	[tilespmem:s19], [sflag:$0x2] =	stream.linear.gather [hbm4b:s18+s5], $0x1000, $0x38;
	[tilespmem:$0x1D000] =	vst v63  }
0x18c: {  	_ =	swait.ge [sflag:s15], $0x1000  }
0x18d: {  	[sflag:s15] =	ssyncset.done $0x0  }
0x18e: {  	s22 =	rddreg [dreg:$0x4];
	[sflag:s15] =	ssyncadd.s32 $0xFFFFF000  }
0x18f: {  	[hbm4b:s22+s5] =	stream.linear.scatter [tilespmem:s19], [sflag:$0x1], $0x80, $0x38;
	[tilespmem:$0x1D000] =	vst v63  }
0x190: {  	s24 =	simm.s32 $0x1C080;
	s23 =	rddreg [dreg:$0x5]  }
0x191: {  	[hbm4b:s23+s5] =	stream.linear.scatter [tilespmem:s24], [sflag:$0x1], $0x80, $0x38;
	[tilespmem:$0x1D000] =	vst v63  }
0x192: {  	s20 =	simm.s32 $0x1C100;
	s19 =	rddreg [dreg:$0x6]  }
0x193: {  	[hbm4b:s19+s5] =	stream.linear.scatter [tilespmem:s20], [sflag:$0x1], $0x80, $0x38;
	[tilespmem:$0x1D000] =	vst v63  }
0x194: {  	s21 =	rddreg [dreg:$0x7];
	s22 =	simm.s32 $0x1C180  }
0x195: {  	[hbm4b:s21+s5] =	stream.linear.scatter [tilespmem:s22], [sflag:$0x1], $0x80, $0x38;
	[tilespmem:$0x1D000] =	vst v63  }
0x196: {  	s23 =	rddreg [dreg:$0x8];
	s24 =	simm.s32 $0x1C200  }
0x197: {  	[hbm4b:s23+s5] =	stream.linear.scatter [tilespmem:s24], [sflag:$0x1], $0x80, $0x38;
	[tilespmem:$0x1D000] =	vst v63  }
0x198: {  	s20 =	rddreg [dreg:$0x9];
	s21 =	simm.s32 $0x1C280  }
0x199: {  	[hbm4b:s20+s5] =	stream.linear.scatter [tilespmem:s21], [sflag:$0x1], $0x80, $0x38;
	[tilespmem:$0x1D000] =	vst v63  }
0x19a: {  	s22 =	rddreg [dreg:$0x14];
	s23 =	simm.s32 $0x1C300  }
0x19b: {  	[hbm4b:s22+s5] =	stream.linear.scatter [tilespmem:s23], [sflag:$0x1], $0x80, $0x38;
	[tilespmem:$0x1D000] =	vst v63  }
0x19c: {  	s24 =	simm.s32 $0x1C380  }
0x19d: {  	[hbm4b:s11+s5] =	stream.linear.scatter [tilespmem:s24], [sflag:$0x1], $0x80, $0x38;
	[tilespmem:$0x1D000] =	vst v63  }
0x19e: {  	s19 =	rddreg [dreg:$0xa];
	s20 =	simm.s32 $0x1C400  }
0x19f: {  	[hbm4b:s19+s5] =	stream.linear.scatter [tilespmem:s20], [sflag:$0x1], $0x80, $0x38;
	[tilespmem:$0x1D000] =	vst v63  }
0x1a0: {  	s21 =	rddreg [dreg:$0xb];
	s22 =	simm.s32 $0x1C480  }
0x1a1: {  	[hbm4b:s21+s5] =	stream.linear.scatter [tilespmem:s22], [sflag:$0x1], $0x80, $0x38;
	[tilespmem:$0x1D000] =	vst v63  }
0x1a2: {  	s23 =	rddreg [dreg:$0xc];
	s24 =	simm.s32 $0x1C500  }
0x1a3: {  	[hbm4b:s23+s5] =	stream.linear.scatter [tilespmem:s24], [sflag:$0x1], $0x80, $0x38;
	[tilespmem:$0x1D000] =	vst v63  }
0x1a4: {  	s19 =	rddreg [dreg:$0xd];
	s20 =	simm.s32 $0x1C580  }
0x1a5: {  	[hbm4b:s19+s5] =	stream.linear.scatter [tilespmem:s20], [sflag:$0x1], $0x80, $0x38;
	[tilespmem:$0x1D000] =	vst v63  }
0x1a6: {  	s21 =	rddreg [dreg:$0xe];
	s22 =	simm.s32 $0x1C600  }
0x1a7: {  	[hbm4b:s21+s5] =	stream.linear.scatter [tilespmem:s22], [sflag:$0x1], $0x80, $0x38;
	[tilespmem:$0x1D000] =	vst v63  }
0x1a8: {  	s23 =	rddreg [dreg:$0xf];
	s24 =	simm.s32 $0x1C680  }
0x1a9: {  	[hbm4b:s23+s5] =	stream.linear.scatter [tilespmem:s24], [sflag:$0x1], $0x80, $0x38;
	[tilespmem:$0x1D000] =	vst v63  }
0x1aa: {  	s19 =	rddreg [dreg:$0x10];
	s20 =	simm.s32 $0x1C700  }
0x1ab: {  	[hbm4b:s19+s5] =	stream.linear.scatter [tilespmem:s20], [sflag:$0x1], $0x80, $0x38;
	[tilespmem:$0x1D000] =	vst v63  }
0x1ac: {  	s21 =	rddreg [dreg:$0x11];
	s22 =	simm.s32 $0x1C780  }
0x1ad: {  	[hbm4b:s21+s5] =	stream.linear.scatter [tilespmem:s22], [sflag:$0x1], $0x80, $0x38;
	[tilespmem:$0x1D000] =	vst v63  }
0x1ae: {  	s23 =	rddreg [dreg:$0x12];
	s24 =	simm.s32 $0x1C800  }
0x1af: {  	[hbm4b:s23+s5] =	stream.linear.scatter [tilespmem:s24], [sflag:$0x1], $0x80, $0x38;
	[tilespmem:$0x1D000] =	vst v63  }
0x1b0: {  	s20 =	rddreg [dreg:$0x13];
	s21 =	simm.s32 $0x1C880  }
0x1b1: {  	[hbm4b:s20+s5] =	stream.linear.scatter [tilespmem:s21], [sflag:$0x1], $0x80, $0x38;
	[tilespmem:$0x1D000] =	vst v63  }
0x1b2: {  	s22 =	rddreg [dreg:$0x15];
	s23 =	simm.s32 $0x1C900  }
0x1b3: {  	[hbm4b:s22+s5] =	stream.linear.scatter [tilespmem:s23], [sflag:$0x1], $0x80, $0x38;
	[tilespmem:$0x1D000] =	vst v63  }
0x1b4: {  	s24 =	simm.s32 $0x1C980  }
0x1b5: {  	[hbm4b:s25+s5] =	stream.linear.scatter [tilespmem:s24], [sflag:$0x1], $0x80, $0x38;
	[tilespmem:$0x1D000] =	vst v63  }
0x1b6: {  	s19 =	simm.s32 $0x1CA00  }
0x1b7: {  	[hbm4b:s26+s5] =	stream.linear.scatter [tilespmem:s19], [sflag:$0x1], $0x80, $0x38;
	[tilespmem:$0x1D000] =	vst v63  }
0x1b8: {  	s20 =	simm.s32 $0x1CA80  }
0x1b9: {  	[hbm4b:s28+s5] =	stream.linear.scatter [tilespmem:s20], [sflag:$0x1], $0x80, $0x38;
	[tilespmem:$0x1D000] =	vst v63  }
0x1ba: {  	s21 =	simm.s32 $0x1CB00  }
0x1bb: {  	[hbm4b:s29+s5] =	stream.linear.scatter [tilespmem:s21], [sflag:$0x1], $0x80, $0x38;
	[tilespmem:$0x1D000] =	vst v63  }
0x1bc: {  	s22 =	simm.s32 $0x1CB80  }
0x1bd: {  	[hbm4b:s30+s5] =	stream.linear.scatter [tilespmem:s22], [sflag:$0x1], $0x80, $0x38;
	[tilespmem:$0x1D000] =	vst v63  }
0x1be: {  	s23 =	simm.s32 $0x1CC00  }
0x1bf: {  	[hbm4b:s31+s5] =	stream.linear.scatter [tilespmem:s23], [sflag:$0x1], $0x80, $0x38;
	[tilespmem:$0x1D000] =	vst v63  }
0x1c0: {  	s24 =	simm.s32 $0x1CC80  }
0x1c1: {  	[hbm4b:s0+s5] =	stream.linear.scatter [tilespmem:s24], [sflag:$0x1], $0x80, $0x38;
	[tilespmem:$0x1D000] =	vst v63  }
0x1c2: {  	s19 =	simm.s32 $0x1CD00  }
0x1c3: {  	[hbm4b:s2+s5] =	stream.linear.scatter [tilespmem:s19], [sflag:$0x1], $0x80, $0x38;
	[tilespmem:$0x1D000] =	vst v63  }
0x1c4: {  	s20 =	simm.s32 $0x1CD80  }
0x1c5: {  	[hbm4b:s3+s5] =	stream.linear.scatter [tilespmem:s20], [sflag:$0x1], $0x80, $0x38;
	[tilespmem:$0x1D000] =	vst v63  }
0x1c6: {  	s21 =	simm.s32 $0x1CE00  }
0x1c7: {  	[hbm4b:s7+s5] =	stream.linear.scatter [tilespmem:s21], [sflag:$0x1], $0x80, $0x38;
	[tilespmem:$0x1D000] =	vst v63  }
0x1c8: {  	s22 =	simm.s32 $0x1CE80  }
0x1c9: {  	[hbm4b:s9+s5] =	stream.linear.scatter [tilespmem:s22], [sflag:$0x1], $0x80, $0x38;
	[tilespmem:$0x1D000] =	vst v63  }
0x1ca: {  	s23 =	simm.s32 $0x1CF00  }
0x1cb: {  	[hbm4b:s10+s5] =	stream.linear.scatter [tilespmem:s23], [sflag:$0x1], $0x80, $0x38;
	[tilespmem:$0x1D000] =	vst v63  }
0x1cc: {  	s24 =	simm.s32 $0x1CF80  }
0x1cd: {  	[hbm4b:s12+s5] =	stream.linear.scatter [tilespmem:s24], [sflag:$0x1], $0x80, $0x38;
	[tilespmem:$0x1D000] =	vst v63  }
0x1ce: {  	_ =	swait.ge [sflag:s16], $0x80  }
0x1cf: {  	[sflag:s16] =	ssyncset.done $0x0  }
0x1d0: {  	[sflag:s16] =	ssyncadd.s32 $0xFFFFFF80  }
0x1d1: {  	_ =	swait.ge [sflag:s16], $0x80  }
0x1d2: {  	[sflag:s16] =	ssyncset.done $0x0  }
0x1d3: {  	[sflag:s16] =	ssyncadd.s32 $0xFFFFFF80  }
0x1d4: {  	_ =	swait.ge [sflag:s16], $0x80  }
0x1d5: {  	[sflag:s16] =	ssyncset.done $0x0  }
0x1d6: {  	[sflag:s16] =	ssyncadd.s32 $0xFFFFFF80  }
0x1d7: {  	_ =	swait.ge [sflag:s16], $0x80  }
0x1d8: {  	[sflag:s16] =	ssyncset.done $0x0  }
0x1d9: {  	[sflag:s16] =	ssyncadd.s32 $0xFFFFFF80  }
0x1da: {  	_ =	swait.ge [sflag:s16], $0x80  }
0x1db: {  	[sflag:s16] =	ssyncset.done $0x0  }
0x1dc: {  	[sflag:s16] =	ssyncadd.s32 $0xFFFFFF80  }
0x1dd: {  	_ =	swait.ge [sflag:s16], $0x80  }
0x1de: {  	[sflag:s16] =	ssyncset.done $0x0  }
0x1df: {  	[sflag:s16] =	ssyncadd.s32 $0xFFFFFF80  }
0x1e0: {  	_ =	swait.ge [sflag:s16], $0x80  }
0x1e1: {  	[sflag:s16] =	ssyncset.done $0x0  }
0x1e2: {  	[sflag:s16] =	ssyncadd.s32 $0xFFFFFF80  }
0x1e3: {  	_ =	swait.ge [sflag:s16], $0x80  }
0x1e4: {  	[sflag:s16] =	ssyncset.done $0x0  }
0x1e5: {  	[sflag:s16] =	ssyncadd.s32 $0xFFFFFF80  }
0x1e6: {  	_ =	swait.ge [sflag:s16], $0x80  }
0x1e7: {  	[sflag:s16] =	ssyncset.done $0x0  }
0x1e8: {  	[sflag:s16] =	ssyncadd.s32 $0xFFFFFF80  }
0x1e9: {  	_ =	swait.ge [sflag:s16], $0x80  }
0x1ea: {  	[sflag:s16] =	ssyncset.done $0x0  }
0x1eb: {  	[sflag:s16] =	ssyncadd.s32 $0xFFFFFF80  }
0x1ec: {  	_ =	swait.ge [sflag:s16], $0x80  }
0x1ed: {  	[sflag:s16] =	ssyncset.done $0x0  }
0x1ee: {  	[sflag:s16] =	ssyncadd.s32 $0xFFFFFF80  }
0x1ef: {  	_ =	swait.ge [sflag:s16], $0x80  }
0x1f0: {  	[sflag:s16] =	ssyncset.done $0x0  }
0x1f1: {  	[sflag:s16] =	ssyncadd.s32 $0xFFFFFF80  }
0x1f2: {  	_ =	swait.ge [sflag:s16], $0x80  }
0x1f3: {  	[sflag:s16] =	ssyncset.done $0x0  }
0x1f4: {  	[sflag:s16] =	ssyncadd.s32 $0xFFFFFF80  }
0x1f5: {  	_ =	swait.ge [sflag:s16], $0x80  }
0x1f6: {  	[sflag:s16] =	ssyncset.done $0x0  }
0x1f7: {  	[sflag:s16] =	ssyncadd.s32 $0xFFFFFF80  }
0x1f8: {  	_ =	swait.ge [sflag:s16], $0x80  }
0x1f9: {  	[sflag:s16] =	ssyncset.done $0x0  }
0x1fa: {  	[sflag:s16] =	ssyncadd.s32 $0xFFFFFF80  }
0x1fb: {  	_ =	swait.ge [sflag:s16], $0x80  }
0x1fc: {  	[sflag:s16] =	ssyncset.done $0x0  }
0x1fd: {  	[sflag:s16] =	ssyncadd.s32 $0xFFFFFF80  }
0x1fe: {  	_ =	swait.ge [sflag:s16], $0x80  }
0x1ff: {  	[sflag:s16] =	ssyncset.done $0x0  }
0x200: {  	[sflag:s16] =	ssyncadd.s32 $0xFFFFFF80  }
0x201: {  	_ =	swait.ge [sflag:s16], $0x80  }
0x202: {  	[sflag:s16] =	ssyncset.done $0x0  }
0x203: {  	[sflag:s16] =	ssyncadd.s32 $0xFFFFFF80  }
0x204: {  	_ =	swait.ge [sflag:s16], $0x80  }
0x205: {  	[sflag:s16] =	ssyncset.done $0x0  }
0x206: {  	[sflag:s16] =	ssyncadd.s32 $0xFFFFFF80  }
0x207: {  	_ =	swait.ge [sflag:s16], $0x80  }
0x208: {  	[sflag:s16] =	ssyncset.done $0x0  }
0x209: {  	[sflag:s16] =	ssyncadd.s32 $0xFFFFFF80  }
0x20a: {  	_ =	swait.ge [sflag:s16], $0x80  }
0x20b: {  	[sflag:s16] =	ssyncset.done $0x0  }
0x20c: {  	[sflag:s16] =	ssyncadd.s32 $0xFFFFFF80  }
0x20d: {  	_ =	swait.ge [sflag:s16], $0x80  }
0x20e: {  	[sflag:s16] =	ssyncset.done $0x0  }
0x20f: {  	[sflag:s16] =	ssyncadd.s32 $0xFFFFFF80  }
0x210: {  	_ =	swait.ge [sflag:s16], $0x80  }
0x211: {  	[sflag:s16] =	ssyncset.done $0x0  }
0x212: {  	[sflag:s16] =	ssyncadd.s32 $0xFFFFFF80  }
0x213: {  	_ =	swait.ge [sflag:s16], $0x80  }
0x214: {  	[sflag:s16] =	ssyncset.done $0x0  }
0x215: {  	[sflag:s16] =	ssyncadd.s32 $0xFFFFFF80  }
0x216: {  	_ =	swait.ge [sflag:s16], $0x80  }
0x217: {  	[sflag:s16] =	ssyncset.done $0x0  }
0x218: {  	[sflag:s16] =	ssyncadd.s32 $0xFFFFFF80  }
0x219: {  	_ =	swait.ge [sflag:s16], $0x80  }
0x21a: {  	[sflag:s16] =	ssyncset.done $0x0  }
0x21b: {  	[sflag:s16] =	ssyncadd.s32 $0xFFFFFF80  }
0x21c: {  	_ =	swait.ge [sflag:s16], $0x80  }
0x21d: {  	[sflag:s16] =	ssyncset.done $0x0  }
0x21e: {  	[sflag:s16] =	ssyncadd.s32 $0xFFFFFF80  }
0x21f: {  	_ =	swait.ge [sflag:s16], $0x80  }
0x220: {  	[sflag:s16] =	ssyncset.done $0x0  }
0x221: {  	[sflag:s16] =	ssyncadd.s32 $0xFFFFFF80  }
0x222: {  	_ =	swait.ge [sflag:s16], $0x80  }
0x223: {  	[sflag:s16] =	ssyncset.done $0x0  }
0x224: {  	[sflag:s16] =	ssyncadd.s32 $0xFFFFFF80  }
0x225: {  	_ =	swait.ge [sflag:s16], $0x80  }
0x226: {  	[sflag:s16] =	ssyncset.done $0x0  }
0x227: {  	[sflag:s16] =	ssyncadd.s32 $0xFFFFFF80  }
0x228: {  	_ =	swait.ge [sflag:s16], $0x80  }
.Ltmp36:
0x229: {  	[sflag:s16] =	ssyncset.done $0x0;
	(pc) =	sbr.rel .LBB2_69-.Ltmp36, $4  }
0x22a: {  	[sflag:s16] =	ssyncadd.s32 $0xFFFFFF80  }
0x22b: {  	_ =	swait.ge [sflag:s16], $0x80  }
0x22c: {  	[sflag:s16] =	ssyncset.done $0x0  }
0x22d: {  	[sflag:s16] =	ssyncadd.s32 $0xFFFFFF80  }
.LBB2_70:
0x22e: {  	_ =	sfence.sel $0x180000  }
0x22f: {  	[bflag:$0x0] =	sbarrier.arrive $0xFFFF  }
0x230: {  	_ =	strace $0x90000047  }
0x231: {  	s0 =	stileid.u32;
	[bflag:$0x2] =	sbarrier.arrive $0xFFFF  }
0x232: {  	p0 =	sne.s32 s0, $0x0;
	s0 =	rddreg [dreg:$0x3]  }
0x233: {  	s0 =	sadd.s32 @!p0 $0x100000, s0  }
0x234: {  	[sflag:s0] =	ssyncadd.tile.s32 @!p0 $0x1;
	_ =	shalt  }
.Lfunc_end2:
_tile_overlayer_lowered:
.L_overlay_start_2:
0x235: {  	(tag) =	ssettag $0x2  }
0x236: {  	s0 =	rddreg [dreg:$0x0];
	s2 =	stileid.u32  }
0x237: {  	s1 =	rddreg [dreg:$0x1];
	p0 =	sne.s32 s2, $0x0  }
0x238: {  	s3 =	rddreg [dreg:$0x2];
	[bflag:$0x3] =	sbarrier.arrive $0xFFFF;
	s2 =	simm.s32 @!p0 $0x1C02  }
0x239: {  	[timem:s3], [sflag:s2] =	dma.local @!p0 [hbm:s0], s1  }
0x23a: {  	s0 =	simm.s32 @!p0 $0x2  }
0x23b: {  	_ =	swait.ge @!p0 [sflag:s0], s1  }
0x23c: {  	s1 =	ssub.s32 @!p0 $0x0, s1;
	[sflag:s0] =	ssyncset.done @!p0 $0x0  }
0x23d: {  	[sflag:s0] =	ssyncadd.s32 @!p0 s1  }
0x23e: {  	[bflag:$0x3] =	sbarrier.arrive $0xFFFF  }
0x23f: {  	_ =	shalt  }

</sc_bundles>
